<compile_context>
chip_gen: v7x
topology: tpu7x:2x2x1
jax: 0.10.2.dev20260603
libtpu: 0.0.44.dev20260713+nightly
codegen_flags: <defaults>
</compile_context>

<pallas_src>
import functools

import jax
import jax.numpy as jnp
from jax import lax
from jax.experimental import pallas as pl
from jax.experimental.pallas import tpu as pltpu
from jax.experimental.pallas import tpu_sc as plsc

N = 10000
E = 160000
D_IN = 256
D_HID = 256
D_OUT = 128
BW = 128

EPT = 5000
CH = 96
NCH = 52
TCH = EPT - CH * NCH


def _make_mesh():
    return plsc.VectorSubcoreMesh(
        core_axis_name="c", subcore_axis_name="s", num_cores=2, num_subcores=16
    )


def _over_my_rows(sid, fn):
    @pl.when(sid < 15)
    def _():
        fn(pl.multiple_of(sid * 632, 8), 632)

    @pl.when(sid == 15)
    def _():
        fn(15 * 632, N - 15 * 632)


@functools.cache
def _make_deg_kernel():
    @functools.partial(
        pl.kernel,
        out_type=jax.ShapeDtypeStruct((2, N), jnp.float32),
        mesh=_make_mesh(),
        scratch_types=[
            pltpu.VMEM((NCH, CH), jnp.int32),
            pltpu.VMEM((1, TCH), jnp.int32),
            pltpu.VMEM(((CH + 15) // 16 * 16,), jnp.float32),
            pltpu.VMEM_SHARED((N,), jnp.float32),
        ],
    )
    def deg_kernel(dstr, dstt, zeros_n, out, dstb, dstbt, ones_u, deg_sh):
        cid = lax.axis_index("c")
        sid = lax.axis_index("s")
        pltpu.sync_copy(dstr.at[cid, sid], dstb)
        pltpu.sync_copy(dstt.at[cid, sid], dstbt)
        for off in range(0, CH, 16):
            ones_u[pl.ds(off, 16)] = jnp.full((16,), 1.0, jnp.float32)

        @pl.when(sid == 0)
        def _():
            pltpu.sync_copy(zeros_n, deg_sh)

        plsc.subcore_barrier()

        def body(j, carry):
            pltpu.sync_copy(ones_u.at[pl.ds(0, CH)], deg_sh.at[dstb.at[j]],
                            add=True)
            return carry

        lax.fori_loop(0, NCH, body, 0)
        pltpu.sync_copy(ones_u.at[pl.ds(0, TCH)], deg_sh.at[dstbt.at[0]],
                        add=True)
        plsc.subcore_barrier()

        @pl.when(sid == 0)
        def _():
            pltpu.sync_copy(deg_sh, out.at[cid])

    return deg_kernel


@functools.cache
def _make_edge_sum():
    @functools.partial(
        pl.kernel,
        out_type=jax.ShapeDtypeStruct((2, N, BW), jnp.float32),
        mesh=_make_mesh(),
        scratch_types=[
            pltpu.VMEM((5008,), jnp.int32),
            pltpu.VMEM((NCH, CH), jnp.int32),
            pltpu.VMEM((1, TCH), jnp.int32),
            pltpu.VMEM((16,), jnp.int32),
            pltpu.VMEM((CH, BW), jnp.float32),
            pltpu.VMEM((CH, BW), jnp.float32),
            pltpu.VMEM((CH, BW), jnp.float32),
            pltpu.VMEM_SHARED((N, BW), jnp.float32),
            pltpu.SemaphoreType.DMA,
            pltpu.SemaphoreType.DMA,
            pltpu.SemaphoreType.DMA,
        ],
    )
    def edge_sum(hflat, zer, srcr, dstr, dstt, qb, out,
                 srcb, dstb, dstbt, qv, g0, g1, g2, s_sh,
                 sem0, sem1, sem2):
        cid = lax.axis_index("c")
        sid = lax.axis_index("s")
        pltpu.sync_copy(srcr.at[cid, sid], srcb)
        pltpu.sync_copy(dstr.at[cid, sid], dstb)
        pltpu.sync_copy(dstt.at[cid, sid], dstbt)
        pltpu.sync_copy(qb, qv)
        _over_my_rows(sid, lambda off, size: pltpu.sync_copy(
            zer.at[pl.ds(0, size)], s_sh.at[pl.ds(off, size)]))

        qvec = qv[...]

        def bias(i, carry):
            sl = pl.ds(pl.multiple_of(i * 16, 16), 16)
            srcb[sl] = srcb[sl] + qvec
            return carry

        lax.fori_loop(0, (EPT + 15) // 16, bias, 0)
        plsc.subcore_barrier()

        bufs = ((g0, sem0), (g1, sem1), (g2, sem2))
        NB = len(bufs)

        def gather(j, gb, sem):
            idx = srcb.at[pl.ds(pl.multiple_of(j * CH, 8), CH)]
            pltpu.async_copy(hflat.at[idx], gb, sem)

        def gwait(j, gb, sem):
            idx = srcb.at[pl.ds(pl.multiple_of(j * CH, 8), CH)]
            pltpu.make_async_copy(hflat.at[idx], gb, sem).wait()

        for b, (gb, sem) in enumerate(bufs):
            gather(b, gb, sem)

        def ring(i, carry):
            for b, (gb, sem) in enumerate(bufs):
                j = i * NB + b
                gwait(j, gb, sem)
                pltpu.sync_copy(gb, s_sh.at[dstb.at[j]], add=True)
                jn = j + NB

                @pl.when(jn < NCH)
                def _():
                    gather(jn, gb, sem)

            return carry

        lax.fori_loop(0, NCH // NB, ring, 0)
        tidx = srcb.at[pl.ds(NCH * CH, TCH)]
        lo = (NCH // NB) * NB
        gt = bufs[(NCH - lo) % NB][0].at[pl.ds(0, TCH)]
        tsem = bufs[(NCH - lo) % NB][1]
        pltpu.async_copy(hflat.at[tidx], gt, tsem)
        for j in range(lo, NCH):
            gb, sem = bufs[j - lo]
            gwait(j, gb, sem)
            pltpu.sync_copy(gb, s_sh.at[dstb.at[j]], add=True)
        pltpu.make_async_copy(hflat.at[tidx], gt, tsem).wait()
        pltpu.sync_copy(gt, s_sh.at[dstbt.at[0]], add=True)

        plsc.subcore_barrier()
        _over_my_rows(sid, lambda off, size: pltpu.sync_copy(
            s_sh.at[pl.ds(off, size)], out.at[cid, pl.ds(off, size)]))

    return edge_sum


ROWS = 400
GR = N // ROWS


def _mm1_body(deg_ref, x_ref, w_ref, h_ref, dinv_ref):
    d = deg_ref[:, 0:1] + deg_ref[:, 1:2] + 1.0
    di = lax.rsqrt(d)
    h = jnp.dot(x_ref[...], w_ref[...], preferred_element_type=jnp.float32)
    h = h * di
    h_ref[0] = h[:, :BW]
    h_ref[1] = h[:, BW:]
    dinv_ref[...] = di


_mm1 = pl.pallas_call(
    _mm1_body,
    grid=(GR,),
    in_specs=[
        pl.BlockSpec((ROWS, 2), lambda r: (r, 0)),
        pl.BlockSpec((ROWS, D_IN), lambda r: (r, 0)),
        pl.BlockSpec((D_IN, D_HID), lambda r: (0, 0)),
    ],
    out_specs=[
        pl.BlockSpec((2, ROWS, BW), lambda r: (0, r, 0)),
        pl.BlockSpec((ROWS, 1), lambda r: (r, 0)),
    ],
    out_shape=[
        jax.ShapeDtypeStruct((2, N, BW), jnp.float32),
        jax.ShapeDtypeStruct((N, 1), jnp.float32),
    ],
)


def _mm2_body(p0_ref, p1_ref, h1_ref, dinv_ref, w_ref, o_ref):
    di = dinv_ref[...]
    z0 = (p0_ref[0] + p0_ref[1] + h1_ref[0]) * di
    z1 = (p1_ref[0] + p1_ref[1] + h1_ref[1]) * di
    z = jnp.maximum(jnp.concatenate([z0, z1], axis=1), 0.0)
    h2 = jnp.dot(z, w_ref[...], preferred_element_type=jnp.float32) * di
    o_ref[0] = h2
    o_ref[1] = h2


_mm2 = pl.pallas_call(
    _mm2_body,
    grid=(GR,),
    in_specs=[
        pl.BlockSpec((2, ROWS, BW), lambda r: (0, r, 0)),
        pl.BlockSpec((2, ROWS, BW), lambda r: (0, r, 0)),
        pl.BlockSpec((2, ROWS, BW), lambda r: (0, r, 0)),
        pl.BlockSpec((ROWS, 1), lambda r: (r, 0)),
        pl.BlockSpec((D_HID, D_OUT), lambda r: (0, 0)),
    ],
    out_specs=pl.BlockSpec((2, ROWS, BW), lambda r: (0, r, 0)),
    out_shape=jax.ShapeDtypeStruct((2, N, BW), jnp.float32),
)


def _fin_body(p2_ref, h2_ref, dinv_ref, o_ref):
    di = dinv_ref[...]
    o_ref[...] = (p2_ref[0] + p2_ref[1] + h2_ref[0]) * di


_fin = pl.pallas_call(
    _fin_body,
    grid=(GR,),
    in_specs=[
        pl.BlockSpec((2, ROWS, BW), lambda r: (0, r, 0)),
        pl.BlockSpec((1, ROWS, BW), lambda r: (0, r, 0)),
        pl.BlockSpec((ROWS, 1), lambda r: (r, 0)),
    ],
    out_specs=pl.BlockSpec((ROWS, D_OUT), lambda r: (r, 0)),
    out_shape=jax.ShapeDtypeStruct((N, D_OUT), jnp.float32),
)


def kernel(x, edge_index, W1, W2):
    src = edge_index[0].astype(jnp.int32)
    dst = edge_index[1].astype(jnp.int32)
    srcr = jnp.pad(src.reshape(32, EPT), ((0, 0), (0, 8))).reshape(2, 16, 5008)
    dst3 = dst.reshape(2, 16, EPT)
    dstr = dst3[:, :, :NCH * CH].reshape(2, 16, NCH, CH)
    dstt = dst3[:, :, NCH * CH:].reshape(2, 16, 1, TCH)
    zeros_n = jnp.zeros((N,), jnp.float32)
    zer = jnp.zeros((632, BW), jnp.float32)
    qb0 = jnp.zeros((16,), jnp.int32)
    qb1 = jnp.full((16,), N, jnp.int32)

    degp = _make_deg_kernel()(dstr, dstt, zeros_n)
    h1b, dinv = _mm1(degp.T, x, W1)
    es = _make_edge_sum()
    hflat1 = h1b.reshape(2 * N, BW)
    p0 = es(hflat1, zer, srcr, dstr, dstt, qb0)
    p1 = es(hflat1, zer, srcr, dstr, dstt, qb1)
    h2b = _mm2(p0, p1, h1b, dinv, W2)
    p2 = es(h2b.reshape(2 * N, BW), zer, srcr, dstr, dstt, qb0)
    return _fin(p2, h2b, dinv)

# --- scband reference (transcript-rebuilt; emitter-appended) ---
"""Pipeline reference for scband-gae-73392401154210 (READ-ONLY COPY).

The authoritative reference and input builder live on the scoring server;
editing this copy changes nothing except your own understanding.
"""

import jax, jax.numpy as jnp
import numpy as np

N_NODES = 10000
D_IN = 256
D_HID = 256
D_OUT = 128
N_EDGES = 160000


def gcn_conv(x, edge_index, W):
    # GCNConv with normalize=True, add_self_loops=True, bias=False
    N = x.shape[0]
    src = edge_index[0]
    dst = edge_index[1]
    loop = jnp.arange(N, dtype=src.dtype)
    src = jnp.concatenate([src, loop])
    dst = jnp.concatenate([dst, loop])
    ew = jnp.ones(src.shape[0], dtype=x.dtype)
    deg = jnp.zeros((N,), dtype=x.dtype).at[dst].add(ew)
    deg_inv_sqrt = jnp.where(deg > 0, jax.lax.rsqrt(jnp.maximum(deg, 1e-12)), 0.0)
    norm = deg_inv_sqrt[src] * deg_inv_sqrt[dst]
    h = x @ W
    msg = h[src] * norm[:, None]
    out = jnp.zeros((N, h.shape[1]), dtype=x.dtype).at[dst].add(msg)
    return out


def setup_inputs(seed: int = 0) -> dict:
    key = jax.random.key(seed)
    k1, k2, k3, k4 = jax.random.split(key, 4)
    x = jax.random.normal(k1, (N_NODES, D_IN), dtype=jnp.float32)
    edge_index = jax.random.randint(k2, (2, N_EDGES), 0, N_NODES, dtype=jnp.int64)
    W1 = jax.random.normal(k3, (D_IN, D_HID), dtype=jnp.float32) * 0.05
    W2 = jax.random.normal(k4, (D_HID, D_OUT), dtype=jnp.float32) * 0.05
    return {"x": x, "edge_index": edge_index, "W1": W1, "W2": W2}


def reference(x, edge_index, W1, W2):
    # encoder: GCNConv(256->256) -> ReLU -> Dropout(eval: identity) -> GCNConv(256->128)
    z = gcn_conv(x, edge_index, W1)
    z = jax.nn.relu(z)
    z = gcn_conv(z, edge_index, W2)
    return z

if __name__ == "__main__":
    import jax
    _d = setup_inputs()
    print(jax.jit(kernel)(*tuple(_d.values())))

</pallas_src>

<mosaic_0001>
#map = affine_map<(d0, d1) -> (0, 0)>
#map1 = affine_map<(d0, d1) -> (0, 0, 0)>
#map2 = affine_map<(d0, d1) -> (0, 0, 0, 0)>
#map3 = affine_map<(d0, d1) -> (0)>
module attributes {stable_mosaic.version = 14 : i64} {
  func.func @edge_sum(%arg0: i32, %arg1: i32, %arg2: memref<20000x128xf32, #tpu.memory_space<hbm>>, %arg3: memref<632x128xf32, #tpu.memory_space<hbm>>, %arg4: memref<2x16x5008xi32, #tpu.memory_space<hbm>>, %arg5: memref<2x16x52x96xi32, #tpu.memory_space<hbm>>, %arg6: memref<2x16x1x8xi32, #tpu.memory_space<hbm>>, %arg7: memref<16xi32, #tpu.memory_space<hbm>>, %arg8: memref<2x10000x128xf32, #tpu.memory_space<hbm>>, %arg9: memref<5008xi32, #tpu.memory_space<vmem>>, %arg10: memref<52x96xi32, #tpu.memory_space<vmem>>, %arg11: memref<1x8xi32, #tpu.memory_space<vmem>>, %arg12: memref<16xi32, #tpu.memory_space<vmem>>, %arg13: memref<96x128xf32, #tpu.memory_space<vmem>>, %arg14: memref<96x128xf32, #tpu.memory_space<vmem>>, %arg15: memref<96x128xf32, #tpu.memory_space<vmem>>, %arg16: memref<10000x128xf32, #tpu.memory_space<vmem_shared>>, %arg17: memref<!tpu.dma_semaphore, #tpu.memory_space<semaphore_mem>>, %arg18: memref<!tpu.dma_semaphore, #tpu.memory_space<semaphore_mem>>, %arg19: memref<!tpu.dma_semaphore, #tpu.memory_space<semaphore_mem>>) attributes {dimension_semantics = [#tpu.dimension_semantics<core_parallel>, #tpu.dimension_semantics<subcore_parallel>], iteration_bounds = array<i64: 2, 16>, scalar_prefetch = 0 : i64, scratch_operands = 11 : i64, tpu.core_type = #tpu.core_type<sc_vector_subcore>, window_params = [{transform_indices = #map}, {transform_indices = #map}, {transform_indices = #map1}, {transform_indices = #map2}, {transform_indices = #map2}, {transform_indices = #map3}, {transform_indices = #map1}]} {
    "tpu.region"() ({
      %run_scoped3A_68 = tpu.sem_alloc : memref<!tpu.dma_semaphore, #tpu.memory_space<semaphore_mem>>
      %dma_start3A_69 = arith.constant 0 : i32
      %dma_start3A_70 = tpu.memref_slice %arg4[%arg0, %arg1, %dma_start3A_69] : memref<2x16x5008xi32, #tpu.memory_space<hbm>> -> memref<1x1x5008xi32, #tpu.memory_space<hbm>>
      %dma_start3A_71 = tpu.memref_squeeze %dma_start3A_70 : memref<1x1x5008xi32, #tpu.memory_space<hbm>> -> memref<5008xi32, #tpu.memory_space<hbm>>
      %dma_start3A_72 = arith.constant 0 : i32
      %dma_start3A_73 = tpu.memref_slice %arg4[%arg0, %arg1, %dma_start3A_72] : memref<2x16x5008xi32, #tpu.memory_space<hbm>> -> memref<1x1x5008xi32, #tpu.memory_space<hbm>>
      %dma_start3A_74 = tpu.memref_squeeze %dma_start3A_73 : memref<1x1x5008xi32, #tpu.memory_space<hbm>> -> memref<5008xi32, #tpu.memory_space<hbm>>
      tpu.enqueue_dma source(%dma_start3A_74 : memref<5008xi32, #tpu.memory_space<hbm>>) target(%arg9 : memref<5008xi32, #tpu.memory_space<vmem>>) target_semaphore(%run_scoped3A_68 : memref<!tpu.dma_semaphore, #tpu.memory_space<semaphore_mem>>)
      %dma_wait3A_75 = arith.constant 0 : i32
      %dma_wait3A_76 = tpu.memref_slice %arg4[%arg0, %arg1, %dma_wait3A_75] : memref<2x16x5008xi32, #tpu.memory_space<hbm>> -> memref<1x1x5008xi32, #tpu.memory_space<hbm>>
      %dma_wait3A_77 = tpu.memref_squeeze %dma_wait3A_76 : memref<1x1x5008xi32, #tpu.memory_space<hbm>> -> memref<5008xi32, #tpu.memory_space<hbm>>
      %dma_wait3A_78 = arith.constant 0 : i32
      %dma_wait3A_79 = tpu.memref_slice %arg4[%arg0, %arg1, %dma_wait3A_78] : memref<2x16x5008xi32, #tpu.memory_space<hbm>> -> memref<1x1x5008xi32, #tpu.memory_space<hbm>>
      %dma_wait3A_80 = tpu.memref_squeeze %dma_wait3A_79 : memref<1x1x5008xi32, #tpu.memory_space<hbm>> -> memref<5008xi32, #tpu.memory_space<hbm>>
      tpu.wait_dma2 semaphore(%run_scoped3A_68 : memref<!tpu.dma_semaphore, #tpu.memory_space<semaphore_mem>>) src(%dma_wait3A_80 : memref<5008xi32, #tpu.memory_space<hbm>>) dst(%arg9 : memref<5008xi32, #tpu.memory_space<vmem>>)
      tpu.yield
    }) : () -> ()
    "tpu.region"() ({
      %run_scoped3A_68 = tpu.sem_alloc : memref<!tpu.dma_semaphore, #tpu.memory_space<semaphore_mem>>
      %dma_start3A_69 = arith.constant 0 : i32
      %dma_start3A_70 = arith.constant 0 : i32
      %dma_start3A_71 = tpu.memref_slice %arg5[%arg0, %arg1, %dma_start3A_69, %dma_start3A_70] : memref<2x16x52x96xi32, #tpu.memory_space<hbm>> -> memref<1x1x52x96xi32, #tpu.memory_space<hbm>>
      %dma_start3A_72 = tpu.memref_squeeze %dma_start3A_71 : memref<1x1x52x96xi32, #tpu.memory_space<hbm>> -> memref<52x96xi32, #tpu.memory_space<hbm>>
      %dma_start3A_73 = arith.constant 0 : i32
      %dma_start3A_74 = arith.constant 0 : i32
      %dma_start3A_75 = tpu.memref_slice %arg5[%arg0, %arg1, %dma_start3A_73, %dma_start3A_74] : memref<2x16x52x96xi32, #tpu.memory_space<hbm>> -> memref<1x1x52x96xi32, #tpu.memory_space<hbm>>
      %dma_start3A_76 = tpu.memref_squeeze %dma_start3A_75 : memref<1x1x52x96xi32, #tpu.memory_space<hbm>> -> memref<52x96xi32, #tpu.memory_space<hbm>>
      tpu.enqueue_dma source(%dma_start3A_76 : memref<52x96xi32, #tpu.memory_space<hbm>>) target(%arg10 : memref<52x96xi32, #tpu.memory_space<vmem>>) target_semaphore(%run_scoped3A_68 : memref<!tpu.dma_semaphore, #tpu.memory_space<semaphore_mem>>)
      %dma_wait3A_77 = arith.constant 0 : i32
      %dma_wait3A_78 = arith.constant 0 : i32
      %dma_wait3A_79 = tpu.memref_slice %arg5[%arg0, %arg1, %dma_wait3A_77, %dma_wait3A_78] : memref<2x16x52x96xi32, #tpu.memory_space<hbm>> -> memref<1x1x52x96xi32, #tpu.memory_space<hbm>>
      %dma_wait3A_80 = tpu.memref_squeeze %dma_wait3A_79 : memref<1x1x52x96xi32, #tpu.memory_space<hbm>> -> memref<52x96xi32, #tpu.memory_space<hbm>>
      %dma_wait3A_81 = arith.constant 0 : i32
      %dma_wait3A_82 = arith.constant 0 : i32
      %dma_wait3A_83 = tpu.memref_slice %arg5[%arg0, %arg1, %dma_wait3A_81, %dma_wait3A_82] : memref<2x16x52x96xi32, #tpu.memory_space<hbm>> -> memref<1x1x52x96xi32, #tpu.memory_space<hbm>>
      %dma_wait3A_84 = tpu.memref_squeeze %dma_wait3A_83 : memref<1x1x52x96xi32, #tpu.memory_space<hbm>> -> memref<52x96xi32, #tpu.memory_space<hbm>>
      tpu.wait_dma2 semaphore(%run_scoped3A_68 : memref<!tpu.dma_semaphore, #tpu.memory_space<semaphore_mem>>) src(%dma_wait3A_84 : memref<52x96xi32, #tpu.memory_space<hbm>>) dst(%arg10 : memref<52x96xi32, #tpu.memory_space<vmem>>)
      tpu.yield
    }) : () -> ()
    "tpu.region"() ({
      %run_scoped3A_68 = tpu.sem_alloc : memref<!tpu.dma_semaphore, #tpu.memory_space<semaphore_mem>>
      %dma_start3A_69 = arith.constant 0 : i32
      %dma_start3A_70 = arith.constant 0 : i32
      %dma_start3A_71 = tpu.memref_slice %arg6[%arg0, %arg1, %dma_start3A_69, %dma_start3A_70] : memref<2x16x1x8xi32, #tpu.memory_space<hbm>> -> memref<1x1x1x8xi32, #tpu.memory_space<hbm>>
      %dma_start3A_72 = tpu.memref_squeeze %dma_start3A_71 : memref<1x1x1x8xi32, #tpu.memory_space<hbm>> -> memref<1x8xi32, #tpu.memory_space<hbm>>
      %dma_start3A_73 = arith.constant 0 : i32
      %dma_start3A_74 = arith.constant 0 : i32
      %dma_start3A_75 = tpu.memref_slice %arg6[%arg0, %arg1, %dma_start3A_73, %dma_start3A_74] : memref<2x16x1x8xi32, #tpu.memory_space<hbm>> -> memref<1x1x1x8xi32, #tpu.memory_space<hbm>>
      %dma_start3A_76 = tpu.memref_squeeze %dma_start3A_75 : memref<1x1x1x8xi32, #tpu.memory_space<hbm>> -> memref<1x8xi32, #tpu.memory_space<hbm>>
      tpu.enqueue_dma source(%dma_start3A_76 : memref<1x8xi32, #tpu.memory_space<hbm>>) target(%arg11 : memref<1x8xi32, #tpu.memory_space<vmem>>) target_semaphore(%run_scoped3A_68 : memref<!tpu.dma_semaphore, #tpu.memory_space<semaphore_mem>>)
      %dma_wait3A_77 = arith.constant 0 : i32
      %dma_wait3A_78 = arith.constant 0 : i32
      %dma_wait3A_79 = tpu.memref_slice %arg6[%arg0, %arg1, %dma_wait3A_77, %dma_wait3A_78] : memref<2x16x1x8xi32, #tpu.memory_space<hbm>> -> memref<1x1x1x8xi32, #tpu.memory_space<hbm>>
      %dma_wait3A_80 = tpu.memref_squeeze %dma_wait3A_79 : memref<1x1x1x8xi32, #tpu.memory_space<hbm>> -> memref<1x8xi32, #tpu.memory_space<hbm>>
      %dma_wait3A_81 = arith.constant 0 : i32
      %dma_wait3A_82 = arith.constant 0 : i32
      %dma_wait3A_83 = tpu.memref_slice %arg6[%arg0, %arg1, %dma_wait3A_81, %dma_wait3A_82] : memref<2x16x1x8xi32, #tpu.memory_space<hbm>> -> memref<1x1x1x8xi32, #tpu.memory_space<hbm>>
      %dma_wait3A_84 = tpu.memref_squeeze %dma_wait3A_83 : memref<1x1x1x8xi32, #tpu.memory_space<hbm>> -> memref<1x8xi32, #tpu.memory_space<hbm>>
      tpu.wait_dma2 semaphore(%run_scoped3A_68 : memref<!tpu.dma_semaphore, #tpu.memory_space<semaphore_mem>>) src(%dma_wait3A_84 : memref<1x8xi32, #tpu.memory_space<hbm>>) dst(%arg11 : memref<1x8xi32, #tpu.memory_space<vmem>>)
      tpu.yield
    }) : () -> ()
    "tpu.region"() ({
      %run_scoped3A_68 = tpu.sem_alloc : memref<!tpu.dma_semaphore, #tpu.memory_space<semaphore_mem>>
      tpu.enqueue_dma source(%arg7 : memref<16xi32, #tpu.memory_space<hbm>>) target(%arg12 : memref<16xi32, #tpu.memory_space<vmem>>) target_semaphore(%run_scoped3A_68 : memref<!tpu.dma_semaphore, #tpu.memory_space<semaphore_mem>>)
      tpu.wait_dma2 semaphore(%run_scoped3A_68 : memref<!tpu.dma_semaphore, #tpu.memory_space<semaphore_mem>>) src(%arg7 : memref<16xi32, #tpu.memory_space<hbm>>) dst(%arg12 : memref<16xi32, #tpu.memory_space<vmem>>)
      tpu.yield
    }) : () -> ()
    %lt3A = arith.constant 15 : i32
    %lt3A_0 = arith.cmpi slt, %arg1, %lt3A : i32
    %convert_element_type3A = arith.extui %lt3A_0 : i1 to i32
    %cond3A = arith.constant 0 : i32
    %cond3A_1 = arith.cmpi ne, %convert_element_type3A, %cond3A : i32
    scf.if %cond3A_1 {
      %mul3A = arith.constant 632 : i32
      %mul3A_68 = arith.muli %arg1, %mul3A : i32
      %multiple_of3A_69 = tpu.assume_multiple %mul3A_68, 8 : i32
      "tpu.region"() ({
        %run_scoped3A_70 = tpu.sem_alloc : memref<!tpu.dma_semaphore, #tpu.memory_space<semaphore_mem>>
        %dma_start3A_71 = arith.constant 0 : i32
        %dma_start3A_72 = tpu.memref_slice %arg16[%multiple_of3A_69, %dma_start3A_71] : memref<10000x128xf32, #tpu.memory_space<vmem_shared>> -> memref<632x128xf32, #tpu.memory_space<vmem_shared>>
        %dma_start3A_73 = arith.constant 0 : i32
        %dma_start3A_74 = arith.constant 0 : i32
        %dma_start3A_75 = tpu.memref_slice %arg3[%dma_start3A_73, %dma_start3A_74] : memref<632x128xf32, #tpu.memory_space<hbm>> -> memref<632x128xf32, #tpu.memory_space<hbm>>
        tpu.enqueue_dma source(%dma_start3A_75 : memref<632x128xf32, #tpu.memory_space<hbm>>) target(%dma_start3A_72 : memref<632x128xf32, #tpu.memory_space<vmem_shared>>) target_semaphore(%run_scoped3A_70 : memref<!tpu.dma_semaphore, #tpu.memory_space<semaphore_mem>>)
        %dma_wait3A_76 = arith.constant 0 : i32
        %dma_wait3A_77 = tpu.memref_slice %arg16[%multiple_of3A_69, %dma_wait3A_76] : memref<10000x128xf32, #tpu.memory_space<vmem_shared>> -> memref<632x128xf32, #tpu.memory_space<vmem_shared>>
        %dma_wait3A_78 = arith.constant 0 : i32
        %dma_wait3A_79 = arith.constant 0 : i32
        %dma_wait3A_80 = tpu.memref_slice %arg3[%dma_wait3A_78, %dma_wait3A_79] : memref<632x128xf32, #tpu.memory_space<hbm>> -> memref<632x128xf32, #tpu.memory_space<hbm>>
        tpu.wait_dma2 semaphore(%run_scoped3A_70 : memref<!tpu.dma_semaphore, #tpu.memory_space<semaphore_mem>>) src(%dma_wait3A_80 : memref<632x128xf32, #tpu.memory_space<hbm>>) dst(%dma_wait3A_77 : memref<632x128xf32, #tpu.memory_space<vmem_shared>>)
        tpu.yield
      }) : () -> ()
    } else {
    }
    %eq3A = arith.constant 15 : i32
    %eq3A_2 = arith.cmpi eq, %arg1, %eq3A : i32
    %convert_element_type3A_3 = arith.extui %eq3A_2 : i1 to i32
    %cond3A_4 = arith.constant 0 : i32
    %cond3A_5 = arith.cmpi ne, %convert_element_type3A_3, %cond3A_4 : i32
    scf.if %cond3A_5 {
      "tpu.region"() ({
        %run_scoped3A_68 = tpu.sem_alloc : memref<!tpu.dma_semaphore, #tpu.memory_space<semaphore_mem>>
        %dma_start3A_69 = arith.constant 9480 : i32
        %dma_start3A_70 = arith.constant 0 : i32
        %dma_start3A_71 = tpu.memref_slice %arg16[%dma_start3A_69, %dma_start3A_70] : memref<10000x128xf32, #tpu.memory_space<vmem_shared>> -> memref<520x128xf32, #tpu.memory_space<vmem_shared>>
        %dma_start3A_72 = arith.constant 0 : i32
        %dma_start3A_73 = arith.constant 0 : i32
        %dma_start3A_74 = tpu.memref_slice %arg3[%dma_start3A_72, %dma_start3A_73] : memref<632x128xf32, #tpu.memory_space<hbm>> -> memref<520x128xf32, #tpu.memory_space<hbm>>
        tpu.enqueue_dma source(%dma_start3A_74 : memref<520x128xf32, #tpu.memory_space<hbm>>) target(%dma_start3A_71 : memref<520x128xf32, #tpu.memory_space<vmem_shared>>) target_semaphore(%run_scoped3A_68 : memref<!tpu.dma_semaphore, #tpu.memory_space<semaphore_mem>>)
        %dma_wait3A_75 = arith.constant 9480 : i32
        %dma_wait3A_76 = arith.constant 0 : i32
        %dma_wait3A_77 = tpu.memref_slice %arg16[%dma_wait3A_75, %dma_wait3A_76] : memref<10000x128xf32, #tpu.memory_space<vmem_shared>> -> memref<520x128xf32, #tpu.memory_space<vmem_shared>>
        %dma_wait3A_78 = arith.constant 0 : i32
        %dma_wait3A_79 = arith.constant 0 : i32
        %dma_wait3A_80 = tpu.memref_slice %arg3[%dma_wait3A_78, %dma_wait3A_79] : memref<632x128xf32, #tpu.memory_space<hbm>> -> memref<520x128xf32, #tpu.memory_space<hbm>>
        tpu.wait_dma2 semaphore(%run_scoped3A_68 : memref<!tpu.dma_semaphore, #tpu.memory_space<semaphore_mem>>) src(%dma_wait3A_80 : memref<520x128xf32, #tpu.memory_space<hbm>>) dst(%dma_wait3A_77 : memref<520x128xf32, #tpu.memory_space<vmem_shared>>)
        tpu.yield
      }) : () -> ()
    } else {
    }
    %get3A = arith.constant 0 : index
    %get3A_6 = tpu.vector_load %arg12[%get3A] {strides = array<i32>} : memref<16xi32, #tpu.memory_space<vmem>>, vector<16xi32>,
    %get3A_7 = vector.shape_cast %get3A_6 : vector<16xi32> to vector<16xi32>
    %scan3A = arith.constant 0 : i32
    %scan3A_8 = arith.constant 0 : i32
    %scan3A_9 = arith.constant 313 : i32
    %scan3A_10 = arith.addi %scan3A_8, %scan3A_9 : i32
    %scan3A_11 = arith.constant 1 : i32
    scf.for %scan3A_68 = %scan3A_8 to %scan3A_10 step %scan3A_11  : i32 {
      %mul3A = arith.constant 16 : i32
      %mul3A_69 = arith.muli %scan3A_68, %mul3A : i32
      %multiple_of3A_70 = tpu.assume_multiple %mul3A_69, 16 : i32
      %get3A_71 = arith.index_cast %multiple_of3A_70 : i32 to index
      %get3A_72 = tpu.vector_load %arg9[%get3A_71] {strides = array<i32>} : memref<5008xi32, #tpu.memory_space<vmem>>, vector<16xi32>,
      %get3A_73 = vector.shape_cast %get3A_72 : vector<16xi32> to vector<16xi32>
      %add3A = arith.addi %get3A_73, %get3A_7 : vector<16xi32>
      %swap3A = arith.index_cast %multiple_of3A_70 : i32 to index
      %swap3A_74 = tpu.vector_load %arg9[%swap3A] {strides = array<i32>} : memref<5008xi32, #tpu.memory_space<vmem>>, vector<16xi32>,
      %swap3A_75 = vector.shape_cast %swap3A_74 : vector<16xi32> to vector<16xi32>
      %swap3A_76 = vector.shape_cast %add3A : vector<16xi32> to vector<16xi32>
      tpu.vector_store %arg9[%swap3A], %swap3A_76 {strides = array<i32>} : memref<5008xi32, #tpu.memory_space<vmem>>, vector<16xi32>,
    }
    %scan3A_12 = arith.constant 313 : i32
    %barrier3A = arith.constant 0 : index
    tpu.barrier barrier_id(%barrier3A)
    %multiple_of3A = arith.constant 0 : i32
    %multiple_of3A_13 = tpu.assume_multiple %multiple_of3A, 8 : i32
    %dma_start3A = tpu.memref_slice %arg9[%multiple_of3A_13] : memref<5008xi32, #tpu.memory_space<vmem>> -> memref<96xi32, #tpu.memory_space<vmem>>
    %dma_start3A_14 = arith.constant 0 : i32
    %dma_start3A_15 = arith.constant 0 : i32
    %dma_start3A_16 = tpu.memref_slice %arg2[%dma_start3A_14, %dma_start3A_15] : memref<20000x128xf32, #tpu.memory_space<hbm>> -> memref<20000x128xf32, #tpu.memory_space<hbm>>
    tpu.enqueue_indirect_dma source(%dma_start3A_16 : memref<20000x128xf32, #tpu.memory_space<hbm>>) target(%arg13 : memref<96x128xf32, #tpu.memory_space<vmem>>) offsets(%dma_start3A : memref<96xi32, #tpu.memory_space<vmem>>) semaphore(%arg17 : memref<!tpu.dma_semaphore, #tpu.memory_space<semaphore_mem>>)
    %multiple_of3A_17 = arith.constant 96 : i32
    %multiple_of3A_18 = tpu.assume_multiple %multiple_of3A_17, 8 : i32
    %dma_start3A_19 = tpu.memref_slice %arg9[%multiple_of3A_18] : memref<5008xi32, #tpu.memory_space<vmem>> -> memref<96xi32, #tpu.memory_space<vmem>>
    %dma_start3A_20 = arith.constant 0 : i32
    %dma_start3A_21 = arith.constant 0 : i32
    %dma_start3A_22 = tpu.memref_slice %arg2[%dma_start3A_20, %dma_start3A_21] : memref<20000x128xf32, #tpu.memory_space<hbm>> -> memref<20000x128xf32, #tpu.memory_space<hbm>>
    tpu.enqueue_indirect_dma source(%dma_start3A_22 : memref<20000x128xf32, #tpu.memory_space<hbm>>) target(%arg14 : memref<96x128xf32, #tpu.memory_space<vmem>>) offsets(%dma_start3A_19 : memref<96xi32, #tpu.memory_space<vmem>>) semaphore(%arg18 : memref<!tpu.dma_semaphore, #tpu.memory_space<semaphore_mem>>)
    %multiple_of3A_23 = arith.constant 192 : i32
    %multiple_of3A_24 = tpu.assume_multiple %multiple_of3A_23, 8 : i32
    %dma_start3A_25 = tpu.memref_slice %arg9[%multiple_of3A_24] : memref<5008xi32, #tpu.memory_space<vmem>> -> memref<96xi32, #tpu.memory_space<vmem>>
    %dma_start3A_26 = arith.constant 0 : i32
    %dma_start3A_27 = arith.constant 0 : i32
    %dma_start3A_28 = tpu.memref_slice %arg2[%dma_start3A_26, %dma_start3A_27] : memref<20000x128xf32, #tpu.memory_space<hbm>> -> memref<20000x128xf32, #tpu.memory_space<hbm>>
    tpu.enqueue_indirect_dma source(%dma_start3A_28 : memref<20000x128xf32, #tpu.memory_space<hbm>>) target(%arg15 : memref<96x128xf32, #tpu.memory_space<vmem>>) offsets(%dma_start3A_25 : memref<96xi32, #tpu.memory_space<vmem>>) semaphore(%arg19 : memref<!tpu.dma_semaphore, #tpu.memory_space<semaphore_mem>>)
    %scan3A_29 = arith.constant 0 : i32
    %scan3A_30 = arith.constant 0 : i32
    %scan3A_31 = arith.constant 17 : i32
    %scan3A_32 = arith.addi %scan3A_30, %scan3A_31 : i32
    %scan3A_33 = arith.constant 1 : i32
    scf.for %scan3A_68 = %scan3A_30 to %scan3A_32 step %scan3A_33  : i32 {
      %mul3A = arith.constant 3 : i32
      %mul3A_69 = arith.muli %scan3A_68, %mul3A : i32
      %add3A = arith.constant 0 : i32
      %add3A_70 = arith.addi %mul3A_69, %add3A : i32
      %mul3A_71 = arith.constant 96 : i32
      %mul3A_72 = arith.muli %add3A_70, %mul3A_71 : i32
      %multiple_of3A_73 = tpu.assume_multiple %mul3A_72, 8 : i32
      %dma_wait3A_74 = tpu.memref_slice %arg9[%multiple_of3A_73] : memref<5008xi32, #tpu.memory_space<vmem>> -> memref<96xi32, #tpu.memory_space<vmem>>
      %dma_wait3A_75 = arith.constant 0 : i32
      %dma_wait3A_76 = arith.constant 0 : i32
      %dma_wait3A_77 = tpu.memref_slice %arg2[%dma_wait3A_75, %dma_wait3A_76] : memref<20000x128xf32, #tpu.memory_space<hbm>> -> memref<20000x128xf32, #tpu.memory_space<hbm>>
      tpu.wait_indirect_dma semaphore(%arg17 : memref<!tpu.dma_semaphore, #tpu.memory_space<semaphore_mem>>) src(%dma_wait3A_77 : memref<20000x128xf32, #tpu.memory_space<hbm>>) dst(%arg13 : memref<96x128xf32, #tpu.memory_space<vmem>>)
      "tpu.region"() ({
        %run_scoped3A_121 = tpu.sem_alloc : memref<!tpu.dma_semaphore, #tpu.memory_space<semaphore_mem>>
        %dma_start3A_122 = arith.constant 0 : i32
        %dma_start3A_123 = tpu.memref_slice %arg10[%add3A_70, %dma_start3A_122] : memref<52x96xi32, #tpu.memory_space<vmem>> -> memref<1x96xi32, #tpu.memory_space<vmem>>
        %dma_start3A_124 = tpu.memref_squeeze %dma_start3A_123 : memref<1x96xi32, #tpu.memory_space<vmem>> -> memref<96xi32, #tpu.memory_space<vmem>>
        %dma_start3A_125 = arith.constant 0 : i32
        %dma_start3A_126 = arith.constant 0 : i32
        %dma_start3A_127 = tpu.memref_slice %arg16[%dma_start3A_125, %dma_start3A_126] : memref<10000x128xf32, #tpu.memory_space<vmem_shared>> -> memref<10000x128xf32, #tpu.memory_space<vmem_shared>>
        tpu.enqueue_indirect_dma source(%arg13 : memref<96x128xf32, #tpu.memory_space<vmem>>) target(%dma_start3A_127 : memref<10000x128xf32, #tpu.memory_space<vmem_shared>>) offsets(%dma_start3A_124 : memref<96xi32, #tpu.memory_space<vmem>>) semaphore(%run_scoped3A_121 : memref<!tpu.dma_semaphore, #tpu.memory_space<semaphore_mem>>) {add = true}
        %dma_wait3A_128 = arith.constant 0 : i32
        %dma_wait3A_129 = tpu.memref_slice %arg10[%add3A_70, %dma_wait3A_128] : memref<52x96xi32, #tpu.memory_space<vmem>> -> memref<1x96xi32, #tpu.memory_space<vmem>>
        %dma_wait3A_130 = tpu.memref_squeeze %dma_wait3A_129 : memref<1x96xi32, #tpu.memory_space<vmem>> -> memref<96xi32, #tpu.memory_space<vmem>>
        %dma_wait3A_131 = arith.constant 0 : i32
        %dma_wait3A_132 = arith.constant 0 : i32
        %dma_wait3A_133 = tpu.memref_slice %arg16[%dma_wait3A_131, %dma_wait3A_132] : memref<10000x128xf32, #tpu.memory_space<vmem_shared>> -> memref<10000x128xf32, #tpu.memory_space<vmem_shared>>
        tpu.wait_indirect_dma semaphore(%run_scoped3A_121 : memref<!tpu.dma_semaphore, #tpu.memory_space<semaphore_mem>>) src(%arg13 : memref<96x128xf32, #tpu.memory_space<vmem>>) dst(%dma_wait3A_133 : memref<10000x128xf32, #tpu.memory_space<vmem_shared>>)
        tpu.yield
      }) : () -> ()
      %add3A_78 = arith.constant 3 : i32
      %add3A_79 = arith.addi %add3A_70, %add3A_78 : i32
      %lt3A_80 = arith.constant 52 : i32
      %lt3A_81 = arith.cmpi slt, %add3A_79, %lt3A_80 : i32
      %convert_element_type3A_82 = arith.extui %lt3A_81 : i1 to i32
      %cond3A_83 = arith.constant 0 : i32
      %cond3A_84 = arith.cmpi ne, %convert_element_type3A_82, %cond3A_83 : i32
      scf.if %cond3A_84 {
        %mul3A_121 = arith.constant 96 : i32
        %mul3A_122 = arith.muli %add3A_79, %mul3A_121 : i32
        %multiple_of3A_123 = tpu.assume_multiple %mul3A_122, 8 : i32
        %dma_start3A_124 = tpu.memref_slice %arg9[%multiple_of3A_123] : memref<5008xi32, #tpu.memory_space<vmem>> -> memref<96xi32, #tpu.memory_space<vmem>>
        %dma_start3A_125 = arith.constant 0 : i32
        %dma_start3A_126 = arith.constant 0 : i32
        %dma_start3A_127 = tpu.memref_slice %arg2[%dma_start3A_125, %dma_start3A_126] : memref<20000x128xf32, #tpu.memory_space<hbm>> -> memref<20000x128xf32, #tpu.memory_space<hbm>>
        tpu.enqueue_indirect_dma source(%dma_start3A_127 : memref<20000x128xf32, #tpu.memory_space<hbm>>) target(%arg13 : memref<96x128xf32, #tpu.memory_space<vmem>>) offsets(%dma_start3A_124 : memref<96xi32, #tpu.memory_space<vmem>>) semaphore(%arg17 : memref<!tpu.dma_semaphore, #tpu.memory_space<semaphore_mem>>)
      } else {
      }
      %mul3A_85 = arith.constant 3 : i32
      %mul3A_86 = arith.muli %scan3A_68, %mul3A_85 : i32
      %add3A_87 = arith.constant 1 : i32
      %add3A_88 = arith.addi %mul3A_86, %add3A_87 : i32
      %mul3A_89 = arith.constant 96 : i32
      %mul3A_90 = arith.muli %add3A_88, %mul3A_89 : i32
      %multiple_of3A_91 = tpu.assume_multiple %mul3A_90, 8 : i32
      %dma_wait3A_92 = tpu.memref_slice %arg9[%multiple_of3A_91] : memref<5008xi32, #tpu.memory_space<vmem>> -> memref<96xi32, #tpu.memory_space<vmem>>
      %dma_wait3A_93 = arith.constant 0 : i32
      %dma_wait3A_94 = arith.constant 0 : i32
      %dma_wait3A_95 = tpu.memref_slice %arg2[%dma_wait3A_93, %dma_wait3A_94] : memref<20000x128xf32, #tpu.memory_space<hbm>> -> memref<20000x128xf32, #tpu.memory_space<hbm>>
      tpu.wait_indirect_dma semaphore(%arg18 : memref<!tpu.dma_semaphore, #tpu.memory_space<semaphore_mem>>) src(%dma_wait3A_95 : memref<20000x128xf32, #tpu.memory_space<hbm>>) dst(%arg14 : memref<96x128xf32, #tpu.memory_space<vmem>>)
      "tpu.region"() ({
        %run_scoped3A_121 = tpu.sem_alloc : memref<!tpu.dma_semaphore, #tpu.memory_space<semaphore_mem>>
        %dma_start3A_122 = arith.constant 0 : i32
        %dma_start3A_123 = tpu.memref_slice %arg10[%add3A_88, %dma_start3A_122] : memref<52x96xi32, #tpu.memory_space<vmem>> -> memref<1x96xi32, #tpu.memory_space<vmem>>
        %dma_start3A_124 = tpu.memref_squeeze %dma_start3A_123 : memref<1x96xi32, #tpu.memory_space<vmem>> -> memref<96xi32, #tpu.memory_space<vmem>>
        %dma_start3A_125 = arith.constant 0 : i32
        %dma_start3A_126 = arith.constant 0 : i32
        %dma_start3A_127 = tpu.memref_slice %arg16[%dma_start3A_125, %dma_start3A_126] : memref<10000x128xf32, #tpu.memory_space<vmem_shared>> -> memref<10000x128xf32, #tpu.memory_space<vmem_shared>>
        tpu.enqueue_indirect_dma source(%arg14 : memref<96x128xf32, #tpu.memory_space<vmem>>) target(%dma_start3A_127 : memref<10000x128xf32, #tpu.memory_space<vmem_shared>>) offsets(%dma_start3A_124 : memref<96xi32, #tpu.memory_space<vmem>>) semaphore(%run_scoped3A_121 : memref<!tpu.dma_semaphore, #tpu.memory_space<semaphore_mem>>) {add = true}
        %dma_wait3A_128 = arith.constant 0 : i32
        %dma_wait3A_129 = tpu.memref_slice %arg10[%add3A_88, %dma_wait3A_128] : memref<52x96xi32, #tpu.memory_space<vmem>> -> memref<1x96xi32, #tpu.memory_space<vmem>>
        %dma_wait3A_130 = tpu.memref_squeeze %dma_wait3A_129 : memref<1x96xi32, #tpu.memory_space<vmem>> -> memref<96xi32, #tpu.memory_space<vmem>>
        %dma_wait3A_131 = arith.constant 0 : i32
        %dma_wait3A_132 = arith.constant 0 : i32
        %dma_wait3A_133 = tpu.memref_slice %arg16[%dma_wait3A_131, %dma_wait3A_132] : memref<10000x128xf32, #tpu.memory_space<vmem_shared>> -> memref<10000x128xf32, #tpu.memory_space<vmem_shared>>
        tpu.wait_indirect_dma semaphore(%run_scoped3A_121 : memref<!tpu.dma_semaphore, #tpu.memory_space<semaphore_mem>>) src(%arg14 : memref<96x128xf32, #tpu.memory_space<vmem>>) dst(%dma_wait3A_133 : memref<10000x128xf32, #tpu.memory_space<vmem_shared>>)
        tpu.yield
      }) : () -> ()
      %add3A_96 = arith.constant 3 : i32
      %add3A_97 = arith.addi %add3A_88, %add3A_96 : i32
      %lt3A_98 = arith.constant 52 : i32
      %lt3A_99 = arith.cmpi slt, %add3A_97, %lt3A_98 : i32
      %convert_element_type3A_100 = arith.extui %lt3A_99 : i1 to i32
      %cond3A_101 = arith.constant 0 : i32
      %cond3A_102 = arith.cmpi ne, %convert_element_type3A_100, %cond3A_101 : i32
      scf.if %cond3A_102 {
        %mul3A_121 = arith.constant 96 : i32
        %mul3A_122 = arith.muli %add3A_97, %mul3A_121 : i32
        %multiple_of3A_123 = tpu.assume_multiple %mul3A_122, 8 : i32
        %dma_start3A_124 = tpu.memref_slice %arg9[%multiple_of3A_123] : memref<5008xi32, #tpu.memory_space<vmem>> -> memref<96xi32, #tpu.memory_space<vmem>>
        %dma_start3A_125 = arith.constant 0 : i32
        %dma_start3A_126 = arith.constant 0 : i32
        %dma_start3A_127 = tpu.memref_slice %arg2[%dma_start3A_125, %dma_start3A_126] : memref<20000x128xf32, #tpu.memory_space<hbm>> -> memref<20000x128xf32, #tpu.memory_space<hbm>>
        tpu.enqueue_indirect_dma source(%dma_start3A_127 : memref<20000x128xf32, #tpu.memory_space<hbm>>) target(%arg14 : memref<96x128xf32, #tpu.memory_space<vmem>>) offsets(%dma_start3A_124 : memref<96xi32, #tpu.memory_space<vmem>>) semaphore(%arg18 : memref<!tpu.dma_semaphore, #tpu.memory_space<semaphore_mem>>)
      } else {
      }
      %mul3A_103 = arith.constant 3 : i32
      %mul3A_104 = arith.muli %scan3A_68, %mul3A_103 : i32
      %add3A_105 = arith.constant 2 : i32
      %add3A_106 = arith.addi %mul3A_104, %add3A_105 : i32
      %mul3A_107 = arith.constant 96 : i32
      %mul3A_108 = arith.muli %add3A_106, %mul3A_107 : i32
      %multiple_of3A_109 = tpu.assume_multiple %mul3A_108, 8 : i32
      %dma_wait3A_110 = tpu.memref_slice %arg9[%multiple_of3A_109] : memref<5008xi32, #tpu.memory_space<vmem>> -> memref<96xi32, #tpu.memory_space<vmem>>
      %dma_wait3A_111 = arith.constant 0 : i32
      %dma_wait3A_112 = arith.constant 0 : i32
      %dma_wait3A_113 = tpu.memref_slice %arg2[%dma_wait3A_111, %dma_wait3A_112] : memref<20000x128xf32, #tpu.memory_space<hbm>> -> memref<20000x128xf32, #tpu.memory_space<hbm>>
      tpu.wait_indirect_dma semaphore(%arg19 : memref<!tpu.dma_semaphore, #tpu.memory_space<semaphore_mem>>) src(%dma_wait3A_113 : memref<20000x128xf32, #tpu.memory_space<hbm>>) dst(%arg15 : memref<96x128xf32, #tpu.memory_space<vmem>>)
      "tpu.region"() ({
        %run_scoped3A_121 = tpu.sem_alloc : memref<!tpu.dma_semaphore, #tpu.memory_space<semaphore_mem>>
        %dma_start3A_122 = arith.constant 0 : i32
        %dma_start3A_123 = tpu.memref_slice %arg10[%add3A_106, %dma_start3A_122] : memref<52x96xi32, #tpu.memory_space<vmem>> -> memref<1x96xi32, #tpu.memory_space<vmem>>
        %dma_start3A_124 = tpu.memref_squeeze %dma_start3A_123 : memref<1x96xi32, #tpu.memory_space<vmem>> -> memref<96xi32, #tpu.memory_space<vmem>>
        %dma_start3A_125 = arith.constant 0 : i32
        %dma_start3A_126 = arith.constant 0 : i32
        %dma_start3A_127 = tpu.memref_slice %arg16[%dma_start3A_125, %dma_start3A_126] : memref<10000x128xf32, #tpu.memory_space<vmem_shared>> -> memref<10000x128xf32, #tpu.memory_space<vmem_shared>>
        tpu.enqueue_indirect_dma source(%arg15 : memref<96x128xf32, #tpu.memory_space<vmem>>) target(%dma_start3A_127 : memref<10000x128xf32, #tpu.memory_space<vmem_shared>>) offsets(%dma_start3A_124 : memref<96xi32, #tpu.memory_space<vmem>>) semaphore(%run_scoped3A_121 : memref<!tpu.dma_semaphore, #tpu.memory_space<semaphore_mem>>) {add = true}
        %dma_wait3A_128 = arith.constant 0 : i32
        %dma_wait3A_129 = tpu.memref_slice %arg10[%add3A_106, %dma_wait3A_128] : memref<52x96xi32, #tpu.memory_space<vmem>> -> memref<1x96xi32, #tpu.memory_space<vmem>>
        %dma_wait3A_130 = tpu.memref_squeeze %dma_wait3A_129 : memref<1x96xi32, #tpu.memory_space<vmem>> -> memref<96xi32, #tpu.memory_space<vmem>>
        %dma_wait3A_131 = arith.constant 0 : i32
        %dma_wait3A_132 = arith.constant 0 : i32
        %dma_wait3A_133 = tpu.memref_slice %arg16[%dma_wait3A_131, %dma_wait3A_132] : memref<10000x128xf32, #tpu.memory_space<vmem_shared>> -> memref<10000x128xf32, #tpu.memory_space<vmem_shared>>
        tpu.wait_indirect_dma semaphore(%run_scoped3A_121 : memref<!tpu.dma_semaphore, #tpu.memory_space<semaphore_mem>>) src(%arg15 : memref<96x128xf32, #tpu.memory_space<vmem>>) dst(%dma_wait3A_133 : memref<10000x128xf32, #tpu.memory_space<vmem_shared>>)
        tpu.yield
      }) : () -> ()
      %add3A_114 = arith.constant 3 : i32
      %add3A_115 = arith.addi %add3A_106, %add3A_114 : i32
      %lt3A_116 = arith.constant 52 : i32
      %lt3A_117 = arith.cmpi slt, %add3A_115, %lt3A_116 : i32
      %convert_element_type3A_118 = arith.extui %lt3A_117 : i1 to i32
      %cond3A_119 = arith.constant 0 : i32
      %cond3A_120 = arith.cmpi ne, %convert_element_type3A_118, %cond3A_119 : i32
      scf.if %cond3A_120 {
        %mul3A_121 = arith.constant 96 : i32
        %mul3A_122 = arith.muli %add3A_115, %mul3A_121 : i32
        %multiple_of3A_123 = tpu.assume_multiple %mul3A_122, 8 : i32
        %dma_start3A_124 = tpu.memref_slice %arg9[%multiple_of3A_123] : memref<5008xi32, #tpu.memory_space<vmem>> -> memref<96xi32, #tpu.memory_space<vmem>>
        %dma_start3A_125 = arith.constant 0 : i32
        %dma_start3A_126 = arith.constant 0 : i32
        %dma_start3A_127 = tpu.memref_slice %arg2[%dma_start3A_125, %dma_start3A_126] : memref<20000x128xf32, #tpu.memory_space<hbm>> -> memref<20000x128xf32, #tpu.memory_space<hbm>>
        tpu.enqueue_indirect_dma source(%dma_start3A_127 : memref<20000x128xf32, #tpu.memory_space<hbm>>) target(%arg15 : memref<96x128xf32, #tpu.memory_space<vmem>>) offsets(%dma_start3A_124 : memref<96xi32, #tpu.memory_space<vmem>>) semaphore(%arg19 : memref<!tpu.dma_semaphore, #tpu.memory_space<semaphore_mem>>)
      } else {
      }
    }
    %scan3A_34 = arith.constant 17 : i32
    %dma_start3A_35 = arith.constant 0 : i32
    %dma_start3A_36 = arith.constant 0 : i32
    %dma_start3A_37 = tpu.memref_slice %arg14[%dma_start3A_35, %dma_start3A_36] : memref<96x128xf32, #tpu.memory_space<vmem>> -> memref<8x128xf32, #tpu.memory_space<vmem>>
    %dma_start3A_38 = arith.constant 4992 : i32
    %dma_start3A_39 = tpu.memref_slice %arg9[%dma_start3A_38] : memref<5008xi32, #tpu.memory_space<vmem>> -> memref<8xi32, #tpu.memory_space<vmem>>
    %dma_start3A_40 = arith.constant 0 : i32
    %dma_start3A_41 = arith.constant 0 : i32
    %dma_start3A_42 = tpu.memref_slice %arg2[%dma_start3A_40, %dma_start3A_41] : memref<20000x128xf32, #tpu.memory_space<hbm>> -> memref<20000x128xf32, #tpu.memory_space<hbm>>
    tpu.enqueue_indirect_dma source(%dma_start3A_42 : memref<20000x128xf32, #tpu.memory_space<hbm>>) target(%dma_start3A_37 : memref<8x128xf32, #tpu.memory_space<vmem>>) offsets(%dma_start3A_39 : memref<8xi32, #tpu.memory_space<vmem>>) semaphore(%arg18 : memref<!tpu.dma_semaphore, #tpu.memory_space<semaphore_mem>>)
    %multiple_of3A_43 = arith.constant 4896 : i32
    %multiple_of3A_44 = tpu.assume_multiple %multiple_of3A_43, 8 : i32
    %dma_wait3A = tpu.memref_slice %arg9[%multiple_of3A_44] : memref<5008xi32, #tpu.memory_space<vmem>> -> memref<96xi32, #tpu.memory_space<vmem>>
    %dma_wait3A_45 = arith.constant 0 : i32
    %dma_wait3A_46 = arith.constant 0 : i32
    %dma_wait3A_47 = tpu.memref_slice %arg2[%dma_wait3A_45, %dma_wait3A_46] : memref<20000x128xf32, #tpu.memory_space<hbm>> -> memref<20000x128xf32, #tpu.memory_space<hbm>>
    tpu.wait_indirect_dma semaphore(%arg17 : memref<!tpu.dma_semaphore, #tpu.memory_space<semaphore_mem>>) src(%dma_wait3A_47 : memref<20000x128xf32, #tpu.memory_space<hbm>>) dst(%arg13 : memref<96x128xf32, #tpu.memory_space<vmem>>)
    %run_scoped3A = arith.constant 51 : i32
    "tpu.region"() ({
      %run_scoped3A_68 = tpu.sem_alloc : memref<!tpu.dma_semaphore, #tpu.memory_space<semaphore_mem>>
      %dma_start3A_69 = arith.constant 0 : i32
      %dma_start3A_70 = tpu.memref_slice %arg10[%run_scoped3A, %dma_start3A_69] : memref<52x96xi32, #tpu.memory_space<vmem>> -> memref<1x96xi32, #tpu.memory_space<vmem>>
      %dma_start3A_71 = tpu.memref_squeeze %dma_start3A_70 : memref<1x96xi32, #tpu.memory_space<vmem>> -> memref<96xi32, #tpu.memory_space<vmem>>
      %dma_start3A_72 = arith.constant 0 : i32
      %dma_start3A_73 = arith.constant 0 : i32
      %dma_start3A_74 = tpu.memref_slice %arg16[%dma_start3A_72, %dma_start3A_73] : memref<10000x128xf32, #tpu.memory_space<vmem_shared>> -> memref<10000x128xf32, #tpu.memory_space<vmem_shared>>
      tpu.enqueue_indirect_dma source(%arg13 : memref<96x128xf32, #tpu.memory_space<vmem>>) target(%dma_start3A_74 : memref<10000x128xf32, #tpu.memory_space<vmem_shared>>) offsets(%dma_start3A_71 : memref<96xi32, #tpu.memory_space<vmem>>) semaphore(%run_scoped3A_68 : memref<!tpu.dma_semaphore, #tpu.memory_space<semaphore_mem>>) {add = true}
      %dma_wait3A_75 = arith.constant 0 : i32
      %dma_wait3A_76 = tpu.memref_slice %arg10[%run_scoped3A, %dma_wait3A_75] : memref<52x96xi32, #tpu.memory_space<vmem>> -> memref<1x96xi32, #tpu.memory_space<vmem>>
      %dma_wait3A_77 = tpu.memref_squeeze %dma_wait3A_76 : memref<1x96xi32, #tpu.memory_space<vmem>> -> memref<96xi32, #tpu.memory_space<vmem>>
      %dma_wait3A_78 = arith.constant 0 : i32
      %dma_wait3A_79 = arith.constant 0 : i32
      %dma_wait3A_80 = tpu.memref_slice %arg16[%dma_wait3A_78, %dma_wait3A_79] : memref<10000x128xf32, #tpu.memory_space<vmem_shared>> -> memref<10000x128xf32, #tpu.memory_space<vmem_shared>>
      tpu.wait_indirect_dma semaphore(%run_scoped3A_68 : memref<!tpu.dma_semaphore, #tpu.memory_space<semaphore_mem>>) src(%arg13 : memref<96x128xf32, #tpu.memory_space<vmem>>) dst(%dma_wait3A_80 : memref<10000x128xf32, #tpu.memory_space<vmem_shared>>)
      tpu.yield
    }) : () -> ()
    %dma_wait3A_48 = arith.constant 0 : i32
    %dma_wait3A_49 = arith.constant 0 : i32
    %dma_wait3A_50 = tpu.memref_slice %arg14[%dma_wait3A_48, %dma_wait3A_49] : memref<96x128xf32, #tpu.memory_space<vmem>> -> memref<8x128xf32, #tpu.memory_space<vmem>>
    %dma_wait3A_51 = arith.constant 4992 : i32
    %dma_wait3A_52 = tpu.memref_slice %arg9[%dma_wait3A_51] : memref<5008xi32, #tpu.memory_space<vmem>> -> memref<8xi32, #tpu.memory_space<vmem>>
    %dma_wait3A_53 = arith.constant 0 : i32
    %dma_wait3A_54 = arith.constant 0 : i32
    %dma_wait3A_55 = tpu.memref_slice %arg2[%dma_wait3A_53, %dma_wait3A_54] : memref<20000x128xf32, #tpu.memory_space<hbm>> -> memref<20000x128xf32, #tpu.memory_space<hbm>>
    tpu.wait_indirect_dma semaphore(%arg18 : memref<!tpu.dma_semaphore, #tpu.memory_space<semaphore_mem>>) src(%dma_wait3A_55 : memref<20000x128xf32, #tpu.memory_space<hbm>>) dst(%dma_wait3A_50 : memref<8x128xf32, #tpu.memory_space<vmem>>)
    %run_scoped3A_56 = arith.constant 0 : i32
    "tpu.region"() ({
      %run_scoped3A_68 = tpu.sem_alloc : memref<!tpu.dma_semaphore, #tpu.memory_space<semaphore_mem>>
      %dma_start3A_69 = arith.constant 0 : i32
      %dma_start3A_70 = arith.constant 0 : i32
      %dma_start3A_71 = tpu.memref_slice %arg14[%dma_start3A_69, %dma_start3A_70] : memref<96x128xf32, #tpu.memory_space<vmem>> -> memref<8x128xf32, #tpu.memory_space<vmem>>
      %dma_start3A_72 = arith.constant 0 : i32
      %dma_start3A_73 = tpu.memref_slice %arg11[%run_scoped3A_56, %dma_start3A_72] : memref<1x8xi32, #tpu.memory_space<vmem>> -> memref<1x8xi32, #tpu.memory_space<vmem>>
      %dma_start3A_74 = tpu.memref_squeeze %dma_start3A_73 : memref<1x8xi32, #tpu.memory_space<vmem>> -> memref<8xi32, #tpu.memory_space<vmem>>
      %dma_start3A_75 = arith.constant 0 : i32
      %dma_start3A_76 = arith.constant 0 : i32
      %dma_start3A_77 = tpu.memref_slice %arg16[%dma_start3A_75, %dma_start3A_76] : memref<10000x128xf32, #tpu.memory_space<vmem_shared>> -> memref<10000x128xf32, #tpu.memory_space<vmem_shared>>
      tpu.enqueue_indirect_dma source(%dma_start3A_71 : memref<8x128xf32, #tpu.memory_space<vmem>>) target(%dma_start3A_77 : memref<10000x128xf32, #tpu.memory_space<vmem_shared>>) offsets(%dma_start3A_74 : memref<8xi32, #tpu.memory_space<vmem>>) semaphore(%run_scoped3A_68 : memref<!tpu.dma_semaphore, #tpu.memory_space<semaphore_mem>>) {add = true}
      %dma_wait3A_78 = arith.constant 0 : i32
      %dma_wait3A_79 = arith.constant 0 : i32
      %dma_wait3A_80 = tpu.memref_slice %arg14[%dma_wait3A_78, %dma_wait3A_79] : memref<96x128xf32, #tpu.memory_space<vmem>> -> memref<8x128xf32, #tpu.memory_space<vmem>>
      %dma_wait3A_81 = arith.constant 0 : i32
      %dma_wait3A_82 = tpu.memref_slice %arg11[%run_scoped3A_56, %dma_wait3A_81] : memref<1x8xi32, #tpu.memory_space<vmem>> -> memref<1x8xi32, #tpu.memory_space<vmem>>
      %dma_wait3A_83 = tpu.memref_squeeze %dma_wait3A_82 : memref<1x8xi32, #tpu.memory_space<vmem>> -> memref<8xi32, #tpu.memory_space<vmem>>
      %dma_wait3A_84 = arith.constant 0 : i32
      %dma_wait3A_85 = arith.constant 0 : i32
      %dma_wait3A_86 = tpu.memref_slice %arg16[%dma_wait3A_84, %dma_wait3A_85] : memref<10000x128xf32, #tpu.memory_space<vmem_shared>> -> memref<10000x128xf32, #tpu.memory_space<vmem_shared>>
      tpu.wait_indirect_dma semaphore(%run_scoped3A_68 : memref<!tpu.dma_semaphore, #tpu.memory_space<semaphore_mem>>) src(%dma_wait3A_80 : memref<8x128xf32, #tpu.memory_space<vmem>>) dst(%dma_wait3A_86 : memref<10000x128xf32, #tpu.memory_space<vmem_shared>>)
      tpu.yield
    }) : () -> ()
    %barrier3A_57 = arith.constant 0 : index
    tpu.barrier barrier_id(%barrier3A_57)
    %lt3A_58 = arith.constant 15 : i32
    %lt3A_59 = arith.cmpi slt, %arg1, %lt3A_58 : i32
    %convert_element_type3A_60 = arith.extui %lt3A_59 : i1 to i32
    %cond3A_61 = arith.constant 0 : i32
    %cond3A_62 = arith.cmpi ne, %convert_element_type3A_60, %cond3A_61 : i32
    scf.if %cond3A_62 {
      %mul3A = arith.constant 632 : i32
      %mul3A_68 = arith.muli %arg1, %mul3A : i32
      %multiple_of3A_69 = tpu.assume_multiple %mul3A_68, 8 : i32
      "tpu.region"() ({
        %run_scoped3A_70 = tpu.sem_alloc : memref<!tpu.dma_semaphore, #tpu.memory_space<semaphore_mem>>
        %dma_start3A_71 = arith.constant 0 : i32
        %dma_start3A_72 = tpu.memref_slice %arg8[%arg0, %multiple_of3A_69, %dma_start3A_71] : memref<2x10000x128xf32, #tpu.memory_space<hbm>> -> memref<1x632x128xf32, #tpu.memory_space<hbm>>
        %dma_start3A_73 = tpu.memref_squeeze %dma_start3A_72 : memref<1x632x128xf32, #tpu.memory_space<hbm>> -> memref<632x128xf32, #tpu.memory_space<hbm>>
        %dma_start3A_74 = arith.constant 0 : i32
        %dma_start3A_75 = tpu.memref_slice %arg16[%multiple_of3A_69, %dma_start3A_74] : memref<10000x128xf32, #tpu.memory_space<vmem_shared>> -> memref<632x128xf32, #tpu.memory_space<vmem_shared>>
        tpu.enqueue_dma source(%dma_start3A_75 : memref<632x128xf32, #tpu.memory_space<vmem_shared>>) target(%dma_start3A_73 : memref<632x128xf32, #tpu.memory_space<hbm>>) target_semaphore(%run_scoped3A_70 : memref<!tpu.dma_semaphore, #tpu.memory_space<semaphore_mem>>)
        %dma_wait3A_76 = arith.constant 0 : i32
        %dma_wait3A_77 = tpu.memref_slice %arg8[%arg0, %multiple_of3A_69, %dma_wait3A_76] : memref<2x10000x128xf32, #tpu.memory_space<hbm>> -> memref<1x632x128xf32, #tpu.memory_space<hbm>>
        %dma_wait3A_78 = tpu.memref_squeeze %dma_wait3A_77 : memref<1x632x128xf32, #tpu.memory_space<hbm>> -> memref<632x128xf32, #tpu.memory_space<hbm>>
        %dma_wait3A_79 = arith.constant 0 : i32
        %dma_wait3A_80 = tpu.memref_slice %arg16[%multiple_of3A_69, %dma_wait3A_79] : memref<10000x128xf32, #tpu.memory_space<vmem_shared>> -> memref<632x128xf32, #tpu.memory_space<vmem_shared>>
        tpu.wait_dma2 semaphore(%run_scoped3A_70 : memref<!tpu.dma_semaphore, #tpu.memory_space<semaphore_mem>>) src(%dma_wait3A_80 : memref<632x128xf32, #tpu.memory_space<vmem_shared>>) dst(%dma_wait3A_78 : memref<632x128xf32, #tpu.memory_space<hbm>>)
        tpu.yield
      }) : () -> ()
    } else {
    }
    %eq3A_63 = arith.constant 15 : i32
    %eq3A_64 = arith.cmpi eq, %arg1, %eq3A_63 : i32
    %convert_element_type3A_65 = arith.extui %eq3A_64 : i1 to i32
    %cond3A_66 = arith.constant 0 : i32
    %cond3A_67 = arith.cmpi ne, %convert_element_type3A_65, %cond3A_66 : i32
    scf.if %cond3A_67 {
      "tpu.region"() ({
        %run_scoped3A_68 = tpu.sem_alloc : memref<!tpu.dma_semaphore, #tpu.memory_space<semaphore_mem>>
        %dma_start3A_69 = arith.constant 9480 : i32
        %dma_start3A_70 = arith.constant 0 : i32
        %dma_start3A_71 = tpu.memref_slice %arg8[%arg0, %dma_start3A_69, %dma_start3A_70] : memref<2x10000x128xf32, #tpu.memory_space<hbm>> -> memref<1x520x128xf32, #tpu.memory_space<hbm>>
        %dma_start3A_72 = tpu.memref_squeeze %dma_start3A_71 : memref<1x520x128xf32, #tpu.memory_space<hbm>> -> memref<520x128xf32, #tpu.memory_space<hbm>>
        %dma_start3A_73 = arith.constant 9480 : i32
        %dma_start3A_74 = arith.constant 0 : i32
        %dma_start3A_75 = tpu.memref_slice %arg16[%dma_start3A_73, %dma_start3A_74] : memref<10000x128xf32, #tpu.memory_space<vmem_shared>> -> memref<520x128xf32, #tpu.memory_space<vmem_shared>>
        tpu.enqueue_dma source(%dma_start3A_75 : memref<520x128xf32, #tpu.memory_space<vmem_shared>>) target(%dma_start3A_72 : memref<520x128xf32, #tpu.memory_space<hbm>>) target_semaphore(%run_scoped3A_68 : memref<!tpu.dma_semaphore, #tpu.memory_space<semaphore_mem>>)
        %dma_wait3A_76 = arith.constant 9480 : i32
        %dma_wait3A_77 = arith.constant 0 : i32
        %dma_wait3A_78 = tpu.memref_slice %arg8[%arg0, %dma_wait3A_76, %dma_wait3A_77] : memref<2x10000x128xf32, #tpu.memory_space<hbm>> -> memref<1x520x128xf32, #tpu.memory_space<hbm>>
        %dma_wait3A_79 = tpu.memref_squeeze %dma_wait3A_78 : memref<1x520x128xf32, #tpu.memory_space<hbm>> -> memref<520x128xf32, #tpu.memory_space<hbm>>
        %dma_wait3A_80 = arith.constant 9480 : i32
        %dma_wait3A_81 = arith.constant 0 : i32
        %dma_wait3A_82 = tpu.memref_slice %arg16[%dma_wait3A_80, %dma_wait3A_81] : memref<10000x128xf32, #tpu.memory_space<vmem_shared>> -> memref<520x128xf32, #tpu.memory_space<vmem_shared>>
        tpu.wait_dma2 semaphore(%run_scoped3A_68 : memref<!tpu.dma_semaphore, #tpu.memory_space<semaphore_mem>>) src(%dma_wait3A_82 : memref<520x128xf32, #tpu.memory_space<vmem_shared>>) dst(%dma_wait3A_79 : memref<520x128xf32, #tpu.memory_space<hbm>>)
        tpu.yield
      }) : () -> ()
    } else {
    }
    return
  }
}

#map = affine_map<(d0, d1) -> (0, 0, 0, 0)>
#map1 = affine_map<(d0, d1) -> (0)>
#map2 = affine_map<(d0, d1) -> (0, 0)>
module attributes {stable_mosaic.version = 14 : i64} {
  func.func @deg_kernel(%arg0: i32, %arg1: i32, %arg2: memref<2x16x52x96xi32, #tpu.memory_space<hbm>>, %arg3: memref<2x16x1x8xi32, #tpu.memory_space<hbm>>, %arg4: memref<10000xf32, #tpu.memory_space<hbm>>, %arg5: memref<2x10000xf32, #tpu.memory_space<hbm>>, %arg6: memref<52x96xi32, #tpu.memory_space<vmem>>, %arg7: memref<1x8xi32, #tpu.memory_space<vmem>>, %arg8: memref<96xf32, #tpu.memory_space<vmem>>, %arg9: memref<10000xf32, #tpu.memory_space<vmem_shared>>) attributes {dimension_semantics = [#tpu.dimension_semantics<core_parallel>, #tpu.dimension_semantics<subcore_parallel>], iteration_bounds = array<i64: 2, 16>, scalar_prefetch = 0 : i64, scratch_operands = 4 : i64, tpu.core_type = #tpu.core_type<sc_vector_subcore>, window_params = [{transform_indices = #map}, {transform_indices = #map}, {transform_indices = #map1}, {transform_indices = #map2}]} {
    "tpu.region"() ({
      %run_scoped3A_47 = tpu.sem_alloc : memref<!tpu.dma_semaphore, #tpu.memory_space<semaphore_mem>>
      %dma_start3A = arith.constant 0 : i32
      %dma_start3A_48 = arith.constant 0 : i32
      %dma_start3A_49 = tpu.memref_slice %arg2[%arg0, %arg1, %dma_start3A, %dma_start3A_48] : memref<2x16x52x96xi32, #tpu.memory_space<hbm>> -> memref<1x1x52x96xi32, #tpu.memory_space<hbm>>
      %dma_start3A_50 = tpu.memref_squeeze %dma_start3A_49 : memref<1x1x52x96xi32, #tpu.memory_space<hbm>> -> memref<52x96xi32, #tpu.memory_space<hbm>>
      %dma_start3A_51 = arith.constant 0 : i32
      %dma_start3A_52 = arith.constant 0 : i32
      %dma_start3A_53 = tpu.memref_slice %arg2[%arg0, %arg1, %dma_start3A_51, %dma_start3A_52] : memref<2x16x52x96xi32, #tpu.memory_space<hbm>> -> memref<1x1x52x96xi32, #tpu.memory_space<hbm>>
      %dma_start3A_54 = tpu.memref_squeeze %dma_start3A_53 : memref<1x1x52x96xi32, #tpu.memory_space<hbm>> -> memref<52x96xi32, #tpu.memory_space<hbm>>
      tpu.enqueue_dma source(%dma_start3A_54 : memref<52x96xi32, #tpu.memory_space<hbm>>) target(%arg6 : memref<52x96xi32, #tpu.memory_space<vmem>>) target_semaphore(%run_scoped3A_47 : memref<!tpu.dma_semaphore, #tpu.memory_space<semaphore_mem>>)
      %dma_wait3A = arith.constant 0 : i32
      %dma_wait3A_55 = arith.constant 0 : i32
      %dma_wait3A_56 = tpu.memref_slice %arg2[%arg0, %arg1, %dma_wait3A, %dma_wait3A_55] : memref<2x16x52x96xi32, #tpu.memory_space<hbm>> -> memref<1x1x52x96xi32, #tpu.memory_space<hbm>>
      %dma_wait3A_57 = tpu.memref_squeeze %dma_wait3A_56 : memref<1x1x52x96xi32, #tpu.memory_space<hbm>> -> memref<52x96xi32, #tpu.memory_space<hbm>>
      %dma_wait3A_58 = arith.constant 0 : i32
      %dma_wait3A_59 = arith.constant 0 : i32
      %dma_wait3A_60 = tpu.memref_slice %arg2[%arg0, %arg1, %dma_wait3A_58, %dma_wait3A_59] : memref<2x16x52x96xi32, #tpu.memory_space<hbm>> -> memref<1x1x52x96xi32, #tpu.memory_space<hbm>>
      %dma_wait3A_61 = tpu.memref_squeeze %dma_wait3A_60 : memref<1x1x52x96xi32, #tpu.memory_space<hbm>> -> memref<52x96xi32, #tpu.memory_space<hbm>>
      tpu.wait_dma2 semaphore(%run_scoped3A_47 : memref<!tpu.dma_semaphore, #tpu.memory_space<semaphore_mem>>) src(%dma_wait3A_61 : memref<52x96xi32, #tpu.memory_space<hbm>>) dst(%arg6 : memref<52x96xi32, #tpu.memory_space<vmem>>)
      tpu.yield
    }) : () -> ()
    "tpu.region"() ({
      %run_scoped3A_47 = tpu.sem_alloc : memref<!tpu.dma_semaphore, #tpu.memory_space<semaphore_mem>>
      %dma_start3A = arith.constant 0 : i32
      %dma_start3A_48 = arith.constant 0 : i32
      %dma_start3A_49 = tpu.memref_slice %arg3[%arg0, %arg1, %dma_start3A, %dma_start3A_48] : memref<2x16x1x8xi32, #tpu.memory_space<hbm>> -> memref<1x1x1x8xi32, #tpu.memory_space<hbm>>
      %dma_start3A_50 = tpu.memref_squeeze %dma_start3A_49 : memref<1x1x1x8xi32, #tpu.memory_space<hbm>> -> memref<1x8xi32, #tpu.memory_space<hbm>>
      %dma_start3A_51 = arith.constant 0 : i32
      %dma_start3A_52 = arith.constant 0 : i32
      %dma_start3A_53 = tpu.memref_slice %arg3[%arg0, %arg1, %dma_start3A_51, %dma_start3A_52] : memref<2x16x1x8xi32, #tpu.memory_space<hbm>> -> memref<1x1x1x8xi32, #tpu.memory_space<hbm>>
      %dma_start3A_54 = tpu.memref_squeeze %dma_start3A_53 : memref<1x1x1x8xi32, #tpu.memory_space<hbm>> -> memref<1x8xi32, #tpu.memory_space<hbm>>
      tpu.enqueue_dma source(%dma_start3A_54 : memref<1x8xi32, #tpu.memory_space<hbm>>) target(%arg7 : memref<1x8xi32, #tpu.memory_space<vmem>>) target_semaphore(%run_scoped3A_47 : memref<!tpu.dma_semaphore, #tpu.memory_space<semaphore_mem>>)
      %dma_wait3A = arith.constant 0 : i32
      %dma_wait3A_55 = arith.constant 0 : i32
      %dma_wait3A_56 = tpu.memref_slice %arg3[%arg0, %arg1, %dma_wait3A, %dma_wait3A_55] : memref<2x16x1x8xi32, #tpu.memory_space<hbm>> -> memref<1x1x1x8xi32, #tpu.memory_space<hbm>>
      %dma_wait3A_57 = tpu.memref_squeeze %dma_wait3A_56 : memref<1x1x1x8xi32, #tpu.memory_space<hbm>> -> memref<1x8xi32, #tpu.memory_space<hbm>>
      %dma_wait3A_58 = arith.constant 0 : i32
      %dma_wait3A_59 = arith.constant 0 : i32
      %dma_wait3A_60 = tpu.memref_slice %arg3[%arg0, %arg1, %dma_wait3A_58, %dma_wait3A_59] : memref<2x16x1x8xi32, #tpu.memory_space<hbm>> -> memref<1x1x1x8xi32, #tpu.memory_space<hbm>>
      %dma_wait3A_61 = tpu.memref_squeeze %dma_wait3A_60 : memref<1x1x1x8xi32, #tpu.memory_space<hbm>> -> memref<1x8xi32, #tpu.memory_space<hbm>>
      tpu.wait_dma2 semaphore(%run_scoped3A_47 : memref<!tpu.dma_semaphore, #tpu.memory_space<semaphore_mem>>) src(%dma_wait3A_61 : memref<1x8xi32, #tpu.memory_space<hbm>>) dst(%arg7 : memref<1x8xi32, #tpu.memory_space<vmem>>)
      tpu.yield
    }) : () -> ()
    %broadcast_in_dim3A = arith.constant 1.000000e+00 : f32
    %broadcast_in_dim3A_0 = vector.broadcast %broadcast_in_dim3A : f32 to vector<16xf32>
    %swap3A = arith.constant 0 : index
    %swap3A_1 = tpu.vector_load %arg8[%swap3A] {strides = array<i32>} : memref<96xf32, #tpu.memory_space<vmem>>, vector<16xf32>,
    %swap3A_2 = vector.shape_cast %swap3A_1 : vector<16xf32> to vector<16xf32>
    %swap3A_3 = vector.shape_cast %broadcast_in_dim3A_0 : vector<16xf32> to vector<16xf32>
    tpu.vector_store %arg8[%swap3A], %swap3A_3 {strides = array<i32>} : memref<96xf32, #tpu.memory_space<vmem>>, vector<16xf32>,
    %broadcast_in_dim3A_4 = arith.constant 1.000000e+00 : f32
    %broadcast_in_dim3A_5 = vector.broadcast %broadcast_in_dim3A_4 : f32 to vector<16xf32>
    %swap3A_6 = arith.constant 16 : index
    %swap3A_7 = tpu.vector_load %arg8[%swap3A_6] {strides = array<i32>} : memref<96xf32, #tpu.memory_space<vmem>>, vector<16xf32>,
    %swap3A_8 = vector.shape_cast %swap3A_7 : vector<16xf32> to vector<16xf32>
    %swap3A_9 = vector.shape_cast %broadcast_in_dim3A_5 : vector<16xf32> to vector<16xf32>
    tpu.vector_store %arg8[%swap3A_6], %swap3A_9 {strides = array<i32>} : memref<96xf32, #tpu.memory_space<vmem>>, vector<16xf32>,
    %broadcast_in_dim3A_10 = arith.constant 1.000000e+00 : f32
    %broadcast_in_dim3A_11 = vector.broadcast %broadcast_in_dim3A_10 : f32 to vector<16xf32>
    %swap3A_12 = arith.constant 32 : index
    %swap3A_13 = tpu.vector_load %arg8[%swap3A_12] {strides = array<i32>} : memref<96xf32, #tpu.memory_space<vmem>>, vector<16xf32>,
    %swap3A_14 = vector.shape_cast %swap3A_13 : vector<16xf32> to vector<16xf32>
    %swap3A_15 = vector.shape_cast %broadcast_in_dim3A_11 : vector<16xf32> to vector<16xf32>
    tpu.vector_store %arg8[%swap3A_12], %swap3A_15 {strides = array<i32>} : memref<96xf32, #tpu.memory_space<vmem>>, vector<16xf32>,
    %broadcast_in_dim3A_16 = arith.constant 1.000000e+00 : f32
    %broadcast_in_dim3A_17 = vector.broadcast %broadcast_in_dim3A_16 : f32 to vector<16xf32>
    %swap3A_18 = arith.constant 48 : index
    %swap3A_19 = tpu.vector_load %arg8[%swap3A_18] {strides = array<i32>} : memref<96xf32, #tpu.memory_space<vmem>>, vector<16xf32>,
    %swap3A_20 = vector.shape_cast %swap3A_19 : vector<16xf32> to vector<16xf32>
    %swap3A_21 = vector.shape_cast %broadcast_in_dim3A_17 : vector<16xf32> to vector<16xf32>
    tpu.vector_store %arg8[%swap3A_18], %swap3A_21 {strides = array<i32>} : memref<96xf32, #tpu.memory_space<vmem>>, vector<16xf32>,
    %broadcast_in_dim3A_22 = arith.constant 1.000000e+00 : f32
    %broadcast_in_dim3A_23 = vector.broadcast %broadcast_in_dim3A_22 : f32 to vector<16xf32>
    %swap3A_24 = arith.constant 64 : index
    %swap3A_25 = tpu.vector_load %arg8[%swap3A_24] {strides = array<i32>} : memref<96xf32, #tpu.memory_space<vmem>>, vector<16xf32>,
    %swap3A_26 = vector.shape_cast %swap3A_25 : vector<16xf32> to vector<16xf32>
    %swap3A_27 = vector.shape_cast %broadcast_in_dim3A_23 : vector<16xf32> to vector<16xf32>
    tpu.vector_store %arg8[%swap3A_24], %swap3A_27 {strides = array<i32>} : memref<96xf32, #tpu.memory_space<vmem>>, vector<16xf32>,
    %broadcast_in_dim3A_28 = arith.constant 1.000000e+00 : f32
    %broadcast_in_dim3A_29 = vector.broadcast %broadcast_in_dim3A_28 : f32 to vector<16xf32>
    %swap3A_30 = arith.constant 80 : index
    %swap3A_31 = tpu.vector_load %arg8[%swap3A_30] {strides = array<i32>} : memref<96xf32, #tpu.memory_space<vmem>>, vector<16xf32>,
    %swap3A_32 = vector.shape_cast %swap3A_31 : vector<16xf32> to vector<16xf32>
    %swap3A_33 = vector.shape_cast %broadcast_in_dim3A_29 : vector<16xf32> to vector<16xf32>
    tpu.vector_store %arg8[%swap3A_30], %swap3A_33 {strides = array<i32>} : memref<96xf32, #tpu.memory_space<vmem>>, vector<16xf32>,
    %eq3A = arith.constant 0 : i32
    %eq3A_34 = arith.cmpi eq, %arg1, %eq3A : i32
    %convert_element_type3A = arith.extui %eq3A_34 : i1 to i32
    %cond3A = arith.constant 0 : i32
    %cond3A_35 = arith.cmpi ne, %convert_element_type3A, %cond3A : i32
    scf.if %cond3A_35 {
      "tpu.region"() ({
        %run_scoped3A_47 = tpu.sem_alloc : memref<!tpu.dma_semaphore, #tpu.memory_space<semaphore_mem>>
        tpu.enqueue_dma source(%arg4 : memref<10000xf32, #tpu.memory_space<hbm>>) target(%arg9 : memref<10000xf32, #tpu.memory_space<vmem_shared>>) target_semaphore(%run_scoped3A_47 : memref<!tpu.dma_semaphore, #tpu.memory_space<semaphore_mem>>)
        tpu.wait_dma2 semaphore(%run_scoped3A_47 : memref<!tpu.dma_semaphore, #tpu.memory_space<semaphore_mem>>) src(%arg4 : memref<10000xf32, #tpu.memory_space<hbm>>) dst(%arg9 : memref<10000xf32, #tpu.memory_space<vmem_shared>>)
        tpu.yield
      }) : () -> ()
    } else {
    }
    %barrier3A = arith.constant 0 : index
    tpu.barrier barrier_id(%barrier3A)
    %scan3A = arith.constant 0 : i32
    %scan3A_36 = arith.constant 0 : i32
    %scan3A_37 = arith.constant 52 : i32
    %scan3A_38 = arith.addi %scan3A_36, %scan3A_37 : i32
    %scan3A_39 = arith.constant 1 : i32
    scf.for %scan3A_47 = %scan3A_36 to %scan3A_38 step %scan3A_39  : i32 {
      "tpu.region"() ({
        %run_scoped3A_48 = tpu.sem_alloc : memref<!tpu.dma_semaphore, #tpu.memory_space<semaphore_mem>>
        %dma_start3A = arith.constant 0 : i32
        %dma_start3A_49 = tpu.memref_slice %arg8[%dma_start3A] : memref<96xf32, #tpu.memory_space<vmem>> -> memref<96xf32, #tpu.memory_space<vmem>>
        %dma_start3A_50 = arith.constant 0 : i32
        %dma_start3A_51 = tpu.memref_slice %arg6[%scan3A_47, %dma_start3A_50] : memref<52x96xi32, #tpu.memory_space<vmem>> -> memref<1x96xi32, #tpu.memory_space<vmem>>
        %dma_start3A_52 = tpu.memref_squeeze %dma_start3A_51 : memref<1x96xi32, #tpu.memory_space<vmem>> -> memref<96xi32, #tpu.memory_space<vmem>>
        %dma_start3A_53 = arith.constant 0 : i32
        %dma_start3A_54 = tpu.memref_slice %arg9[%dma_start3A_53] : memref<10000xf32, #tpu.memory_space<vmem_shared>> -> memref<10000xf32, #tpu.memory_space<vmem_shared>>
        tpu.enqueue_indirect_dma source(%dma_start3A_49 : memref<96xf32, #tpu.memory_space<vmem>>) target(%dma_start3A_54 : memref<10000xf32, #tpu.memory_space<vmem_shared>>) offsets(%dma_start3A_52 : memref<96xi32, #tpu.memory_space<vmem>>) semaphore(%run_scoped3A_48 : memref<!tpu.dma_semaphore, #tpu.memory_space<semaphore_mem>>) {add = true}
        %dma_wait3A = arith.constant 0 : i32
        %dma_wait3A_55 = tpu.memref_slice %arg8[%dma_wait3A] : memref<96xf32, #tpu.memory_space<vmem>> -> memref<96xf32, #tpu.memory_space<vmem>>
        %dma_wait3A_56 = arith.constant 0 : i32
        %dma_wait3A_57 = tpu.memref_slice %arg6[%scan3A_47, %dma_wait3A_56] : memref<52x96xi32, #tpu.memory_space<vmem>> -> memref<1x96xi32, #tpu.memory_space<vmem>>
        %dma_wait3A_58 = tpu.memref_squeeze %dma_wait3A_57 : memref<1x96xi32, #tpu.memory_space<vmem>> -> memref<96xi32, #tpu.memory_space<vmem>>
        %dma_wait3A_59 = arith.constant 0 : i32
        %dma_wait3A_60 = tpu.memref_slice %arg9[%dma_wait3A_59] : memref<10000xf32, #tpu.memory_space<vmem_shared>> -> memref<10000xf32, #tpu.memory_space<vmem_shared>>
        tpu.wait_indirect_dma semaphore(%run_scoped3A_48 : memref<!tpu.dma_semaphore, #tpu.memory_space<semaphore_mem>>) src(%dma_wait3A_55 : memref<96xf32, #tpu.memory_space<vmem>>) dst(%dma_wait3A_60 : memref<10000xf32, #tpu.memory_space<vmem_shared>>)
        tpu.yield
      }) : () -> ()
    }
    %scan3A_40 = arith.constant 52 : i32
    %run_scoped3A = arith.constant 0 : i32
    "tpu.region"() ({
      %run_scoped3A_47 = tpu.sem_alloc : memref<!tpu.dma_semaphore, #tpu.memory_space<semaphore_mem>>
      %dma_start3A = arith.constant 0 : i32
      %dma_start3A_48 = tpu.memref_slice %arg8[%dma_start3A] : memref<96xf32, #tpu.memory_space<vmem>> -> memref<8xf32, #tpu.memory_space<vmem>>
      %dma_start3A_49 = arith.constant 0 : i32
      %dma_start3A_50 = tpu.memref_slice %arg7[%run_scoped3A, %dma_start3A_49] : memref<1x8xi32, #tpu.memory_space<vmem>> -> memref<1x8xi32, #tpu.memory_space<vmem>>
      %dma_start3A_51 = tpu.memref_squeeze %dma_start3A_50 : memref<1x8xi32, #tpu.memory_space<vmem>> -> memref<8xi32, #tpu.memory_space<vmem>>
      %dma_start3A_52 = arith.constant 0 : i32
      %dma_start3A_53 = tpu.memref_slice %arg9[%dma_start3A_52] : memref<10000xf32, #tpu.memory_space<vmem_shared>> -> memref<10000xf32, #tpu.memory_space<vmem_shared>>
      tpu.enqueue_indirect_dma source(%dma_start3A_48 : memref<8xf32, #tpu.memory_space<vmem>>) target(%dma_start3A_53 : memref<10000xf32, #tpu.memory_space<vmem_shared>>) offsets(%dma_start3A_51 : memref<8xi32, #tpu.memory_space<vmem>>) semaphore(%run_scoped3A_47 : memref<!tpu.dma_semaphore, #tpu.memory_space<semaphore_mem>>) {add = true}
      %dma_wait3A = arith.constant 0 : i32
      %dma_wait3A_54 = tpu.memref_slice %arg8[%dma_wait3A] : memref<96xf32, #tpu.memory_space<vmem>> -> memref<8xf32, #tpu.memory_space<vmem>>
      %dma_wait3A_55 = arith.constant 0 : i32
      %dma_wait3A_56 = tpu.memref_slice %arg7[%run_scoped3A, %dma_wait3A_55] : memref<1x8xi32, #tpu.memory_space<vmem>> -> memref<1x8xi32, #tpu.memory_space<vmem>>
      %dma_wait3A_57 = tpu.memref_squeeze %dma_wait3A_56 : memref<1x8xi32, #tpu.memory_space<vmem>> -> memref<8xi32, #tpu.memory_space<vmem>>
      %dma_wait3A_58 = arith.constant 0 : i32
      %dma_wait3A_59 = tpu.memref_slice %arg9[%dma_wait3A_58] : memref<10000xf32, #tpu.memory_space<vmem_shared>> -> memref<10000xf32, #tpu.memory_space<vmem_shared>>
      tpu.wait_indirect_dma semaphore(%run_scoped3A_47 : memref<!tpu.dma_semaphore, #tpu.memory_space<semaphore_mem>>) src(%dma_wait3A_54 : memref<8xf32, #tpu.memory_space<vmem>>) dst(%dma_wait3A_59 : memref<10000xf32, #tpu.memory_space<vmem_shared>>)
      tpu.yield
    }) : () -> ()
    %barrier3A_41 = arith.constant 0 : index
    tpu.barrier barrier_id(%barrier3A_41)
    %eq3A_42 = arith.constant 0 : i32
    %eq3A_43 = arith.cmpi eq, %arg1, %eq3A_42 : i32
    %convert_element_type3A_44 = arith.extui %eq3A_43 : i1 to i32
    %cond3A_45 = arith.constant 0 : i32
    %cond3A_46 = arith.cmpi ne, %convert_element_type3A_44, %cond3A_45 : i32
    scf.if %cond3A_46 {
      "tpu.region"() ({
        %run_scoped3A_47 = tpu.sem_alloc : memref<!tpu.dma_semaphore, #tpu.memory_space<semaphore_mem>>
        %dma_start3A = arith.constant 0 : i32
        %dma_start3A_48 = tpu.memref_slice %arg5[%arg0, %dma_start3A] : memref<2x10000xf32, #tpu.memory_space<hbm>> -> memref<1x10000xf32, #tpu.memory_space<hbm>>
        %dma_start3A_49 = tpu.memref_squeeze %dma_start3A_48 : memref<1x10000xf32, #tpu.memory_space<hbm>> -> memref<10000xf32, #tpu.memory_space<hbm>>
        tpu.enqueue_dma source(%arg9 : memref<10000xf32, #tpu.memory_space<vmem_shared>>) target(%dma_start3A_49 : memref<10000xf32, #tpu.memory_space<hbm>>) target_semaphore(%run_scoped3A_47 : memref<!tpu.dma_semaphore, #tpu.memory_space<semaphore_mem>>)
        %dma_wait3A = arith.constant 0 : i32
        %dma_wait3A_50 = tpu.memref_slice %arg5[%arg0, %dma_wait3A] : memref<2x10000xf32, #tpu.memory_space<hbm>> -> memref<1x10000xf32, #tpu.memory_space<hbm>>
        %dma_wait3A_51 = tpu.memref_squeeze %dma_wait3A_50 : memref<1x10000xf32, #tpu.memory_space<hbm>> -> memref<10000xf32, #tpu.memory_space<hbm>>
        tpu.wait_dma2 semaphore(%run_scoped3A_47 : memref<!tpu.dma_semaphore, #tpu.memory_space<semaphore_mem>>) src(%arg9 : memref<10000xf32, #tpu.memory_space<vmem_shared>>) dst(%dma_wait3A_51 : memref<10000xf32, #tpu.memory_space<hbm>>)
        tpu.yield
      }) : () -> ()
    } else {
    }
    return
  }
}

#map = affine_map<(d0, d1) -> (0, 0)>
#map1 = affine_map<(d0, d1) -> (0, 0, 0)>
#map2 = affine_map<(d0, d1) -> (0, 0, 0, 0)>
#map3 = affine_map<(d0, d1) -> (0)>
module attributes {stable_mosaic.version = 14 : i64} {
  func.func @edge_sum(%arg0: i32, %arg1: i32, %arg2: memref<20000x128xf32, #tpu.memory_space<hbm>>, %arg3: memref<632x128xf32, #tpu.memory_space<hbm>>, %arg4: memref<2x16x5008xi32, #tpu.memory_space<hbm>>, %arg5: memref<2x16x52x96xi32, #tpu.memory_space<hbm>>, %arg6: memref<2x16x1x8xi32, #tpu.memory_space<hbm>>, %arg7: memref<16xi32, #tpu.memory_space<hbm>>, %arg8: memref<2x10000x128xf32, #tpu.memory_space<hbm>>, %arg9: memref<5008xi32, #tpu.memory_space<vmem>>, %arg10: memref<52x96xi32, #tpu.memory_space<vmem>>, %arg11: memref<1x8xi32, #tpu.memory_space<vmem>>, %arg12: memref<16xi32, #tpu.memory_space<vmem>>, %arg13: memref<96x128xf32, #tpu.memory_space<vmem>>, %arg14: memref<96x128xf32, #tpu.memory_space<vmem>>, %arg15: memref<96x128xf32, #tpu.memory_space<vmem>>, %arg16: memref<10000x128xf32, #tpu.memory_space<vmem_shared>>, %arg17: memref<!tpu.dma_semaphore, #tpu.memory_space<semaphore_mem>>, %arg18: memref<!tpu.dma_semaphore, #tpu.memory_space<semaphore_mem>>, %arg19: memref<!tpu.dma_semaphore, #tpu.memory_space<semaphore_mem>>) attributes {dimension_semantics = [#tpu.dimension_semantics<core_parallel>, #tpu.dimension_semantics<subcore_parallel>], iteration_bounds = array<i64: 2, 16>, scalar_prefetch = 0 : i64, scratch_operands = 11 : i64, tpu.core_type = #tpu.core_type<sc_vector_subcore>, window_params = [{transform_indices = #map}, {transform_indices = #map}, {transform_indices = #map1}, {transform_indices = #map2}, {transform_indices = #map2}, {transform_indices = #map3}, {transform_indices = #map1}]} {
    "tpu.region"() ({
      %run_scoped3A_68 = tpu.sem_alloc : memref<!tpu.dma_semaphore, #tpu.memory_space<semaphore_mem>>
      %dma_start3A_69 = arith.constant 0 : i32
      %dma_start3A_70 = tpu.memref_slice %arg4[%arg0, %arg1, %dma_start3A_69] : memref<2x16x5008xi32, #tpu.memory_space<hbm>> -> memref<1x1x5008xi32, #tpu.memory_space<hbm>>
      %dma_start3A_71 = tpu.memref_squeeze %dma_start3A_70 : memref<1x1x5008xi32, #tpu.memory_space<hbm>> -> memref<5008xi32, #tpu.memory_space<hbm>>
      %dma_start3A_72 = arith.constant 0 : i32
      %dma_start3A_73 = tpu.memref_slice %arg4[%arg0, %arg1, %dma_start3A_72] : memref<2x16x5008xi32, #tpu.memory_space<hbm>> -> memref<1x1x5008xi32, #tpu.memory_space<hbm>>
      %dma_start3A_74 = tpu.memref_squeeze %dma_start3A_73 : memref<1x1x5008xi32, #tpu.memory_space<hbm>> -> memref<5008xi32, #tpu.memory_space<hbm>>
      tpu.enqueue_dma source(%dma_start3A_74 : memref<5008xi32, #tpu.memory_space<hbm>>) target(%arg9 : memref<5008xi32, #tpu.memory_space<vmem>>) target_semaphore(%run_scoped3A_68 : memref<!tpu.dma_semaphore, #tpu.memory_space<semaphore_mem>>)
      %dma_wait3A_75 = arith.constant 0 : i32
      %dma_wait3A_76 = tpu.memref_slice %arg4[%arg0, %arg1, %dma_wait3A_75] : memref<2x16x5008xi32, #tpu.memory_space<hbm>> -> memref<1x1x5008xi32, #tpu.memory_space<hbm>>
      %dma_wait3A_77 = tpu.memref_squeeze %dma_wait3A_76 : memref<1x1x5008xi32, #tpu.memory_space<hbm>> -> memref<5008xi32, #tpu.memory_space<hbm>>
      %dma_wait3A_78 = arith.constant 0 : i32
      %dma_wait3A_79 = tpu.memref_slice %arg4[%arg0, %arg1, %dma_wait3A_78] : memref<2x16x5008xi32, #tpu.memory_space<hbm>> -> memref<1x1x5008xi32, #tpu.memory_space<hbm>>
      %dma_wait3A_80 = tpu.memref_squeeze %dma_wait3A_79 : memref<1x1x5008xi32, #tpu.memory_space<hbm>> -> memref<5008xi32, #tpu.memory_space<hbm>>
      tpu.wait_dma2 semaphore(%run_scoped3A_68 : memref<!tpu.dma_semaphore, #tpu.memory_space<semaphore_mem>>) src(%dma_wait3A_80 : memref<5008xi32, #tpu.memory_space<hbm>>) dst(%arg9 : memref<5008xi32, #tpu.memory_space<vmem>>)
      tpu.yield
    }) : () -> ()
    "tpu.region"() ({
      %run_scoped3A_68 = tpu.sem_alloc : memref<!tpu.dma_semaphore, #tpu.memory_space<semaphore_mem>>
      %dma_start3A_69 = arith.constant 0 : i32
      %dma_start3A_70 = arith.constant 0 : i32
      %dma_start3A_71 = tpu.memref_slice %arg5[%arg0, %arg1, %dma_start3A_69, %dma_start3A_70] : memref<2x16x52x96xi32, #tpu.memory_space<hbm>> -> memref<1x1x52x96xi32, #tpu.memory_space<hbm>>
      %dma_start3A_72 = tpu.memref_squeeze %dma_start3A_71 : memref<1x1x52x96xi32, #tpu.memory_space<hbm>> -> memref<52x96xi32, #tpu.memory_space<hbm>>
      %dma_start3A_73 = arith.constant 0 : i32
      %dma_start3A_74 = arith.constant 0 : i32
      %dma_start3A_75 = tpu.memref_slice %arg5[%arg0, %arg1, %dma_start3A_73, %dma_start3A_74] : memref<2x16x52x96xi32, #tpu.memory_space<hbm>> -> memref<1x1x52x96xi32, #tpu.memory_space<hbm>>
      %dma_start3A_76 = tpu.memref_squeeze %dma_start3A_75 : memref<1x1x52x96xi32, #tpu.memory_space<hbm>> -> memref<52x96xi32, #tpu.memory_space<hbm>>
      tpu.enqueue_dma source(%dma_start3A_76 : memref<52x96xi32, #tpu.memory_space<hbm>>) target(%arg10 : memref<52x96xi32, #tpu.memory_space<vmem>>) target_semaphore(%run_scoped3A_68 : memref<!tpu.dma_semaphore, #tpu.memory_space<semaphore_mem>>)
      %dma_wait3A_77 = arith.constant 0 : i32
      %dma_wait3A_78 = arith.constant 0 : i32
      %dma_wait3A_79 = tpu.memref_slice %arg5[%arg0, %arg1, %dma_wait3A_77, %dma_wait3A_78] : memref<2x16x52x96xi32, #tpu.memory_space<hbm>> -> memref<1x1x52x96xi32, #tpu.memory_space<hbm>>
      %dma_wait3A_80 = tpu.memref_squeeze %dma_wait3A_79 : memref<1x1x52x96xi32, #tpu.memory_space<hbm>> -> memref<52x96xi32, #tpu.memory_space<hbm>>
      %dma_wait3A_81 = arith.constant 0 : i32
      %dma_wait3A_82 = arith.constant 0 : i32
      %dma_wait3A_83 = tpu.memref_slice %arg5[%arg0, %arg1, %dma_wait3A_81, %dma_wait3A_82] : memref<2x16x52x96xi32, #tpu.memory_space<hbm>> -> memref<1x1x52x96xi32, #tpu.memory_space<hbm>>
      %dma_wait3A_84 = tpu.memref_squeeze %dma_wait3A_83 : memref<1x1x52x96xi32, #tpu.memory_space<hbm>> -> memref<52x96xi32, #tpu.memory_space<hbm>>
      tpu.wait_dma2 semaphore(%run_scoped3A_68 : memref<!tpu.dma_semaphore, #tpu.memory_space<semaphore_mem>>) src(%dma_wait3A_84 : memref<52x96xi32, #tpu.memory_space<hbm>>) dst(%arg10 : memref<52x96xi32, #tpu.memory_space<vmem>>)
      tpu.yield
    }) : () -> ()
    "tpu.region"() ({
      %run_scoped3A_68 = tpu.sem_alloc : memref<!tpu.dma_semaphore, #tpu.memory_space<semaphore_mem>>
      %dma_start3A_69 = arith.constant 0 : i32
      %dma_start3A_70 = arith.constant 0 : i32
      %dma_start3A_71 = tpu.memref_slice %arg6[%arg0, %arg1, %dma_start3A_69, %dma_start3A_70] : memref<2x16x1x8xi32, #tpu.memory_space<hbm>> -> memref<1x1x1x8xi32, #tpu.memory_space<hbm>>
      %dma_start3A_72 = tpu.memref_squeeze %dma_start3A_71 : memref<1x1x1x8xi32, #tpu.memory_space<hbm>> -> memref<1x8xi32, #tpu.memory_space<hbm>>
      %dma_start3A_73 = arith.constant 0 : i32
      %dma_start3A_74 = arith.constant 0 : i32
      %dma_start3A_75 = tpu.memref_slice %arg6[%arg0, %arg1, %dma_start3A_73, %dma_start3A_74] : memref<2x16x1x8xi32, #tpu.memory_space<hbm>> -> memref<1x1x1x8xi32, #tpu.memory_space<hbm>>
      %dma_start3A_76 = tpu.memref_squeeze %dma_start3A_75 : memref<1x1x1x8xi32, #tpu.memory_space<hbm>> -> memref<1x8xi32, #tpu.memory_space<hbm>>
      tpu.enqueue_dma source(%dma_start3A_76 : memref<1x8xi32, #tpu.memory_space<hbm>>) target(%arg11 : memref<1x8xi32, #tpu.memory_space<vmem>>) target_semaphore(%run_scoped3A_68 : memref<!tpu.dma_semaphore, #tpu.memory_space<semaphore_mem>>)
      %dma_wait3A_77 = arith.constant 0 : i32
      %dma_wait3A_78 = arith.constant 0 : i32
      %dma_wait3A_79 = tpu.memref_slice %arg6[%arg0, %arg1, %dma_wait3A_77, %dma_wait3A_78] : memref<2x16x1x8xi32, #tpu.memory_space<hbm>> -> memref<1x1x1x8xi32, #tpu.memory_space<hbm>>
      %dma_wait3A_80 = tpu.memref_squeeze %dma_wait3A_79 : memref<1x1x1x8xi32, #tpu.memory_space<hbm>> -> memref<1x8xi32, #tpu.memory_space<hbm>>
      %dma_wait3A_81 = arith.constant 0 : i32
      %dma_wait3A_82 = arith.constant 0 : i32
      %dma_wait3A_83 = tpu.memref_slice %arg6[%arg0, %arg1, %dma_wait3A_81, %dma_wait3A_82] : memref<2x16x1x8xi32, #tpu.memory_space<hbm>> -> memref<1x1x1x8xi32, #tpu.memory_space<hbm>>
      %dma_wait3A_84 = tpu.memref_squeeze %dma_wait3A_83 : memref<1x1x1x8xi32, #tpu.memory_space<hbm>> -> memref<1x8xi32, #tpu.memory_space<hbm>>
      tpu.wait_dma2 semaphore(%run_scoped3A_68 : memref<!tpu.dma_semaphore, #tpu.memory_space<semaphore_mem>>) src(%dma_wait3A_84 : memref<1x8xi32, #tpu.memory_space<hbm>>) dst(%arg11 : memref<1x8xi32, #tpu.memory_space<vmem>>)
      tpu.yield
    }) : () -> ()
    "tpu.region"() ({
      %run_scoped3A_68 = tpu.sem_alloc : memref<!tpu.dma_semaphore, #tpu.memory_space<semaphore_mem>>
      tpu.enqueue_dma source(%arg7 : memref<16xi32, #tpu.memory_space<hbm>>) target(%arg12 : memref<16xi32, #tpu.memory_space<vmem>>) target_semaphore(%run_scoped3A_68 : memref<!tpu.dma_semaphore, #tpu.memory_space<semaphore_mem>>)
      tpu.wait_dma2 semaphore(%run_scoped3A_68 : memref<!tpu.dma_semaphore, #tpu.memory_space<semaphore_mem>>) src(%arg7 : memref<16xi32, #tpu.memory_space<hbm>>) dst(%arg12 : memref<16xi32, #tpu.memory_space<vmem>>)
      tpu.yield
    }) : () -> ()
    %lt3A = arith.constant 15 : i32
    %lt3A_0 = arith.cmpi slt, %arg1, %lt3A : i32
    %convert_element_type3A = arith.extui %lt3A_0 : i1 to i32
    %cond3A = arith.constant 0 : i32
    %cond3A_1 = arith.cmpi ne, %convert_element_type3A, %cond3A : i32
    scf.if %cond3A_1 {
      %mul3A = arith.constant 632 : i32
      %mul3A_68 = arith.muli %arg1, %mul3A : i32
      %multiple_of3A_69 = tpu.assume_multiple %mul3A_68, 8 : i32
      "tpu.region"() ({
        %run_scoped3A_70 = tpu.sem_alloc : memref<!tpu.dma_semaphore, #tpu.memory_space<semaphore_mem>>
        %dma_start3A_71 = arith.constant 0 : i32
        %dma_start3A_72 = tpu.memref_slice %arg16[%multiple_of3A_69, %dma_start3A_71] : memref<10000x128xf32, #tpu.memory_space<vmem_shared>> -> memref<632x128xf32, #tpu.memory_space<vmem_shared>>
        %dma_start3A_73 = arith.constant 0 : i32
        %dma_start3A_74 = arith.constant 0 : i32
        %dma_start3A_75 = tpu.memref_slice %arg3[%dma_start3A_73, %dma_start3A_74] : memref<632x128xf32, #tpu.memory_space<hbm>> -> memref<632x128xf32, #tpu.memory_space<hbm>>
        tpu.enqueue_dma source(%dma_start3A_75 : memref<632x128xf32, #tpu.memory_space<hbm>>) target(%dma_start3A_72 : memref<632x128xf32, #tpu.memory_space<vmem_shared>>) target_semaphore(%run_scoped3A_70 : memref<!tpu.dma_semaphore, #tpu.memory_space<semaphore_mem>>)
        %dma_wait3A_76 = arith.constant 0 : i32
        %dma_wait3A_77 = tpu.memref_slice %arg16[%multiple_of3A_69, %dma_wait3A_76] : memref<10000x128xf32, #tpu.memory_space<vmem_shared>> -> memref<632x128xf32, #tpu.memory_space<vmem_shared>>
        %dma_wait3A_78 = arith.constant 0 : i32
        %dma_wait3A_79 = arith.constant 0 : i32
        %dma_wait3A_80 = tpu.memref_slice %arg3[%dma_wait3A_78, %dma_wait3A_79] : memref<632x128xf32, #tpu.memory_space<hbm>> -> memref<632x128xf32, #tpu.memory_space<hbm>>
        tpu.wait_dma2 semaphore(%run_scoped3A_70 : memref<!tpu.dma_semaphore, #tpu.memory_space<semaphore_mem>>) src(%dma_wait3A_80 : memref<632x128xf32, #tpu.memory_space<hbm>>) dst(%dma_wait3A_77 : memref<632x128xf32, #tpu.memory_space<vmem_shared>>)
        tpu.yield
      }) : () -> ()
    } else {
    }
    %eq3A = arith.constant 15 : i32
    %eq3A_2 = arith.cmpi eq, %arg1, %eq3A : i32
    %convert_element_type3A_3 = arith.extui %eq3A_2 : i1 to i32
    %cond3A_4 = arith.constant 0 : i32
    %cond3A_5 = arith.cmpi ne, %convert_element_type3A_3, %cond3A_4 : i32
    scf.if %cond3A_5 {
      "tpu.region"() ({
        %run_scoped3A_68 = tpu.sem_alloc : memref<!tpu.dma_semaphore, #tpu.memory_space<semaphore_mem>>
        %dma_start3A_69 = arith.constant 9480 : i32
        %dma_start3A_70 = arith.constant 0 : i32
        %dma_start3A_71 = tpu.memref_slice %arg16[%dma_start3A_69, %dma_start3A_70] : memref<10000x128xf32, #tpu.memory_space<vmem_shared>> -> memref<520x128xf32, #tpu.memory_space<vmem_shared>>
        %dma_start3A_72 = arith.constant 0 : i32
        %dma_start3A_73 = arith.constant 0 : i32
        %dma_start3A_74 = tpu.memref_slice %arg3[%dma_start3A_72, %dma_start3A_73] : memref<632x128xf32, #tpu.memory_space<hbm>> -> memref<520x128xf32, #tpu.memory_space<hbm>>
        tpu.enqueue_dma source(%dma_start3A_74 : memref<520x128xf32, #tpu.memory_space<hbm>>) target(%dma_start3A_71 : memref<520x128xf32, #tpu.memory_space<vmem_shared>>) target_semaphore(%run_scoped3A_68 : memref<!tpu.dma_semaphore, #tpu.memory_space<semaphore_mem>>)
        %dma_wait3A_75 = arith.constant 9480 : i32
        %dma_wait3A_76 = arith.constant 0 : i32
        %dma_wait3A_77 = tpu.memref_slice %arg16[%dma_wait3A_75, %dma_wait3A_76] : memref<10000x128xf32, #tpu.memory_space<vmem_shared>> -> memref<520x128xf32, #tpu.memory_space<vmem_shared>>
        %dma_wait3A_78 = arith.constant 0 : i32
        %dma_wait3A_79 = arith.constant 0 : i32
        %dma_wait3A_80 = tpu.memref_slice %arg3[%dma_wait3A_78, %dma_wait3A_79] : memref<632x128xf32, #tpu.memory_space<hbm>> -> memref<520x128xf32, #tpu.memory_space<hbm>>
        tpu.wait_dma2 semaphore(%run_scoped3A_68 : memref<!tpu.dma_semaphore, #tpu.memory_space<semaphore_mem>>) src(%dma_wait3A_80 : memref<520x128xf32, #tpu.memory_space<hbm>>) dst(%dma_wait3A_77 : memref<520x128xf32, #tpu.memory_space<vmem_shared>>)
        tpu.yield
      }) : () -> ()
    } else {
    }
    %get3A = arith.constant 0 : index
    %get3A_6 = tpu.vector_load %arg12[%get3A] {strides = array<i32>} : memref<16xi32, #tpu.memory_space<vmem>>, vector<16xi32>,
    %get3A_7 = vector.shape_cast %get3A_6 : vector<16xi32> to vector<16xi32>
    %scan3A = arith.constant 0 : i32
    %scan3A_8 = arith.constant 0 : i32
    %scan3A_9 = arith.constant 313 : i32
    %scan3A_10 = arith.addi %scan3A_8, %scan3A_9 : i32
    %scan3A_11 = arith.constant 1 : i32
    scf.for %scan3A_68 = %scan3A_8 to %scan3A_10 step %scan3A_11  : i32 {
      %mul3A = arith.constant 16 : i32
      %mul3A_69 = arith.muli %scan3A_68, %mul3A : i32
      %multiple_of3A_70 = tpu.assume_multiple %mul3A_69, 16 : i32
      %get3A_71 = arith.index_cast %multiple_of3A_70 : i32 to index
      %get3A_72 = tpu.vector_load %arg9[%get3A_71] {strides = array<i32>} : memref<5008xi32, #tpu.memory_space<vmem>>, vector<16xi32>,
      %get3A_73 = vector.shape_cast %get3A_72 : vector<16xi32> to vector<16xi32>
      %add3A = arith.addi %get3A_73, %get3A_7 : vector<16xi32>
      %swap3A = arith.index_cast %multiple_of3A_70 : i32 to index
      %swap3A_74 = tpu.vector_load %arg9[%swap3A] {strides = array<i32>} : memref<5008xi32, #tpu.memory_space<vmem>>, vector<16xi32>,
      %swap3A_75 = vector.shape_cast %swap3A_74 : vector<16xi32> to vector<16xi32>
      %swap3A_76 = vector.shape_cast %add3A : vector<16xi32> to vector<16xi32>
      tpu.vector_store %arg9[%swap3A], %swap3A_76 {strides = array<i32>} : memref<5008xi32, #tpu.memory_space<vmem>>, vector<16xi32>,
    }
    %scan3A_12 = arith.constant 313 : i32
    %barrier3A = arith.constant 0 : index
    tpu.barrier barrier_id(%barrier3A)
    %multiple_of3A = arith.constant 0 : i32
    %multiple_of3A_13 = tpu.assume_multiple %multiple_of3A, 8 : i32
    %dma_start3A = tpu.memref_slice %arg9[%multiple_of3A_13] : memref<5008xi32, #tpu.memory_space<vmem>> -> memref<96xi32, #tpu.memory_space<vmem>>
    %dma_start3A_14 = arith.constant 0 : i32
    %dma_start3A_15 = arith.constant 0 : i32
    %dma_start3A_16 = tpu.memref_slice %arg2[%dma_start3A_14, %dma_start3A_15] : memref<20000x128xf32, #tpu.memory_space<hbm>> -> memref<20000x128xf32, #tpu.memory_space<hbm>>
    tpu.enqueue_indirect_dma source(%dma_start3A_16 : memref<20000x128xf32, #tpu.memory_space<hbm>>) target(%arg13 : memref<96x128xf32, #tpu.memory_space<vmem>>) offsets(%dma_start3A : memref<96xi32, #tpu.memory_space<vmem>>) semaphore(%arg17 : memref<!tpu.dma_semaphore, #tpu.memory_space<semaphore_mem>>)
    %multiple_of3A_17 = arith.constant 96 : i32
    %multiple_of3A_18 = tpu.assume_multiple %multiple_of3A_17, 8 : i32
    %dma_start3A_19 = tpu.memref_slice %arg9[%multiple_of3A_18] : memref<5008xi32, #tpu.memory_space<vmem>> -> memref<96xi32, #tpu.memory_space<vmem>>
    %dma_start3A_20 = arith.constant 0 : i32
    %dma_start3A_21 = arith.constant 0 : i32
    %dma_start3A_22 = tpu.memref_slice %arg2[%dma_start3A_20, %dma_start3A_21] : memref<20000x128xf32, #tpu.memory_space<hbm>> -> memref<20000x128xf32, #tpu.memory_space<hbm>>
    tpu.enqueue_indirect_dma source(%dma_start3A_22 : memref<20000x128xf32, #tpu.memory_space<hbm>>) target(%arg14 : memref<96x128xf32, #tpu.memory_space<vmem>>) offsets(%dma_start3A_19 : memref<96xi32, #tpu.memory_space<vmem>>) semaphore(%arg18 : memref<!tpu.dma_semaphore, #tpu.memory_space<semaphore_mem>>)
    %multiple_of3A_23 = arith.constant 192 : i32
    %multiple_of3A_24 = tpu.assume_multiple %multiple_of3A_23, 8 : i32
    %dma_start3A_25 = tpu.memref_slice %arg9[%multiple_of3A_24] : memref<5008xi32, #tpu.memory_space<vmem>> -> memref<96xi32, #tpu.memory_space<vmem>>
    %dma_start3A_26 = arith.constant 0 : i32
    %dma_start3A_27 = arith.constant 0 : i32
    %dma_start3A_28 = tpu.memref_slice %arg2[%dma_start3A_26, %dma_start3A_27] : memref<20000x128xf32, #tpu.memory_space<hbm>> -> memref<20000x128xf32, #tpu.memory_space<hbm>>
    tpu.enqueue_indirect_dma source(%dma_start3A_28 : memref<20000x128xf32, #tpu.memory_space<hbm>>) target(%arg15 : memref<96x128xf32, #tpu.memory_space<vmem>>) offsets(%dma_start3A_25 : memref<96xi32, #tpu.memory_space<vmem>>) semaphore(%arg19 : memref<!tpu.dma_semaphore, #tpu.memory_space<semaphore_mem>>)
    %scan3A_29 = arith.constant 0 : i32
    %scan3A_30 = arith.constant 0 : i32
    %scan3A_31 = arith.constant 17 : i32
    %scan3A_32 = arith.addi %scan3A_30, %scan3A_31 : i32
    %scan3A_33 = arith.constant 1 : i32
    scf.for %scan3A_68 = %scan3A_30 to %scan3A_32 step %scan3A_33  : i32 {
      %mul3A = arith.constant 3 : i32
      %mul3A_69 = arith.muli %scan3A_68, %mul3A : i32
      %add3A = arith.constant 0 : i32
      %add3A_70 = arith.addi %mul3A_69, %add3A : i32
      %mul3A_71 = arith.constant 96 : i32
      %mul3A_72 = arith.muli %add3A_70, %mul3A_71 : i32
      %multiple_of3A_73 = tpu.assume_multiple %mul3A_72, 8 : i32
      %dma_wait3A_74 = tpu.memref_slice %arg9[%multiple_of3A_73] : memref<5008xi32, #tpu.memory_space<vmem>> -> memref<96xi32, #tpu.memory_space<vmem>>
      %dma_wait3A_75 = arith.constant 0 : i32
      %dma_wait3A_76 = arith.constant 0 : i32
      %dma_wait3A_77 = tpu.memref_slice %arg2[%dma_wait3A_75, %dma_wait3A_76] : memref<20000x128xf32, #tpu.memory_space<hbm>> -> memref<20000x128xf32, #tpu.memory_space<hbm>>
      tpu.wait_indirect_dma semaphore(%arg17 : memref<!tpu.dma_semaphore, #tpu.memory_space<semaphore_mem>>) src(%dma_wait3A_77 : memref<20000x128xf32, #tpu.memory_space<hbm>>) dst(%arg13 : memref<96x128xf32, #tpu.memory_space<vmem>>)
      "tpu.region"() ({
        %run_scoped3A_121 = tpu.sem_alloc : memref<!tpu.dma_semaphore, #tpu.memory_space<semaphore_mem>>
        %dma_start3A_122 = arith.constant 0 : i32
        %dma_start3A_123 = tpu.memref_slice %arg10[%add3A_70, %dma_start3A_122] : memref<52x96xi32, #tpu.memory_space<vmem>> -> memref<1x96xi32, #tpu.memory_space<vmem>>
        %dma_start3A_124 = tpu.memref_squeeze %dma_start3A_123 : memref<1x96xi32, #tpu.memory_space<vmem>> -> memref<96xi32, #tpu.memory_space<vmem>>
        %dma_start3A_125 = arith.constant 0 : i32
        %dma_start3A_126 = arith.constant 0 : i32
        %dma_start3A_127 = tpu.memref_slice %arg16[%dma_start3A_125, %dma_start3A_126] : memref<10000x128xf32, #tpu.memory_space<vmem_shared>> -> memref<10000x128xf32, #tpu.memory_space<vmem_shared>>
        tpu.enqueue_indirect_dma source(%arg13 : memref<96x128xf32, #tpu.memory_space<vmem>>) target(%dma_start3A_127 : memref<10000x128xf32, #tpu.memory_space<vmem_shared>>) offsets(%dma_start3A_124 : memref<96xi32, #tpu.memory_space<vmem>>) semaphore(%run_scoped3A_121 : memref<!tpu.dma_semaphore, #tpu.memory_space<semaphore_mem>>) {add = true}
        %dma_wait3A_128 = arith.constant 0 : i32
        %dma_wait3A_129 = tpu.memref_slice %arg10[%add3A_70, %dma_wait3A_128] : memref<52x96xi32, #tpu.memory_space<vmem>> -> memref<1x96xi32, #tpu.memory_space<vmem>>
        %dma_wait3A_130 = tpu.memref_squeeze %dma_wait3A_129 : memref<1x96xi32, #tpu.memory_space<vmem>> -> memref<96xi32, #tpu.memory_space<vmem>>
        %dma_wait3A_131 = arith.constant 0 : i32
        %dma_wait3A_132 = arith.constant 0 : i32
        %dma_wait3A_133 = tpu.memref_slice %arg16[%dma_wait3A_131, %dma_wait3A_132] : memref<10000x128xf32, #tpu.memory_space<vmem_shared>> -> memref<10000x128xf32, #tpu.memory_space<vmem_shared>>
        tpu.wait_indirect_dma semaphore(%run_scoped3A_121 : memref<!tpu.dma_semaphore, #tpu.memory_space<semaphore_mem>>) src(%arg13 : memref<96x128xf32, #tpu.memory_space<vmem>>) dst(%dma_wait3A_133 : memref<10000x128xf32, #tpu.memory_space<vmem_shared>>)
        tpu.yield
      }) : () -> ()
      %add3A_78 = arith.constant 3 : i32
      %add3A_79 = arith.addi %add3A_70, %add3A_78 : i32
      %lt3A_80 = arith.constant 52 : i32
      %lt3A_81 = arith.cmpi slt, %add3A_79, %lt3A_80 : i32
      %convert_element_type3A_82 = arith.extui %lt3A_81 : i1 to i32
      %cond3A_83 = arith.constant 0 : i32
      %cond3A_84 = arith.cmpi ne, %convert_element_type3A_82, %cond3A_83 : i32
      scf.if %cond3A_84 {
        %mul3A_121 = arith.constant 96 : i32
        %mul3A_122 = arith.muli %add3A_79, %mul3A_121 : i32
        %multiple_of3A_123 = tpu.assume_multiple %mul3A_122, 8 : i32
        %dma_start3A_124 = tpu.memref_slice %arg9[%multiple_of3A_123] : memref<5008xi32, #tpu.memory_space<vmem>> -> memref<96xi32, #tpu.memory_space<vmem>>
        %dma_start3A_125 = arith.constant 0 : i32
        %dma_start3A_126 = arith.constant 0 : i32
        %dma_start3A_127 = tpu.memref_slice %arg2[%dma_start3A_125, %dma_start3A_126] : memref<20000x128xf32, #tpu.memory_space<hbm>> -> memref<20000x128xf32, #tpu.memory_space<hbm>>
        tpu.enqueue_indirect_dma source(%dma_start3A_127 : memref<20000x128xf32, #tpu.memory_space<hbm>>) target(%arg13 : memref<96x128xf32, #tpu.memory_space<vmem>>) offsets(%dma_start3A_124 : memref<96xi32, #tpu.memory_space<vmem>>) semaphore(%arg17 : memref<!tpu.dma_semaphore, #tpu.memory_space<semaphore_mem>>)
      } else {
      }
      %mul3A_85 = arith.constant 3 : i32
      %mul3A_86 = arith.muli %scan3A_68, %mul3A_85 : i32
      %add3A_87 = arith.constant 1 : i32
      %add3A_88 = arith.addi %mul3A_86, %add3A_87 : i32
      %mul3A_89 = arith.constant 96 : i32
      %mul3A_90 = arith.muli %add3A_88, %mul3A_89 : i32
      %multiple_of3A_91 = tpu.assume_multiple %mul3A_90, 8 : i32
      %dma_wait3A_92 = tpu.memref_slice %arg9[%multiple_of3A_91] : memref<5008xi32, #tpu.memory_space<vmem>> -> memref<96xi32, #tpu.memory_space<vmem>>
      %dma_wait3A_93 = arith.constant 0 : i32
      %dma_wait3A_94 = arith.constant 0 : i32
      %dma_wait3A_95 = tpu.memref_slice %arg2[%dma_wait3A_93, %dma_wait3A_94] : memref<20000x128xf32, #tpu.memory_space<hbm>> -> memref<20000x128xf32, #tpu.memory_space<hbm>>
      tpu.wait_indirect_dma semaphore(%arg18 : memref<!tpu.dma_semaphore, #tpu.memory_space<semaphore_mem>>) src(%dma_wait3A_95 : memref<20000x128xf32, #tpu.memory_space<hbm>>) dst(%arg14 : memref<96x128xf32, #tpu.memory_space<vmem>>)
      "tpu.region"() ({
        %run_scoped3A_121 = tpu.sem_alloc : memref<!tpu.dma_semaphore, #tpu.memory_space<semaphore_mem>>
        %dma_start3A_122 = arith.constant 0 : i32
        %dma_start3A_123 = tpu.memref_slice %arg10[%add3A_88, %dma_start3A_122] : memref<52x96xi32, #tpu.memory_space<vmem>> -> memref<1x96xi32, #tpu.memory_space<vmem>>
        %dma_start3A_124 = tpu.memref_squeeze %dma_start3A_123 : memref<1x96xi32, #tpu.memory_space<vmem>> -> memref<96xi32, #tpu.memory_space<vmem>>
        %dma_start3A_125 = arith.constant 0 : i32
        %dma_start3A_126 = arith.constant 0 : i32
        %dma_start3A_127 = tpu.memref_slice %arg16[%dma_start3A_125, %dma_start3A_126] : memref<10000x128xf32, #tpu.memory_space<vmem_shared>> -> memref<10000x128xf32, #tpu.memory_space<vmem_shared>>
        tpu.enqueue_indirect_dma source(%arg14 : memref<96x128xf32, #tpu.memory_space<vmem>>) target(%dma_start3A_127 : memref<10000x128xf32, #tpu.memory_space<vmem_shared>>) offsets(%dma_start3A_124 : memref<96xi32, #tpu.memory_space<vmem>>) semaphore(%run_scoped3A_121 : memref<!tpu.dma_semaphore, #tpu.memory_space<semaphore_mem>>) {add = true}
        %dma_wait3A_128 = arith.constant 0 : i32
        %dma_wait3A_129 = tpu.memref_slice %arg10[%add3A_88, %dma_wait3A_128] : memref<52x96xi32, #tpu.memory_space<vmem>> -> memref<1x96xi32, #tpu.memory_space<vmem>>
        %dma_wait3A_130 = tpu.memref_squeeze %dma_wait3A_129 : memref<1x96xi32, #tpu.memory_space<vmem>> -> memref<96xi32, #tpu.memory_space<vmem>>
        %dma_wait3A_131 = arith.constant 0 : i32
        %dma_wait3A_132 = arith.constant 0 : i32
        %dma_wait3A_133 = tpu.memref_slice %arg16[%dma_wait3A_131, %dma_wait3A_132] : memref<10000x128xf32, #tpu.memory_space<vmem_shared>> -> memref<10000x128xf32, #tpu.memory_space<vmem_shared>>
        tpu.wait_indirect_dma semaphore(%run_scoped3A_121 : memref<!tpu.dma_semaphore, #tpu.memory_space<semaphore_mem>>) src(%arg14 : memref<96x128xf32, #tpu.memory_space<vmem>>) dst(%dma_wait3A_133 : memref<10000x128xf32, #tpu.memory_space<vmem_shared>>)
        tpu.yield
      }) : () -> ()
      %add3A_96 = arith.constant 3 : i32
      %add3A_97 = arith.addi %add3A_88, %add3A_96 : i32
      %lt3A_98 = arith.constant 52 : i32
      %lt3A_99 = arith.cmpi slt, %add3A_97, %lt3A_98 : i32
      %convert_element_type3A_100 = arith.extui %lt3A_99 : i1 to i32
      %cond3A_101 = arith.constant 0 : i32
      %cond3A_102 = arith.cmpi ne, %convert_element_type3A_100, %cond3A_101 : i32
      scf.if %cond3A_102 {
        %mul3A_121 = arith.constant 96 : i32
        %mul3A_122 = arith.muli %add3A_97, %mul3A_121 : i32
        %multiple_of3A_123 = tpu.assume_multiple %mul3A_122, 8 : i32
        %dma_start3A_124 = tpu.memref_slice %arg9[%multiple_of3A_123] : memref<5008xi32, #tpu.memory_space<vmem>> -> memref<96xi32, #tpu.memory_space<vmem>>
        %dma_start3A_125 = arith.constant 0 : i32
        %dma_start3A_126 = arith.constant 0 : i32
        %dma_start3A_127 = tpu.memref_slice %arg2[%dma_start3A_125, %dma_start3A_126] : memref<20000x128xf32, #tpu.memory_space<hbm>> -> memref<20000x128xf32, #tpu.memory_space<hbm>>
        tpu.enqueue_indirect_dma source(%dma_start3A_127 : memref<20000x128xf32, #tpu.memory_space<hbm>>) target(%arg14 : memref<96x128xf32, #tpu.memory_space<vmem>>) offsets(%dma_start3A_124 : memref<96xi32, #tpu.memory_space<vmem>>) semaphore(%arg18 : memref<!tpu.dma_semaphore, #tpu.memory_space<semaphore_mem>>)
      } else {
      }
      %mul3A_103 = arith.constant 3 : i32
      %mul3A_104 = arith.muli %scan3A_68, %mul3A_103 : i32
      %add3A_105 = arith.constant 2 : i32
      %add3A_106 = arith.addi %mul3A_104, %add3A_105 : i32
      %mul3A_107 = arith.constant 96 : i32
      %mul3A_108 = arith.muli %add3A_106, %mul3A_107 : i32
      %multiple_of3A_109 = tpu.assume_multiple %mul3A_108, 8 : i32
      %dma_wait3A_110 = tpu.memref_slice %arg9[%multiple_of3A_109] : memref<5008xi32, #tpu.memory_space<vmem>> -> memref<96xi32, #tpu.memory_space<vmem>>
      %dma_wait3A_111 = arith.constant 0 : i32
      %dma_wait3A_112 = arith.constant 0 : i32
      %dma_wait3A_113 = tpu.memref_slice %arg2[%dma_wait3A_111, %dma_wait3A_112] : memref<20000x128xf32, #tpu.memory_space<hbm>> -> memref<20000x128xf32, #tpu.memory_space<hbm>>
      tpu.wait_indirect_dma semaphore(%arg19 : memref<!tpu.dma_semaphore, #tpu.memory_space<semaphore_mem>>) src(%dma_wait3A_113 : memref<20000x128xf32, #tpu.memory_space<hbm>>) dst(%arg15 : memref<96x128xf32, #tpu.memory_space<vmem>>)
      "tpu.region"() ({
        %run_scoped3A_121 = tpu.sem_alloc : memref<!tpu.dma_semaphore, #tpu.memory_space<semaphore_mem>>
        %dma_start3A_122 = arith.constant 0 : i32
        %dma_start3A_123 = tpu.memref_slice %arg10[%add3A_106, %dma_start3A_122] : memref<52x96xi32, #tpu.memory_space<vmem>> -> memref<1x96xi32, #tpu.memory_space<vmem>>
        %dma_start3A_124 = tpu.memref_squeeze %dma_start3A_123 : memref<1x96xi32, #tpu.memory_space<vmem>> -> memref<96xi32, #tpu.memory_space<vmem>>
        %dma_start3A_125 = arith.constant 0 : i32
        %dma_start3A_126 = arith.constant 0 : i32
        %dma_start3A_127 = tpu.memref_slice %arg16[%dma_start3A_125, %dma_start3A_126] : memref<10000x128xf32, #tpu.memory_space<vmem_shared>> -> memref<10000x128xf32, #tpu.memory_space<vmem_shared>>
        tpu.enqueue_indirect_dma source(%arg15 : memref<96x128xf32, #tpu.memory_space<vmem>>) target(%dma_start3A_127 : memref<10000x128xf32, #tpu.memory_space<vmem_shared>>) offsets(%dma_start3A_124 : memref<96xi32, #tpu.memory_space<vmem>>) semaphore(%run_scoped3A_121 : memref<!tpu.dma_semaphore, #tpu.memory_space<semaphore_mem>>) {add = true}
        %dma_wait3A_128 = arith.constant 0 : i32
        %dma_wait3A_129 = tpu.memref_slice %arg10[%add3A_106, %dma_wait3A_128] : memref<52x96xi32, #tpu.memory_space<vmem>> -> memref<1x96xi32, #tpu.memory_space<vmem>>
        %dma_wait3A_130 = tpu.memref_squeeze %dma_wait3A_129 : memref<1x96xi32, #tpu.memory_space<vmem>> -> memref<96xi32, #tpu.memory_space<vmem>>
        %dma_wait3A_131 = arith.constant 0 : i32
        %dma_wait3A_132 = arith.constant 0 : i32
        %dma_wait3A_133 = tpu.memref_slice %arg16[%dma_wait3A_131, %dma_wait3A_132] : memref<10000x128xf32, #tpu.memory_space<vmem_shared>> -> memref<10000x128xf32, #tpu.memory_space<vmem_shared>>
        tpu.wait_indirect_dma semaphore(%run_scoped3A_121 : memref<!tpu.dma_semaphore, #tpu.memory_space<semaphore_mem>>) src(%arg15 : memref<96x128xf32, #tpu.memory_space<vmem>>) dst(%dma_wait3A_133 : memref<10000x128xf32, #tpu.memory_space<vmem_shared>>)
        tpu.yield
      }) : () -> ()
      %add3A_114 = arith.constant 3 : i32
      %add3A_115 = arith.addi %add3A_106, %add3A_114 : i32
      %lt3A_116 = arith.constant 52 : i32
      %lt3A_117 = arith.cmpi slt, %add3A_115, %lt3A_116 : i32
      %convert_element_type3A_118 = arith.extui %lt3A_117 : i1 to i32
      %cond3A_119 = arith.constant 0 : i32
      %cond3A_120 = arith.cmpi ne, %convert_element_type3A_118, %cond3A_119 : i32
      scf.if %cond3A_120 {
        %mul3A_121 = arith.constant 96 : i32
        %mul3A_122 = arith.muli %add3A_115, %mul3A_121 : i32
        %multiple_of3A_123 = tpu.assume_multiple %mul3A_122, 8 : i32
        %dma_start3A_124 = tpu.memref_slice %arg9[%multiple_of3A_123] : memref<5008xi32, #tpu.memory_space<vmem>> -> memref<96xi32, #tpu.memory_space<vmem>>
        %dma_start3A_125 = arith.constant 0 : i32
        %dma_start3A_126 = arith.constant 0 : i32
        %dma_start3A_127 = tpu.memref_slice %arg2[%dma_start3A_125, %dma_start3A_126] : memref<20000x128xf32, #tpu.memory_space<hbm>> -> memref<20000x128xf32, #tpu.memory_space<hbm>>
        tpu.enqueue_indirect_dma source(%dma_start3A_127 : memref<20000x128xf32, #tpu.memory_space<hbm>>) target(%arg15 : memref<96x128xf32, #tpu.memory_space<vmem>>) offsets(%dma_start3A_124 : memref<96xi32, #tpu.memory_space<vmem>>) semaphore(%arg19 : memref<!tpu.dma_semaphore, #tpu.memory_space<semaphore_mem>>)
      } else {
      }
    }
    %scan3A_34 = arith.constant 17 : i32
    %dma_start3A_35 = arith.constant 0 : i32
    %dma_start3A_36 = arith.constant 0 : i32
    %dma_start3A_37 = tpu.memref_slice %arg14[%dma_start3A_35, %dma_start3A_36] : memref<96x128xf32, #tpu.memory_space<vmem>> -> memref<8x128xf32, #tpu.memory_space<vmem>>
    %dma_start3A_38 = arith.constant 4992 : i32
    %dma_start3A_39 = tpu.memref_slice %arg9[%dma_start3A_38] : memref<5008xi32, #tpu.memory_space<vmem>> -> memref<8xi32, #tpu.memory_space<vmem>>
    %dma_start3A_40 = arith.constant 0 : i32
    %dma_start3A_41 = arith.constant 0 : i32
    %dma_start3A_42 = tpu.memref_slice %arg2[%dma_start3A_40, %dma_start3A_41] : memref<20000x128xf32, #tpu.memory_space<hbm>> -> memref<20000x128xf32, #tpu.memory_space<hbm>>
    tpu.enqueue_indirect_dma source(%dma_start3A_42 : memref<20000x128xf32, #tpu.memory_space<hbm>>) target(%dma_start3A_37 : memref<8x128xf32, #tpu.memory_space<vmem>>) offsets(%dma_start3A_39 : memref<8xi32, #tpu.memory_space<vmem>>) semaphore(%arg18 : memref<!tpu.dma_semaphore, #tpu.memory_space<semaphore_mem>>)
    %multiple_of3A_43 = arith.constant 4896 : i32
    %multiple_of3A_44 = tpu.assume_multiple %multiple_of3A_43, 8 : i32
    %dma_wait3A = tpu.memref_slice %arg9[%multiple_of3A_44] : memref<5008xi32, #tpu.memory_space<vmem>> -> memref<96xi32, #tpu.memory_space<vmem>>
    %dma_wait3A_45 = arith.constant 0 : i32
    %dma_wait3A_46 = arith.constant 0 : i32
    %dma_wait3A_47 = tpu.memref_slice %arg2[%dma_wait3A_45, %dma_wait3A_46] : memref<20000x128xf32, #tpu.memory_space<hbm>> -> memref<20000x128xf32, #tpu.memory_space<hbm>>
    tpu.wait_indirect_dma semaphore(%arg17 : memref<!tpu.dma_semaphore, #tpu.memory_space<semaphore_mem>>) src(%dma_wait3A_47 : memref<20000x128xf32, #tpu.memory_space<hbm>>) dst(%arg13 : memref<96x128xf32, #tpu.memory_space<vmem>>)
    %run_scoped3A = arith.constant 51 : i32
    "tpu.region"() ({
      %run_scoped3A_68 = tpu.sem_alloc : memref<!tpu.dma_semaphore, #tpu.memory_space<semaphore_mem>>
      %dma_start3A_69 = arith.constant 0 : i32
      %dma_start3A_70 = tpu.memref_slice %arg10[%run_scoped3A, %dma_start3A_69] : memref<52x96xi32, #tpu.memory_space<vmem>> -> memref<1x96xi32, #tpu.memory_space<vmem>>
      %dma_start3A_71 = tpu.memref_squeeze %dma_start3A_70 : memref<1x96xi32, #tpu.memory_space<vmem>> -> memref<96xi32, #tpu.memory_space<vmem>>
      %dma_start3A_72 = arith.constant 0 : i32
      %dma_start3A_73 = arith.constant 0 : i32
      %dma_start3A_74 = tpu.memref_slice %arg16[%dma_start3A_72, %dma_start3A_73] : memref<10000x128xf32, #tpu.memory_space<vmem_shared>> -> memref<10000x128xf32, #tpu.memory_space<vmem_shared>>
      tpu.enqueue_indirect_dma source(%arg13 : memref<96x128xf32, #tpu.memory_space<vmem>>) target(%dma_start3A_74 : memref<10000x128xf32, #tpu.memory_space<vmem_shared>>) offsets(%dma_start3A_71 : memref<96xi32, #tpu.memory_space<vmem>>) semaphore(%run_scoped3A_68 : memref<!tpu.dma_semaphore, #tpu.memory_space<semaphore_mem>>) {add = true}
      %dma_wait3A_75 = arith.constant 0 : i32
      %dma_wait3A_76 = tpu.memref_slice %arg10[%run_scoped3A, %dma_wait3A_75] : memref<52x96xi32, #tpu.memory_space<vmem>> -> memref<1x96xi32, #tpu.memory_space<vmem>>
      %dma_wait3A_77 = tpu.memref_squeeze %dma_wait3A_76 : memref<1x96xi32, #tpu.memory_space<vmem>> -> memref<96xi32, #tpu.memory_space<vmem>>
      %dma_wait3A_78 = arith.constant 0 : i32
      %dma_wait3A_79 = arith.constant 0 : i32
      %dma_wait3A_80 = tpu.memref_slice %arg16[%dma_wait3A_78, %dma_wait3A_79] : memref<10000x128xf32, #tpu.memory_space<vmem_shared>> -> memref<10000x128xf32, #tpu.memory_space<vmem_shared>>
      tpu.wait_indirect_dma semaphore(%run_scoped3A_68 : memref<!tpu.dma_semaphore, #tpu.memory_space<semaphore_mem>>) src(%arg13 : memref<96x128xf32, #tpu.memory_space<vmem>>) dst(%dma_wait3A_80 : memref<10000x128xf32, #tpu.memory_space<vmem_shared>>)
      tpu.yield
    }) : () -> ()
    %dma_wait3A_48 = arith.constant 0 : i32
    %dma_wait3A_49 = arith.constant 0 : i32
    %dma_wait3A_50 = tpu.memref_slice %arg14[%dma_wait3A_48, %dma_wait3A_49] : memref<96x128xf32, #tpu.memory_space<vmem>> -> memref<8x128xf32, #tpu.memory_space<vmem>>
    %dma_wait3A_51 = arith.constant 4992 : i32
    %dma_wait3A_52 = tpu.memref_slice %arg9[%dma_wait3A_51] : memref<5008xi32, #tpu.memory_space<vmem>> -> memref<8xi32, #tpu.memory_space<vmem>>
    %dma_wait3A_53 = arith.constant 0 : i32
    %dma_wait3A_54 = arith.constant 0 : i32
    %dma_wait3A_55 = tpu.memref_slice %arg2[%dma_wait3A_53, %dma_wait3A_54] : memref<20000x128xf32, #tpu.memory_space<hbm>> -> memref<20000x128xf32, #tpu.memory_space<hbm>>
    tpu.wait_indirect_dma semaphore(%arg18 : memref<!tpu.dma_semaphore, #tpu.memory_space<semaphore_mem>>) src(%dma_wait3A_55 : memref<20000x128xf32, #tpu.memory_space<hbm>>) dst(%dma_wait3A_50 : memref<8x128xf32, #tpu.memory_space<vmem>>)
    %run_scoped3A_56 = arith.constant 0 : i32
    "tpu.region"() ({
      %run_scoped3A_68 = tpu.sem_alloc : memref<!tpu.dma_semaphore, #tpu.memory_space<semaphore_mem>>
      %dma_start3A_69 = arith.constant 0 : i32
      %dma_start3A_70 = arith.constant 0 : i32
      %dma_start3A_71 = tpu.memref_slice %arg14[%dma_start3A_69, %dma_start3A_70] : memref<96x128xf32, #tpu.memory_space<vmem>> -> memref<8x128xf32, #tpu.memory_space<vmem>>
      %dma_start3A_72 = arith.constant 0 : i32
      %dma_start3A_73 = tpu.memref_slice %arg11[%run_scoped3A_56, %dma_start3A_72] : memref<1x8xi32, #tpu.memory_space<vmem>> -> memref<1x8xi32, #tpu.memory_space<vmem>>
      %dma_start3A_74 = tpu.memref_squeeze %dma_start3A_73 : memref<1x8xi32, #tpu.memory_space<vmem>> -> memref<8xi32, #tpu.memory_space<vmem>>
      %dma_start3A_75 = arith.constant 0 : i32
      %dma_start3A_76 = arith.constant 0 : i32
      %dma_start3A_77 = tpu.memref_slice %arg16[%dma_start3A_75, %dma_start3A_76] : memref<10000x128xf32, #tpu.memory_space<vmem_shared>> -> memref<10000x128xf32, #tpu.memory_space<vmem_shared>>
      tpu.enqueue_indirect_dma source(%dma_start3A_71 : memref<8x128xf32, #tpu.memory_space<vmem>>) target(%dma_start3A_77 : memref<10000x128xf32, #tpu.memory_space<vmem_shared>>) offsets(%dma_start3A_74 : memref<8xi32, #tpu.memory_space<vmem>>) semaphore(%run_scoped3A_68 : memref<!tpu.dma_semaphore, #tpu.memory_space<semaphore_mem>>) {add = true}
      %dma_wait3A_78 = arith.constant 0 : i32
      %dma_wait3A_79 = arith.constant 0 : i32
      %dma_wait3A_80 = tpu.memref_slice %arg14[%dma_wait3A_78, %dma_wait3A_79] : memref<96x128xf32, #tpu.memory_space<vmem>> -> memref<8x128xf32, #tpu.memory_space<vmem>>
      %dma_wait3A_81 = arith.constant 0 : i32
      %dma_wait3A_82 = tpu.memref_slice %arg11[%run_scoped3A_56, %dma_wait3A_81] : memref<1x8xi32, #tpu.memory_space<vmem>> -> memref<1x8xi32, #tpu.memory_space<vmem>>
      %dma_wait3A_83 = tpu.memref_squeeze %dma_wait3A_82 : memref<1x8xi32, #tpu.memory_space<vmem>> -> memref<8xi32, #tpu.memory_space<vmem>>
      %dma_wait3A_84 = arith.constant 0 : i32
      %dma_wait3A_85 = arith.constant 0 : i32
      %dma_wait3A_86 = tpu.memref_slice %arg16[%dma_wait3A_84, %dma_wait3A_85] : memref<10000x128xf32, #tpu.memory_space<vmem_shared>> -> memref<10000x128xf32, #tpu.memory_space<vmem_shared>>
      tpu.wait_indirect_dma semaphore(%run_scoped3A_68 : memref<!tpu.dma_semaphore, #tpu.memory_space<semaphore_mem>>) src(%dma_wait3A_80 : memref<8x128xf32, #tpu.memory_space<vmem>>) dst(%dma_wait3A_86 : memref<10000x128xf32, #tpu.memory_space<vmem_shared>>)
      tpu.yield
    }) : () -> ()
    %barrier3A_57 = arith.constant 0 : index
    tpu.barrier barrier_id(%barrier3A_57)
    %lt3A_58 = arith.constant 15 : i32
    %lt3A_59 = arith.cmpi slt, %arg1, %lt3A_58 : i32
    %convert_element_type3A_60 = arith.extui %lt3A_59 : i1 to i32
    %cond3A_61 = arith.constant 0 : i32
    %cond3A_62 = arith.cmpi ne, %convert_element_type3A_60, %cond3A_61 : i32
    scf.if %cond3A_62 {
      %mul3A = arith.constant 632 : i32
      %mul3A_68 = arith.muli %arg1, %mul3A : i32
      %multiple_of3A_69 = tpu.assume_multiple %mul3A_68, 8 : i32
      "tpu.region"() ({
        %run_scoped3A_70 = tpu.sem_alloc : memref<!tpu.dma_semaphore, #tpu.memory_space<semaphore_mem>>
        %dma_start3A_71 = arith.constant 0 : i32
        %dma_start3A_72 = tpu.memref_slice %arg8[%arg0, %multiple_of3A_69, %dma_start3A_71] : memref<2x10000x128xf32, #tpu.memory_space<hbm>> -> memref<1x632x128xf32, #tpu.memory_space<hbm>>
        %dma_start3A_73 = tpu.memref_squeeze %dma_start3A_72 : memref<1x632x128xf32, #tpu.memory_space<hbm>> -> memref<632x128xf32, #tpu.memory_space<hbm>>
        %dma_start3A_74 = arith.constant 0 : i32
        %dma_start3A_75 = tpu.memref_slice %arg16[%multiple_of3A_69, %dma_start3A_74] : memref<10000x128xf32, #tpu.memory_space<vmem_shared>> -> memref<632x128xf32, #tpu.memory_space<vmem_shared>>
        tpu.enqueue_dma source(%dma_start3A_75 : memref<632x128xf32, #tpu.memory_space<vmem_shared>>) target(%dma_start3A_73 : memref<632x128xf32, #tpu.memory_space<hbm>>) target_semaphore(%run_scoped3A_70 : memref<!tpu.dma_semaphore, #tpu.memory_space<semaphore_mem>>)
        %dma_wait3A_76 = arith.constant 0 : i32
        %dma_wait3A_77 = tpu.memref_slice %arg8[%arg0, %multiple_of3A_69, %dma_wait3A_76] : memref<2x10000x128xf32, #tpu.memory_space<hbm>> -> memref<1x632x128xf32, #tpu.memory_space<hbm>>
        %dma_wait3A_78 = tpu.memref_squeeze %dma_wait3A_77 : memref<1x632x128xf32, #tpu.memory_space<hbm>> -> memref<632x128xf32, #tpu.memory_space<hbm>>
        %dma_wait3A_79 = arith.constant 0 : i32
        %dma_wait3A_80 = tpu.memref_slice %arg16[%multiple_of3A_69, %dma_wait3A_79] : memref<10000x128xf32, #tpu.memory_space<vmem_shared>> -> memref<632x128xf32, #tpu.memory_space<vmem_shared>>
        tpu.wait_dma2 semaphore(%run_scoped3A_70 : memref<!tpu.dma_semaphore, #tpu.memory_space<semaphore_mem>>) src(%dma_wait3A_80 : memref<632x128xf32, #tpu.memory_space<vmem_shared>>) dst(%dma_wait3A_78 : memref<632x128xf32, #tpu.memory_space<hbm>>)
        tpu.yield
      }) : () -> ()
    } else {
    }
    %eq3A_63 = arith.constant 15 : i32
    %eq3A_64 = arith.cmpi eq, %arg1, %eq3A_63 : i32
    %convert_element_type3A_65 = arith.extui %eq3A_64 : i1 to i32
    %cond3A_66 = arith.constant 0 : i32
    %cond3A_67 = arith.cmpi ne, %convert_element_type3A_65, %cond3A_66 : i32
    scf.if %cond3A_67 {
      "tpu.region"() ({
        %run_scoped3A_68 = tpu.sem_alloc : memref<!tpu.dma_semaphore, #tpu.memory_space<semaphore_mem>>
        %dma_start3A_69 = arith.constant 9480 : i32
        %dma_start3A_70 = arith.constant 0 : i32
        %dma_start3A_71 = tpu.memref_slice %arg8[%arg0, %dma_start3A_69, %dma_start3A_70] : memref<2x10000x128xf32, #tpu.memory_space<hbm>> -> memref<1x520x128xf32, #tpu.memory_space<hbm>>
        %dma_start3A_72 = tpu.memref_squeeze %dma_start3A_71 : memref<1x520x128xf32, #tpu.memory_space<hbm>> -> memref<520x128xf32, #tpu.memory_space<hbm>>
        %dma_start3A_73 = arith.constant 9480 : i32
        %dma_start3A_74 = arith.constant 0 : i32
        %dma_start3A_75 = tpu.memref_slice %arg16[%dma_start3A_73, %dma_start3A_74] : memref<10000x128xf32, #tpu.memory_space<vmem_shared>> -> memref<520x128xf32, #tpu.memory_space<vmem_shared>>
        tpu.enqueue_dma source(%dma_start3A_75 : memref<520x128xf32, #tpu.memory_space<vmem_shared>>) target(%dma_start3A_72 : memref<520x128xf32, #tpu.memory_space<hbm>>) target_semaphore(%run_scoped3A_68 : memref<!tpu.dma_semaphore, #tpu.memory_space<semaphore_mem>>)
        %dma_wait3A_76 = arith.constant 9480 : i32
        %dma_wait3A_77 = arith.constant 0 : i32
        %dma_wait3A_78 = tpu.memref_slice %arg8[%arg0, %dma_wait3A_76, %dma_wait3A_77] : memref<2x10000x128xf32, #tpu.memory_space<hbm>> -> memref<1x520x128xf32, #tpu.memory_space<hbm>>
        %dma_wait3A_79 = tpu.memref_squeeze %dma_wait3A_78 : memref<1x520x128xf32, #tpu.memory_space<hbm>> -> memref<520x128xf32, #tpu.memory_space<hbm>>
        %dma_wait3A_80 = arith.constant 9480 : i32
        %dma_wait3A_81 = arith.constant 0 : i32
        %dma_wait3A_82 = tpu.memref_slice %arg16[%dma_wait3A_80, %dma_wait3A_81] : memref<10000x128xf32, #tpu.memory_space<vmem_shared>> -> memref<520x128xf32, #tpu.memory_space<vmem_shared>>
        tpu.wait_dma2 semaphore(%run_scoped3A_68 : memref<!tpu.dma_semaphore, #tpu.memory_space<semaphore_mem>>) src(%dma_wait3A_82 : memref<520x128xf32, #tpu.memory_space<vmem_shared>>) dst(%dma_wait3A_79 : memref<520x128xf32, #tpu.memory_space<hbm>>)
        tpu.yield
      }) : () -> ()
    } else {
    }
    return
  }
}

#map = affine_map<(d0, d1) -> (0, 0)>
#map1 = affine_map<(d0, d1) -> (0, 0, 0)>
#map2 = affine_map<(d0, d1) -> (0, 0, 0, 0)>
#map3 = affine_map<(d0, d1) -> (0)>
module attributes {stable_mosaic.version = 14 : i64} {
  func.func @edge_sum(%arg0: i32, %arg1: i32, %arg2: memref<20000x128xf32, #tpu.memory_space<hbm>>, %arg3: memref<632x128xf32, #tpu.memory_space<hbm>>, %arg4: memref<2x16x5008xi32, #tpu.memory_space<hbm>>, %arg5: memref<2x16x52x96xi32, #tpu.memory_space<hbm>>, %arg6: memref<2x16x1x8xi32, #tpu.memory_space<hbm>>, %arg7: memref<16xi32, #tpu.memory_space<hbm>>, %arg8: memref<2x10000x128xf32, #tpu.memory_space<hbm>>, %arg9: memref<5008xi32, #tpu.memory_space<vmem>>, %arg10: memref<52x96xi32, #tpu.memory_space<vmem>>, %arg11: memref<1x8xi32, #tpu.memory_space<vmem>>, %arg12: memref<16xi32, #tpu.memory_space<vmem>>, %arg13: memref<96x128xf32, #tpu.memory_space<vmem>>, %arg14: memref<96x128xf32, #tpu.memory_space<vmem>>, %arg15: memref<96x128xf32, #tpu.memory_space<vmem>>, %arg16: memref<10000x128xf32, #tpu.memory_space<vmem_shared>>, %arg17: memref<!tpu.dma_semaphore, #tpu.memory_space<semaphore_mem>>, %arg18: memref<!tpu.dma_semaphore, #tpu.memory_space<semaphore_mem>>, %arg19: memref<!tpu.dma_semaphore, #tpu.memory_space<semaphore_mem>>) attributes {dimension_semantics = [#tpu.dimension_semantics<core_parallel>, #tpu.dimension_semantics<subcore_parallel>], iteration_bounds = array<i64: 2, 16>, scalar_prefetch = 0 : i64, scratch_operands = 11 : i64, tpu.core_type = #tpu.core_type<sc_vector_subcore>, window_params = [{transform_indices = #map}, {transform_indices = #map}, {transform_indices = #map1}, {transform_indices = #map2}, {transform_indices = #map2}, {transform_indices = #map3}, {transform_indices = #map1}]} {
    "tpu.region"() ({
      %run_scoped3A_68 = tpu.sem_alloc : memref<!tpu.dma_semaphore, #tpu.memory_space<semaphore_mem>>
      %dma_start3A_69 = arith.constant 0 : i32
      %dma_start3A_70 = tpu.memref_slice %arg4[%arg0, %arg1, %dma_start3A_69] : memref<2x16x5008xi32, #tpu.memory_space<hbm>> -> memref<1x1x5008xi32, #tpu.memory_space<hbm>>
      %dma_start3A_71 = tpu.memref_squeeze %dma_start3A_70 : memref<1x1x5008xi32, #tpu.memory_space<hbm>> -> memref<5008xi32, #tpu.memory_space<hbm>>
      %dma_start3A_72 = arith.constant 0 : i32
      %dma_start3A_73 = tpu.memref_slice %arg4[%arg0, %arg1, %dma_start3A_72] : memref<2x16x5008xi32, #tpu.memory_space<hbm>> -> memref<1x1x5008xi32, #tpu.memory_space<hbm>>
      %dma_start3A_74 = tpu.memref_squeeze %dma_start3A_73 : memref<1x1x5008xi32, #tpu.memory_space<hbm>> -> memref<5008xi32, #tpu.memory_space<hbm>>
      tpu.enqueue_dma source(%dma_start3A_74 : memref<5008xi32, #tpu.memory_space<hbm>>) target(%arg9 : memref<5008xi32, #tpu.memory_space<vmem>>) target_semaphore(%run_scoped3A_68 : memref<!tpu.dma_semaphore, #tpu.memory_space<semaphore_mem>>)
      %dma_wait3A_75 = arith.constant 0 : i32
      %dma_wait3A_76 = tpu.memref_slice %arg4[%arg0, %arg1, %dma_wait3A_75] : memref<2x16x5008xi32, #tpu.memory_space<hbm>> -> memref<1x1x5008xi32, #tpu.memory_space<hbm>>
      %dma_wait3A_77 = tpu.memref_squeeze %dma_wait3A_76 : memref<1x1x5008xi32, #tpu.memory_space<hbm>> -> memref<5008xi32, #tpu.memory_space<hbm>>
      %dma_wait3A_78 = arith.constant 0 : i32
      %dma_wait3A_79 = tpu.memref_slice %arg4[%arg0, %arg1, %dma_wait3A_78] : memref<2x16x5008xi32, #tpu.memory_space<hbm>> -> memref<1x1x5008xi32, #tpu.memory_space<hbm>>
      %dma_wait3A_80 = tpu.memref_squeeze %dma_wait3A_79 : memref<1x1x5008xi32, #tpu.memory_space<hbm>> -> memref<5008xi32, #tpu.memory_space<hbm>>
      tpu.wait_dma2 semaphore(%run_scoped3A_68 : memref<!tpu.dma_semaphore, #tpu.memory_space<semaphore_mem>>) src(%dma_wait3A_80 : memref<5008xi32, #tpu.memory_space<hbm>>) dst(%arg9 : memref<5008xi32, #tpu.memory_space<vmem>>)
      tpu.yield
    }) : () -> ()
    "tpu.region"() ({
      %run_scoped3A_68 = tpu.sem_alloc : memref<!tpu.dma_semaphore, #tpu.memory_space<semaphore_mem>>
      %dma_start3A_69 = arith.constant 0 : i32
      %dma_start3A_70 = arith.constant 0 : i32
      %dma_start3A_71 = tpu.memref_slice %arg5[%arg0, %arg1, %dma_start3A_69, %dma_start3A_70] : memref<2x16x52x96xi32, #tpu.memory_space<hbm>> -> memref<1x1x52x96xi32, #tpu.memory_space<hbm>>
      %dma_start3A_72 = tpu.memref_squeeze %dma_start3A_71 : memref<1x1x52x96xi32, #tpu.memory_space<hbm>> -> memref<52x96xi32, #tpu.memory_space<hbm>>
      %dma_start3A_73 = arith.constant 0 : i32
      %dma_start3A_74 = arith.constant 0 : i32
      %dma_start3A_75 = tpu.memref_slice %arg5[%arg0, %arg1, %dma_start3A_73, %dma_start3A_74] : memref<2x16x52x96xi32, #tpu.memory_space<hbm>> -> memref<1x1x52x96xi32, #tpu.memory_space<hbm>>
      %dma_start3A_76 = tpu.memref_squeeze %dma_start3A_75 : memref<1x1x52x96xi32, #tpu.memory_space<hbm>> -> memref<52x96xi32, #tpu.memory_space<hbm>>
      tpu.enqueue_dma source(%dma_start3A_76 : memref<52x96xi32, #tpu.memory_space<hbm>>) target(%arg10 : memref<52x96xi32, #tpu.memory_space<vmem>>) target_semaphore(%run_scoped3A_68 : memref<!tpu.dma_semaphore, #tpu.memory_space<semaphore_mem>>)
      %dma_wait3A_77 = arith.constant 0 : i32
      %dma_wait3A_78 = arith.constant 0 : i32
      %dma_wait3A_79 = tpu.memref_slice %arg5[%arg0, %arg1, %dma_wait3A_77, %dma_wait3A_78] : memref<2x16x52x96xi32, #tpu.memory_space<hbm>> -> memref<1x1x52x96xi32, #tpu.memory_space<hbm>>
      %dma_wait3A_80 = tpu.memref_squeeze %dma_wait3A_79 : memref<1x1x52x96xi32, #tpu.memory_space<hbm>> -> memref<52x96xi32, #tpu.memory_space<hbm>>
      %dma_wait3A_81 = arith.constant 0 : i32
      %dma_wait3A_82 = arith.constant 0 : i32
      %dma_wait3A_83 = tpu.memref_slice %arg5[%arg0, %arg1, %dma_wait3A_81, %dma_wait3A_82] : memref<2x16x52x96xi32, #tpu.memory_space<hbm>> -> memref<1x1x52x96xi32, #tpu.memory_space<hbm>>
      %dma_wait3A_84 = tpu.memref_squeeze %dma_wait3A_83 : memref<1x1x52x96xi32, #tpu.memory_space<hbm>> -> memref<52x96xi32, #tpu.memory_space<hbm>>
      tpu.wait_dma2 semaphore(%run_scoped3A_68 : memref<!tpu.dma_semaphore, #tpu.memory_space<semaphore_mem>>) src(%dma_wait3A_84 : memref<52x96xi32, #tpu.memory_space<hbm>>) dst(%arg10 : memref<52x96xi32, #tpu.memory_space<vmem>>)
      tpu.yield
    }) : () -> ()
    "tpu.region"() ({
      %run_scoped3A_68 = tpu.sem_alloc : memref<!tpu.dma_semaphore, #tpu.memory_space<semaphore_mem>>
      %dma_start3A_69 = arith.constant 0 : i32
      %dma_start3A_70 = arith.constant 0 : i32
      %dma_start3A_71 = tpu.memref_slice %arg6[%arg0, %arg1, %dma_start3A_69, %dma_start3A_70] : memref<2x16x1x8xi32, #tpu.memory_space<hbm>> -> memref<1x1x1x8xi32, #tpu.memory_space<hbm>>
      %dma_start3A_72 = tpu.memref_squeeze %dma_start3A_71 : memref<1x1x1x8xi32, #tpu.memory_space<hbm>> -> memref<1x8xi32, #tpu.memory_space<hbm>>
      %dma_start3A_73 = arith.constant 0 : i32
      %dma_start3A_74 = arith.constant 0 : i32
      %dma_start3A_75 = tpu.memref_slice %arg6[%arg0, %arg1, %dma_start3A_73, %dma_start3A_74] : memref<2x16x1x8xi32, #tpu.memory_space<hbm>> -> memref<1x1x1x8xi32, #tpu.memory_space<hbm>>
      %dma_start3A_76 = tpu.memref_squeeze %dma_start3A_75 : memref<1x1x1x8xi32, #tpu.memory_space<hbm>> -> memref<1x8xi32, #tpu.memory_space<hbm>>
      tpu.enqueue_dma source(%dma_start3A_76 : memref<1x8xi32, #tpu.memory_space<hbm>>) target(%arg11 : memref<1x8xi32, #tpu.memory_space<vmem>>) target_semaphore(%run_scoped3A_68 : memref<!tpu.dma_semaphore, #tpu.memory_space<semaphore_mem>>)
      %dma_wait3A_77 = arith.constant 0 : i32
      %dma_wait3A_78 = arith.constant 0 : i32
      %dma_wait3A_79 = tpu.memref_slice %arg6[%arg0, %arg1, %dma_wait3A_77, %dma_wait3A_78] : memref<2x16x1x8xi32, #tpu.memory_space<hbm>> -> memref<1x1x1x8xi32, #tpu.memory_space<hbm>>
      %dma_wait3A_80 = tpu.memref_squeeze %dma_wait3A_79 : memref<1x1x1x8xi32, #tpu.memory_space<hbm>> -> memref<1x8xi32, #tpu.memory_space<hbm>>
      %dma_wait3A_81 = arith.constant 0 : i32
      %dma_wait3A_82 = arith.constant 0 : i32
      %dma_wait3A_83 = tpu.memref_slice %arg6[%arg0, %arg1, %dma_wait3A_81, %dma_wait3A_82] : memref<2x16x1x8xi32, #tpu.memory_space<hbm>> -> memref<1x1x1x8xi32, #tpu.memory_space<hbm>>
      %dma_wait3A_84 = tpu.memref_squeeze %dma_wait3A_83 : memref<1x1x1x8xi32, #tpu.memory_space<hbm>> -> memref<1x8xi32, #tpu.memory_space<hbm>>
      tpu.wait_dma2 semaphore(%run_scoped3A_68 : memref<!tpu.dma_semaphore, #tpu.memory_space<semaphore_mem>>) src(%dma_wait3A_84 : memref<1x8xi32, #tpu.memory_space<hbm>>) dst(%arg11 : memref<1x8xi32, #tpu.memory_space<vmem>>)
      tpu.yield
    }) : () -> ()
    "tpu.region"() ({
      %run_scoped3A_68 = tpu.sem_alloc : memref<!tpu.dma_semaphore, #tpu.memory_space<semaphore_mem>>
      tpu.enqueue_dma source(%arg7 : memref<16xi32, #tpu.memory_space<hbm>>) target(%arg12 : memref<16xi32, #tpu.memory_space<vmem>>) target_semaphore(%run_scoped3A_68 : memref<!tpu.dma_semaphore, #tpu.memory_space<semaphore_mem>>)
      tpu.wait_dma2 semaphore(%run_scoped3A_68 : memref<!tpu.dma_semaphore, #tpu.memory_space<semaphore_mem>>) src(%arg7 : memref<16xi32, #tpu.memory_space<hbm>>) dst(%arg12 : memref<16xi32, #tpu.memory_space<vmem>>)
      tpu.yield
    }) : () -> ()
    %lt3A = arith.constant 15 : i32
    %lt3A_0 = arith.cmpi slt, %arg1, %lt3A : i32
    %convert_element_type3A = arith.extui %lt3A_0 : i1 to i32
    %cond3A = arith.constant 0 : i32
    %cond3A_1 = arith.cmpi ne, %convert_element_type3A, %cond3A : i32
    scf.if %cond3A_1 {
      %mul3A = arith.constant 632 : i32
      %mul3A_68 = arith.muli %arg1, %mul3A : i32
      %multiple_of3A_69 = tpu.assume_multiple %mul3A_68, 8 : i32
      "tpu.region"() ({
        %run_scoped3A_70 = tpu.sem_alloc : memref<!tpu.dma_semaphore, #tpu.memory_space<semaphore_mem>>
        %dma_start3A_71 = arith.constant 0 : i32
        %dma_start3A_72 = tpu.memref_slice %arg16[%multiple_of3A_69, %dma_start3A_71] : memref<10000x128xf32, #tpu.memory_space<vmem_shared>> -> memref<632x128xf32, #tpu.memory_space<vmem_shared>>
        %dma_start3A_73 = arith.constant 0 : i32
        %dma_start3A_74 = arith.constant 0 : i32
        %dma_start3A_75 = tpu.memref_slice %arg3[%dma_start3A_73, %dma_start3A_74] : memref<632x128xf32, #tpu.memory_space<hbm>> -> memref<632x128xf32, #tpu.memory_space<hbm>>
        tpu.enqueue_dma source(%dma_start3A_75 : memref<632x128xf32, #tpu.memory_space<hbm>>) target(%dma_start3A_72 : memref<632x128xf32, #tpu.memory_space<vmem_shared>>) target_semaphore(%run_scoped3A_70 : memref<!tpu.dma_semaphore, #tpu.memory_space<semaphore_mem>>)
        %dma_wait3A_76 = arith.constant 0 : i32
        %dma_wait3A_77 = tpu.memref_slice %arg16[%multiple_of3A_69, %dma_wait3A_76] : memref<10000x128xf32, #tpu.memory_space<vmem_shared>> -> memref<632x128xf32, #tpu.memory_space<vmem_shared>>
        %dma_wait3A_78 = arith.constant 0 : i32
        %dma_wait3A_79 = arith.constant 0 : i32
        %dma_wait3A_80 = tpu.memref_slice %arg3[%dma_wait3A_78, %dma_wait3A_79] : memref<632x128xf32, #tpu.memory_space<hbm>> -> memref<632x128xf32, #tpu.memory_space<hbm>>
        tpu.wait_dma2 semaphore(%run_scoped3A_70 : memref<!tpu.dma_semaphore, #tpu.memory_space<semaphore_mem>>) src(%dma_wait3A_80 : memref<632x128xf32, #tpu.memory_space<hbm>>) dst(%dma_wait3A_77 : memref<632x128xf32, #tpu.memory_space<vmem_shared>>)
        tpu.yield
      }) : () -> ()
    } else {
    }
    %eq3A = arith.constant 15 : i32
    %eq3A_2 = arith.cmpi eq, %arg1, %eq3A : i32
    %convert_element_type3A_3 = arith.extui %eq3A_2 : i1 to i32
    %cond3A_4 = arith.constant 0 : i32
    %cond3A_5 = arith.cmpi ne, %convert_element_type3A_3, %cond3A_4 : i32
    scf.if %cond3A_5 {
      "tpu.region"() ({
        %run_scoped3A_68 = tpu.sem_alloc : memref<!tpu.dma_semaphore, #tpu.memory_space<semaphore_mem>>
        %dma_start3A_69 = arith.constant 9480 : i32
        %dma_start3A_70 = arith.constant 0 : i32
        %dma_start3A_71 = tpu.memref_slice %arg16[%dma_start3A_69, %dma_start3A_70] : memref<10000x128xf32, #tpu.memory_space<vmem_shared>> -> memref<520x128xf32, #tpu.memory_space<vmem_shared>>
        %dma_start3A_72 = arith.constant 0 : i32
        %dma_start3A_73 = arith.constant 0 : i32
        %dma_start3A_74 = tpu.memref_slice %arg3[%dma_start3A_72, %dma_start3A_73] : memref<632x128xf32, #tpu.memory_space<hbm>> -> memref<520x128xf32, #tpu.memory_space<hbm>>
        tpu.enqueue_dma source(%dma_start3A_74 : memref<520x128xf32, #tpu.memory_space<hbm>>) target(%dma_start3A_71 : memref<520x128xf32, #tpu.memory_space<vmem_shared>>) target_semaphore(%run_scoped3A_68 : memref<!tpu.dma_semaphore, #tpu.memory_space<semaphore_mem>>)
        %dma_wait3A_75 = arith.constant 9480 : i32
        %dma_wait3A_76 = arith.constant 0 : i32
        %dma_wait3A_77 = tpu.memref_slice %arg16[%dma_wait3A_75, %dma_wait3A_76] : memref<10000x128xf32, #tpu.memory_space<vmem_shared>> -> memref<520x128xf32, #tpu.memory_space<vmem_shared>>
        %dma_wait3A_78 = arith.constant 0 : i32
        %dma_wait3A_79 = arith.constant 0 : i32
        %dma_wait3A_80 = tpu.memref_slice %arg3[%dma_wait3A_78, %dma_wait3A_79] : memref<632x128xf32, #tpu.memory_space<hbm>> -> memref<520x128xf32, #tpu.memory_space<hbm>>
        tpu.wait_dma2 semaphore(%run_scoped3A_68 : memref<!tpu.dma_semaphore, #tpu.memory_space<semaphore_mem>>) src(%dma_wait3A_80 : memref<520x128xf32, #tpu.memory_space<hbm>>) dst(%dma_wait3A_77 : memref<520x128xf32, #tpu.memory_space<vmem_shared>>)
        tpu.yield
      }) : () -> ()
    } else {
    }
    %get3A = arith.constant 0 : index
    %get3A_6 = tpu.vector_load %arg12[%get3A] {strides = array<i32>} : memref<16xi32, #tpu.memory_space<vmem>>, vector<16xi32>,
    %get3A_7 = vector.shape_cast %get3A_6 : vector<16xi32> to vector<16xi32>
    %scan3A = arith.constant 0 : i32
    %scan3A_8 = arith.constant 0 : i32
    %scan3A_9 = arith.constant 313 : i32
    %scan3A_10 = arith.addi %scan3A_8, %scan3A_9 : i32
    %scan3A_11 = arith.constant 1 : i32
    scf.for %scan3A_68 = %scan3A_8 to %scan3A_10 step %scan3A_11  : i32 {
      %mul3A = arith.constant 16 : i32
      %mul3A_69 = arith.muli %scan3A_68, %mul3A : i32
      %multiple_of3A_70 = tpu.assume_multiple %mul3A_69, 16 : i32
      %get3A_71 = arith.index_cast %multiple_of3A_70 : i32 to index
      %get3A_72 = tpu.vector_load %arg9[%get3A_71] {strides = array<i32>} : memref<5008xi32, #tpu.memory_space<vmem>>, vector<16xi32>,
      %get3A_73 = vector.shape_cast %get3A_72 : vector<16xi32> to vector<16xi32>
      %add3A = arith.addi %get3A_73, %get3A_7 : vector<16xi32>
      %swap3A = arith.index_cast %multiple_of3A_70 : i32 to index
      %swap3A_74 = tpu.vector_load %arg9[%swap3A] {strides = array<i32>} : memref<5008xi32, #tpu.memory_space<vmem>>, vector<16xi32>,
      %swap3A_75 = vector.shape_cast %swap3A_74 : vector<16xi32> to vector<16xi32>
      %swap3A_76 = vector.shape_cast %add3A : vector<16xi32> to vector<16xi32>
      tpu.vector_store %arg9[%swap3A], %swap3A_76 {strides = array<i32>} : memref<5008xi32, #tpu.memory_space<vmem>>, vector<16xi32>,
    }
    %scan3A_12 = arith.constant 313 : i32
    %barrier3A = arith.constant 0 : index
    tpu.barrier barrier_id(%barrier3A)
    %multiple_of3A = arith.constant 0 : i32
    %multiple_of3A_13 = tpu.assume_multiple %multiple_of3A, 8 : i32
    %dma_start3A = tpu.memref_slice %arg9[%multiple_of3A_13] : memref<5008xi32, #tpu.memory_space<vmem>> -> memref<96xi32, #tpu.memory_space<vmem>>
    %dma_start3A_14 = arith.constant 0 : i32
    %dma_start3A_15 = arith.constant 0 : i32
    %dma_start3A_16 = tpu.memref_slice %arg2[%dma_start3A_14, %dma_start3A_15] : memref<20000x128xf32, #tpu.memory_space<hbm>> -> memref<20000x128xf32, #tpu.memory_space<hbm>>
    tpu.enqueue_indirect_dma source(%dma_start3A_16 : memref<20000x128xf32, #tpu.memory_space<hbm>>) target(%arg13 : memref<96x128xf32, #tpu.memory_space<vmem>>) offsets(%dma_start3A : memref<96xi32, #tpu.memory_space<vmem>>) semaphore(%arg17 : memref<!tpu.dma_semaphore, #tpu.memory_space<semaphore_mem>>)
    %multiple_of3A_17 = arith.constant 96 : i32
    %multiple_of3A_18 = tpu.assume_multiple %multiple_of3A_17, 8 : i32
    %dma_start3A_19 = tpu.memref_slice %arg9[%multiple_of3A_18] : memref<5008xi32, #tpu.memory_space<vmem>> -> memref<96xi32, #tpu.memory_space<vmem>>
    %dma_start3A_20 = arith.constant 0 : i32
    %dma_start3A_21 = arith.constant 0 : i32
    %dma_start3A_22 = tpu.memref_slice %arg2[%dma_start3A_20, %dma_start3A_21] : memref<20000x128xf32, #tpu.memory_space<hbm>> -> memref<20000x128xf32, #tpu.memory_space<hbm>>
    tpu.enqueue_indirect_dma source(%dma_start3A_22 : memref<20000x128xf32, #tpu.memory_space<hbm>>) target(%arg14 : memref<96x128xf32, #tpu.memory_space<vmem>>) offsets(%dma_start3A_19 : memref<96xi32, #tpu.memory_space<vmem>>) semaphore(%arg18 : memref<!tpu.dma_semaphore, #tpu.memory_space<semaphore_mem>>)
    %multiple_of3A_23 = arith.constant 192 : i32
    %multiple_of3A_24 = tpu.assume_multiple %multiple_of3A_23, 8 : i32
    %dma_start3A_25 = tpu.memref_slice %arg9[%multiple_of3A_24] : memref<5008xi32, #tpu.memory_space<vmem>> -> memref<96xi32, #tpu.memory_space<vmem>>
    %dma_start3A_26 = arith.constant 0 : i32
    %dma_start3A_27 = arith.constant 0 : i32
    %dma_start3A_28 = tpu.memref_slice %arg2[%dma_start3A_26, %dma_start3A_27] : memref<20000x128xf32, #tpu.memory_space<hbm>> -> memref<20000x128xf32, #tpu.memory_space<hbm>>
    tpu.enqueue_indirect_dma source(%dma_start3A_28 : memref<20000x128xf32, #tpu.memory_space<hbm>>) target(%arg15 : memref<96x128xf32, #tpu.memory_space<vmem>>) offsets(%dma_start3A_25 : memref<96xi32, #tpu.memory_space<vmem>>) semaphore(%arg19 : memref<!tpu.dma_semaphore, #tpu.memory_space<semaphore_mem>>)
    %scan3A_29 = arith.constant 0 : i32
    %scan3A_30 = arith.constant 0 : i32
    %scan3A_31 = arith.constant 17 : i32
    %scan3A_32 = arith.addi %scan3A_30, %scan3A_31 : i32
    %scan3A_33 = arith.constant 1 : i32
    scf.for %scan3A_68 = %scan3A_30 to %scan3A_32 step %scan3A_33  : i32 {
      %mul3A = arith.constant 3 : i32
      %mul3A_69 = arith.muli %scan3A_68, %mul3A : i32
      %add3A = arith.constant 0 : i32
      %add3A_70 = arith.addi %mul3A_69, %add3A : i32
      %mul3A_71 = arith.constant 96 : i32
      %mul3A_72 = arith.muli %add3A_70, %mul3A_71 : i32
      %multiple_of3A_73 = tpu.assume_multiple %mul3A_72, 8 : i32
      %dma_wait3A_74 = tpu.memref_slice %arg9[%multiple_of3A_73] : memref<5008xi32, #tpu.memory_space<vmem>> -> memref<96xi32, #tpu.memory_space<vmem>>
      %dma_wait3A_75 = arith.constant 0 : i32
      %dma_wait3A_76 = arith.constant 0 : i32
      %dma_wait3A_77 = tpu.memref_slice %arg2[%dma_wait3A_75, %dma_wait3A_76] : memref<20000x128xf32, #tpu.memory_space<hbm>> -> memref<20000x128xf32, #tpu.memory_space<hbm>>
      tpu.wait_indirect_dma semaphore(%arg17 : memref<!tpu.dma_semaphore, #tpu.memory_space<semaphore_mem>>) src(%dma_wait3A_77 : memref<20000x128xf32, #tpu.memory_space<hbm>>) dst(%arg13 : memref<96x128xf32, #tpu.memory_space<vmem>>)
      "tpu.region"() ({
        %run_scoped3A_121 = tpu.sem_alloc : memref<!tpu.dma_semaphore, #tpu.memory_space<semaphore_mem>>
        %dma_start3A_122 = arith.constant 0 : i32
        %dma_start3A_123 = tpu.memref_slice %arg10[%add3A_70, %dma_start3A_122] : memref<52x96xi32, #tpu.memory_space<vmem>> -> memref<1x96xi32, #tpu.memory_space<vmem>>
        %dma_start3A_124 = tpu.memref_squeeze %dma_start3A_123 : memref<1x96xi32, #tpu.memory_space<vmem>> -> memref<96xi32, #tpu.memory_space<vmem>>
        %dma_start3A_125 = arith.constant 0 : i32
        %dma_start3A_126 = arith.constant 0 : i32
        %dma_start3A_127 = tpu.memref_slice %arg16[%dma_start3A_125, %dma_start3A_126] : memref<10000x128xf32, #tpu.memory_space<vmem_shared>> -> memref<10000x128xf32, #tpu.memory_space<vmem_shared>>
        tpu.enqueue_indirect_dma source(%arg13 : memref<96x128xf32, #tpu.memory_space<vmem>>) target(%dma_start3A_127 : memref<10000x128xf32, #tpu.memory_space<vmem_shared>>) offsets(%dma_start3A_124 : memref<96xi32, #tpu.memory_space<vmem>>) semaphore(%run_scoped3A_121 : memref<!tpu.dma_semaphore, #tpu.memory_space<semaphore_mem>>) {add = true}
        %dma_wait3A_128 = arith.constant 0 : i32
        %dma_wait3A_129 = tpu.memref_slice %arg10[%add3A_70, %dma_wait3A_128] : memref<52x96xi32, #tpu.memory_space<vmem>> -> memref<1x96xi32, #tpu.memory_space<vmem>>
        %dma_wait3A_130 = tpu.memref_squeeze %dma_wait3A_129 : memref<1x96xi32, #tpu.memory_space<vmem>> -> memref<96xi32, #tpu.memory_space<vmem>>
        %dma_wait3A_131 = arith.constant 0 : i32
        %dma_wait3A_132 = arith.constant 0 : i32
        %dma_wait3A_133 = tpu.memref_slice %arg16[%dma_wait3A_131, %dma_wait3A_132] : memref<10000x128xf32, #tpu.memory_space<vmem_shared>> -> memref<10000x128xf32, #tpu.memory_space<vmem_shared>>
        tpu.wait_indirect_dma semaphore(%run_scoped3A_121 : memref<!tpu.dma_semaphore, #tpu.memory_space<semaphore_mem>>) src(%arg13 : memref<96x128xf32, #tpu.memory_space<vmem>>) dst(%dma_wait3A_133 : memref<10000x128xf32, #tpu.memory_space<vmem_shared>>)
        tpu.yield
      }) : () -> ()
      %add3A_78 = arith.constant 3 : i32
      %add3A_79 = arith.addi %add3A_70, %add3A_78 : i32
      %lt3A_80 = arith.constant 52 : i32
      %lt3A_81 = arith.cmpi slt, %add3A_79, %lt3A_80 : i32
      %convert_element_type3A_82 = arith.extui %lt3A_81 : i1 to i32
      %cond3A_83 = arith.constant 0 : i32
      %cond3A_84 = arith.cmpi ne, %convert_element_type3A_82, %cond3A_83 : i32
      scf.if %cond3A_84 {
        %mul3A_121 = arith.constant 96 : i32
        %mul3A_122 = arith.muli %add3A_79, %mul3A_121 : i32
        %multiple_of3A_123 = tpu.assume_multiple %mul3A_122, 8 : i32
        %dma_start3A_124 = tpu.memref_slice %arg9[%multiple_of3A_123] : memref<5008xi32, #tpu.memory_space<vmem>> -> memref<96xi32, #tpu.memory_space<vmem>>
        %dma_start3A_125 = arith.constant 0 : i32
        %dma_start3A_126 = arith.constant 0 : i32
        %dma_start3A_127 = tpu.memref_slice %arg2[%dma_start3A_125, %dma_start3A_126] : memref<20000x128xf32, #tpu.memory_space<hbm>> -> memref<20000x128xf32, #tpu.memory_space<hbm>>
        tpu.enqueue_indirect_dma source(%dma_start3A_127 : memref<20000x128xf32, #tpu.memory_space<hbm>>) target(%arg13 : memref<96x128xf32, #tpu.memory_space<vmem>>) offsets(%dma_start3A_124 : memref<96xi32, #tpu.memory_space<vmem>>) semaphore(%arg17 : memref<!tpu.dma_semaphore, #tpu.memory_space<semaphore_mem>>)
      } else {
      }
      %mul3A_85 = arith.constant 3 : i32
      %mul3A_86 = arith.muli %scan3A_68, %mul3A_85 : i32
      %add3A_87 = arith.constant 1 : i32
      %add3A_88 = arith.addi %mul3A_86, %add3A_87 : i32
      %mul3A_89 = arith.constant 96 : i32
      %mul3A_90 = arith.muli %add3A_88, %mul3A_89 : i32
      %multiple_of3A_91 = tpu.assume_multiple %mul3A_90, 8 : i32
      %dma_wait3A_92 = tpu.memref_slice %arg9[%multiple_of3A_91] : memref<5008xi32, #tpu.memory_space<vmem>> -> memref<96xi32, #tpu.memory_space<vmem>>
      %dma_wait3A_93 = arith.constant 0 : i32
      %dma_wait3A_94 = arith.constant 0 : i32
      %dma_wait3A_95 = tpu.memref_slice %arg2[%dma_wait3A_93, %dma_wait3A_94] : memref<20000x128xf32, #tpu.memory_space<hbm>> -> memref<20000x128xf32, #tpu.memory_space<hbm>>
      tpu.wait_indirect_dma semaphore(%arg18 : memref<!tpu.dma_semaphore, #tpu.memory_space<semaphore_mem>>) src(%dma_wait3A_95 : memref<20000x128xf32, #tpu.memory_space<hbm>>) dst(%arg14 : memref<96x128xf32, #tpu.memory_space<vmem>>)
      "tpu.region"() ({
        %run_scoped3A_121 = tpu.sem_alloc : memref<!tpu.dma_semaphore, #tpu.memory_space<semaphore_mem>>
        %dma_start3A_122 = arith.constant 0 : i32
        %dma_start3A_123 = tpu.memref_slice %arg10[%add3A_88, %dma_start3A_122] : memref<52x96xi32, #tpu.memory_space<vmem>> -> memref<1x96xi32, #tpu.memory_space<vmem>>
        %dma_start3A_124 = tpu.memref_squeeze %dma_start3A_123 : memref<1x96xi32, #tpu.memory_space<vmem>> -> memref<96xi32, #tpu.memory_space<vmem>>
        %dma_start3A_125 = arith.constant 0 : i32
        %dma_start3A_126 = arith.constant 0 : i32
        %dma_start3A_127 = tpu.memref_slice %arg16[%dma_start3A_125, %dma_start3A_126] : memref<10000x128xf32, #tpu.memory_space<vmem_shared>> -> memref<10000x128xf32, #tpu.memory_space<vmem_shared>>
        tpu.enqueue_indirect_dma source(%arg14 : memref<96x128xf32, #tpu.memory_space<vmem>>) target(%dma_start3A_127 : memref<10000x128xf32, #tpu.memory_space<vmem_shared>>) offsets(%dma_start3A_124 : memref<96xi32, #tpu.memory_space<vmem>>) semaphore(%run_scoped3A_121 : memref<!tpu.dma_semaphore, #tpu.memory_space<semaphore_mem>>) {add = true}
        %dma_wait3A_128 = arith.constant 0 : i32
        %dma_wait3A_129 = tpu.memref_slice %arg10[%add3A_88, %dma_wait3A_128] : memref<52x96xi32, #tpu.memory_space<vmem>> -> memref<1x96xi32, #tpu.memory_space<vmem>>
        %dma_wait3A_130 = tpu.memref_squeeze %dma_wait3A_129 : memref<1x96xi32, #tpu.memory_space<vmem>> -> memref<96xi32, #tpu.memory_space<vmem>>
        %dma_wait3A_131 = arith.constant 0 : i32
        %dma_wait3A_132 = arith.constant 0 : i32
        %dma_wait3A_133 = tpu.memref_slice %arg16[%dma_wait3A_131, %dma_wait3A_132] : memref<10000x128xf32, #tpu.memory_space<vmem_shared>> -> memref<10000x128xf32, #tpu.memory_space<vmem_shared>>
        tpu.wait_indirect_dma semaphore(%run_scoped3A_121 : memref<!tpu.dma_semaphore, #tpu.memory_space<semaphore_mem>>) src(%arg14 : memref<96x128xf32, #tpu.memory_space<vmem>>) dst(%dma_wait3A_133 : memref<10000x128xf32, #tpu.memory_space<vmem_shared>>)
        tpu.yield
      }) : () -> ()
      %add3A_96 = arith.constant 3 : i32
      %add3A_97 = arith.addi %add3A_88, %add3A_96 : i32
      %lt3A_98 = arith.constant 52 : i32
      %lt3A_99 = arith.cmpi slt, %add3A_97, %lt3A_98 : i32
      %convert_element_type3A_100 = arith.extui %lt3A_99 : i1 to i32
      %cond3A_101 = arith.constant 0 : i32
      %cond3A_102 = arith.cmpi ne, %convert_element_type3A_100, %cond3A_101 : i32
      scf.if %cond3A_102 {
        %mul3A_121 = arith.constant 96 : i32
        %mul3A_122 = arith.muli %add3A_97, %mul3A_121 : i32
        %multiple_of3A_123 = tpu.assume_multiple %mul3A_122, 8 : i32
        %dma_start3A_124 = tpu.memref_slice %arg9[%multiple_of3A_123] : memref<5008xi32, #tpu.memory_space<vmem>> -> memref<96xi32, #tpu.memory_space<vmem>>
        %dma_start3A_125 = arith.constant 0 : i32
        %dma_start3A_126 = arith.constant 0 : i32
        %dma_start3A_127 = tpu.memref_slice %arg2[%dma_start3A_125, %dma_start3A_126] : memref<20000x128xf32, #tpu.memory_space<hbm>> -> memref<20000x128xf32, #tpu.memory_space<hbm>>
        tpu.enqueue_indirect_dma source(%dma_start3A_127 : memref<20000x128xf32, #tpu.memory_space<hbm>>) target(%arg14 : memref<96x128xf32, #tpu.memory_space<vmem>>) offsets(%dma_start3A_124 : memref<96xi32, #tpu.memory_space<vmem>>) semaphore(%arg18 : memref<!tpu.dma_semaphore, #tpu.memory_space<semaphore_mem>>)
      } else {
      }
      %mul3A_103 = arith.constant 3 : i32
      %mul3A_104 = arith.muli %scan3A_68, %mul3A_103 : i32
      %add3A_105 = arith.constant 2 : i32
      %add3A_106 = arith.addi %mul3A_104, %add3A_105 : i32
      %mul3A_107 = arith.constant 96 : i32
      %mul3A_108 = arith.muli %add3A_106, %mul3A_107 : i32
      %multiple_of3A_109 = tpu.assume_multiple %mul3A_108, 8 : i32
      %dma_wait3A_110 = tpu.memref_slice %arg9[%multiple_of3A_109] : memref<5008xi32, #tpu.memory_space<vmem>> -> memref<96xi32, #tpu.memory_space<vmem>>
      %dma_wait3A_111 = arith.constant 0 : i32
      %dma_wait3A_112 = arith.constant 0 : i32
      %dma_wait3A_113 = tpu.memref_slice %arg2[%dma_wait3A_111, %dma_wait3A_112] : memref<20000x128xf32, #tpu.memory_space<hbm>> -> memref<20000x128xf32, #tpu.memory_space<hbm>>
      tpu.wait_indirect_dma semaphore(%arg19 : memref<!tpu.dma_semaphore, #tpu.memory_space<semaphore_mem>>) src(%dma_wait3A_113 : memref<20000x128xf32, #tpu.memory_space<hbm>>) dst(%arg15 : memref<96x128xf32, #tpu.memory_space<vmem>>)
      "tpu.region"() ({
        %run_scoped3A_121 = tpu.sem_alloc : memref<!tpu.dma_semaphore, #tpu.memory_space<semaphore_mem>>
        %dma_start3A_122 = arith.constant 0 : i32
        %dma_start3A_123 = tpu.memref_slice %arg10[%add3A_106, %dma_start3A_122] : memref<52x96xi32, #tpu.memory_space<vmem>> -> memref<1x96xi32, #tpu.memory_space<vmem>>
        %dma_start3A_124 = tpu.memref_squeeze %dma_start3A_123 : memref<1x96xi32, #tpu.memory_space<vmem>> -> memref<96xi32, #tpu.memory_space<vmem>>
        %dma_start3A_125 = arith.constant 0 : i32
        %dma_start3A_126 = arith.constant 0 : i32
        %dma_start3A_127 = tpu.memref_slice %arg16[%dma_start3A_125, %dma_start3A_126] : memref<10000x128xf32, #tpu.memory_space<vmem_shared>> -> memref<10000x128xf32, #tpu.memory_space<vmem_shared>>
        tpu.enqueue_indirect_dma source(%arg15 : memref<96x128xf32, #tpu.memory_space<vmem>>) target(%dma_start3A_127 : memref<10000x128xf32, #tpu.memory_space<vmem_shared>>) offsets(%dma_start3A_124 : memref<96xi32, #tpu.memory_space<vmem>>) semaphore(%run_scoped3A_121 : memref<!tpu.dma_semaphore, #tpu.memory_space<semaphore_mem>>) {add = true}
        %dma_wait3A_128 = arith.constant 0 : i32
        %dma_wait3A_129 = tpu.memref_slice %arg10[%add3A_106, %dma_wait3A_128] : memref<52x96xi32, #tpu.memory_space<vmem>> -> memref<1x96xi32, #tpu.memory_space<vmem>>
        %dma_wait3A_130 = tpu.memref_squeeze %dma_wait3A_129 : memref<1x96xi32, #tpu.memory_space<vmem>> -> memref<96xi32, #tpu.memory_space<vmem>>
        %dma_wait3A_131 = arith.constant 0 : i32
        %dma_wait3A_132 = arith.constant 0 : i32
        %dma_wait3A_133 = tpu.memref_slice %arg16[%dma_wait3A_131, %dma_wait3A_132] : memref<10000x128xf32, #tpu.memory_space<vmem_shared>> -> memref<10000x128xf32, #tpu.memory_space<vmem_shared>>
        tpu.wait_indirect_dma semaphore(%run_scoped3A_121 : memref<!tpu.dma_semaphore, #tpu.memory_space<semaphore_mem>>) src(%arg15 : memref<96x128xf32, #tpu.memory_space<vmem>>) dst(%dma_wait3A_133 : memref<10000x128xf32, #tpu.memory_space<vmem_shared>>)
        tpu.yield
      }) : () -> ()
      %add3A_114 = arith.constant 3 : i32
      %add3A_115 = arith.addi %add3A_106, %add3A_114 : i32
      %lt3A_116 = arith.constant 52 : i32
      %lt3A_117 = arith.cmpi slt, %add3A_115, %lt3A_116 : i32
      %convert_element_type3A_118 = arith.extui %lt3A_117 : i1 to i32
      %cond3A_119 = arith.constant 0 : i32
      %cond3A_120 = arith.cmpi ne, %convert_element_type3A_118, %cond3A_119 : i32
      scf.if %cond3A_120 {
        %mul3A_121 = arith.constant 96 : i32
        %mul3A_122 = arith.muli %add3A_115, %mul3A_121 : i32
        %multiple_of3A_123 = tpu.assume_multiple %mul3A_122, 8 : i32
        %dma_start3A_124 = tpu.memref_slice %arg9[%multiple_of3A_123] : memref<5008xi32, #tpu.memory_space<vmem>> -> memref<96xi32, #tpu.memory_space<vmem>>
        %dma_start3A_125 = arith.constant 0 : i32
        %dma_start3A_126 = arith.constant 0 : i32
        %dma_start3A_127 = tpu.memref_slice %arg2[%dma_start3A_125, %dma_start3A_126] : memref<20000x128xf32, #tpu.memory_space<hbm>> -> memref<20000x128xf32, #tpu.memory_space<hbm>>
        tpu.enqueue_indirect_dma source(%dma_start3A_127 : memref<20000x128xf32, #tpu.memory_space<hbm>>) target(%arg15 : memref<96x128xf32, #tpu.memory_space<vmem>>) offsets(%dma_start3A_124 : memref<96xi32, #tpu.memory_space<vmem>>) semaphore(%arg19 : memref<!tpu.dma_semaphore, #tpu.memory_space<semaphore_mem>>)
      } else {
      }
    }
    %scan3A_34 = arith.constant 17 : i32
    %dma_start3A_35 = arith.constant 0 : i32
    %dma_start3A_36 = arith.constant 0 : i32
    %dma_start3A_37 = tpu.memref_slice %arg14[%dma_start3A_35, %dma_start3A_36] : memref<96x128xf32, #tpu.memory_space<vmem>> -> memref<8x128xf32, #tpu.memory_space<vmem>>
    %dma_start3A_38 = arith.constant 4992 : i32
    %dma_start3A_39 = tpu.memref_slice %arg9[%dma_start3A_38] : memref<5008xi32, #tpu.memory_space<vmem>> -> memref<8xi32, #tpu.memory_space<vmem>>
    %dma_start3A_40 = arith.constant 0 : i32
    %dma_start3A_41 = arith.constant 0 : i32
    %dma_start3A_42 = tpu.memref_slice %arg2[%dma_start3A_40, %dma_start3A_41] : memref<20000x128xf32, #tpu.memory_space<hbm>> -> memref<20000x128xf32, #tpu.memory_space<hbm>>
    tpu.enqueue_indirect_dma source(%dma_start3A_42 : memref<20000x128xf32, #tpu.memory_space<hbm>>) target(%dma_start3A_37 : memref<8x128xf32, #tpu.memory_space<vmem>>) offsets(%dma_start3A_39 : memref<8xi32, #tpu.memory_space<vmem>>) semaphore(%arg18 : memref<!tpu.dma_semaphore, #tpu.memory_space<semaphore_mem>>)
    %multiple_of3A_43 = arith.constant 4896 : i32
    %multiple_of3A_44 = tpu.assume_multiple %multiple_of3A_43, 8 : i32
    %dma_wait3A = tpu.memref_slice %arg9[%multiple_of3A_44] : memref<5008xi32, #tpu.memory_space<vmem>> -> memref<96xi32, #tpu.memory_space<vmem>>
    %dma_wait3A_45 = arith.constant 0 : i32
    %dma_wait3A_46 = arith.constant 0 : i32
    %dma_wait3A_47 = tpu.memref_slice %arg2[%dma_wait3A_45, %dma_wait3A_46] : memref<20000x128xf32, #tpu.memory_space<hbm>> -> memref<20000x128xf32, #tpu.memory_space<hbm>>
    tpu.wait_indirect_dma semaphore(%arg17 : memref<!tpu.dma_semaphore, #tpu.memory_space<semaphore_mem>>) src(%dma_wait3A_47 : memref<20000x128xf32, #tpu.memory_space<hbm>>) dst(%arg13 : memref<96x128xf32, #tpu.memory_space<vmem>>)
    %run_scoped3A = arith.constant 51 : i32
    "tpu.region"() ({
      %run_scoped3A_68 = tpu.sem_alloc : memref<!tpu.dma_semaphore, #tpu.memory_space<semaphore_mem>>
      %dma_start3A_69 = arith.constant 0 : i32
      %dma_start3A_70 = tpu.memref_slice %arg10[%run_scoped3A, %dma_start3A_69] : memref<52x96xi32, #tpu.memory_space<vmem>> -> memref<1x96xi32, #tpu.memory_space<vmem>>
      %dma_start3A_71 = tpu.memref_squeeze %dma_start3A_70 : memref<1x96xi32, #tpu.memory_space<vmem>> -> memref<96xi32, #tpu.memory_space<vmem>>
      %dma_start3A_72 = arith.constant 0 : i32
      %dma_start3A_73 = arith.constant 0 : i32
      %dma_start3A_74 = tpu.memref_slice %arg16[%dma_start3A_72, %dma_start3A_73] : memref<10000x128xf32, #tpu.memory_space<vmem_shared>> -> memref<10000x128xf32, #tpu.memory_space<vmem_shared>>
      tpu.enqueue_indirect_dma source(%arg13 : memref<96x128xf32, #tpu.memory_space<vmem>>) target(%dma_start3A_74 : memref<10000x128xf32, #tpu.memory_space<vmem_shared>>) offsets(%dma_start3A_71 : memref<96xi32, #tpu.memory_space<vmem>>) semaphore(%run_scoped3A_68 : memref<!tpu.dma_semaphore, #tpu.memory_space<semaphore_mem>>) {add = true}
      %dma_wait3A_75 = arith.constant 0 : i32
      %dma_wait3A_76 = tpu.memref_slice %arg10[%run_scoped3A, %dma_wait3A_75] : memref<52x96xi32, #tpu.memory_space<vmem>> -> memref<1x96xi32, #tpu.memory_space<vmem>>
      %dma_wait3A_77 = tpu.memref_squeeze %dma_wait3A_76 : memref<1x96xi32, #tpu.memory_space<vmem>> -> memref<96xi32, #tpu.memory_space<vmem>>
      %dma_wait3A_78 = arith.constant 0 : i32
      %dma_wait3A_79 = arith.constant 0 : i32
      %dma_wait3A_80 = tpu.memref_slice %arg16[%dma_wait3A_78, %dma_wait3A_79] : memref<10000x128xf32, #tpu.memory_space<vmem_shared>> -> memref<10000x128xf32, #tpu.memory_space<vmem_shared>>
      tpu.wait_indirect_dma semaphore(%run_scoped3A_68 : memref<!tpu.dma_semaphore, #tpu.memory_space<semaphore_mem>>) src(%arg13 : memref<96x128xf32, #tpu.memory_space<vmem>>) dst(%dma_wait3A_80 : memref<10000x128xf32, #tpu.memory_space<vmem_shared>>)
      tpu.yield
    }) : () -> ()
    %dma_wait3A_48 = arith.constant 0 : i32
    %dma_wait3A_49 = arith.constant 0 : i32
    %dma_wait3A_50 = tpu.memref_slice %arg14[%dma_wait3A_48, %dma_wait3A_49] : memref<96x128xf32, #tpu.memory_space<vmem>> -> memref<8x128xf32, #tpu.memory_space<vmem>>
    %dma_wait3A_51 = arith.constant 4992 : i32
    %dma_wait3A_52 = tpu.memref_slice %arg9[%dma_wait3A_51] : memref<5008xi32, #tpu.memory_space<vmem>> -> memref<8xi32, #tpu.memory_space<vmem>>
    %dma_wait3A_53 = arith.constant 0 : i32
    %dma_wait3A_54 = arith.constant 0 : i32
    %dma_wait3A_55 = tpu.memref_slice %arg2[%dma_wait3A_53, %dma_wait3A_54] : memref<20000x128xf32, #tpu.memory_space<hbm>> -> memref<20000x128xf32, #tpu.memory_space<hbm>>
    tpu.wait_indirect_dma semaphore(%arg18 : memref<!tpu.dma_semaphore, #tpu.memory_space<semaphore_mem>>) src(%dma_wait3A_55 : memref<20000x128xf32, #tpu.memory_space<hbm>>) dst(%dma_wait3A_50 : memref<8x128xf32, #tpu.memory_space<vmem>>)
    %run_scoped3A_56 = arith.constant 0 : i32
    "tpu.region"() ({
      %run_scoped3A_68 = tpu.sem_alloc : memref<!tpu.dma_semaphore, #tpu.memory_space<semaphore_mem>>
      %dma_start3A_69 = arith.constant 0 : i32
      %dma_start3A_70 = arith.constant 0 : i32
      %dma_start3A_71 = tpu.memref_slice %arg14[%dma_start3A_69, %dma_start3A_70] : memref<96x128xf32, #tpu.memory_space<vmem>> -> memref<8x128xf32, #tpu.memory_space<vmem>>
      %dma_start3A_72 = arith.constant 0 : i32
      %dma_start3A_73 = tpu.memref_slice %arg11[%run_scoped3A_56, %dma_start3A_72] : memref<1x8xi32, #tpu.memory_space<vmem>> -> memref<1x8xi32, #tpu.memory_space<vmem>>
      %dma_start3A_74 = tpu.memref_squeeze %dma_start3A_73 : memref<1x8xi32, #tpu.memory_space<vmem>> -> memref<8xi32, #tpu.memory_space<vmem>>
      %dma_start3A_75 = arith.constant 0 : i32
      %dma_start3A_76 = arith.constant 0 : i32
      %dma_start3A_77 = tpu.memref_slice %arg16[%dma_start3A_75, %dma_start3A_76] : memref<10000x128xf32, #tpu.memory_space<vmem_shared>> -> memref<10000x128xf32, #tpu.memory_space<vmem_shared>>
      tpu.enqueue_indirect_dma source(%dma_start3A_71 : memref<8x128xf32, #tpu.memory_space<vmem>>) target(%dma_start3A_77 : memref<10000x128xf32, #tpu.memory_space<vmem_shared>>) offsets(%dma_start3A_74 : memref<8xi32, #tpu.memory_space<vmem>>) semaphore(%run_scoped3A_68 : memref<!tpu.dma_semaphore, #tpu.memory_space<semaphore_mem>>) {add = true}
      %dma_wait3A_78 = arith.constant 0 : i32
      %dma_wait3A_79 = arith.constant 0 : i32
      %dma_wait3A_80 = tpu.memref_slice %arg14[%dma_wait3A_78, %dma_wait3A_79] : memref<96x128xf32, #tpu.memory_space<vmem>> -> memref<8x128xf32, #tpu.memory_space<vmem>>
      %dma_wait3A_81 = arith.constant 0 : i32
      %dma_wait3A_82 = tpu.memref_slice %arg11[%run_scoped3A_56, %dma_wait3A_81] : memref<1x8xi32, #tpu.memory_space<vmem>> -> memref<1x8xi32, #tpu.memory_space<vmem>>
      %dma_wait3A_83 = tpu.memref_squeeze %dma_wait3A_82 : memref<1x8xi32, #tpu.memory_space<vmem>> -> memref<8xi32, #tpu.memory_space<vmem>>
      %dma_wait3A_84 = arith.constant 0 : i32
      %dma_wait3A_85 = arith.constant 0 : i32
      %dma_wait3A_86 = tpu.memref_slice %arg16[%dma_wait3A_84, %dma_wait3A_85] : memref<10000x128xf32, #tpu.memory_space<vmem_shared>> -> memref<10000x128xf32, #tpu.memory_space<vmem_shared>>
      tpu.wait_indirect_dma semaphore(%run_scoped3A_68 : memref<!tpu.dma_semaphore, #tpu.memory_space<semaphore_mem>>) src(%dma_wait3A_80 : memref<8x128xf32, #tpu.memory_space<vmem>>) dst(%dma_wait3A_86 : memref<10000x128xf32, #tpu.memory_space<vmem_shared>>)
      tpu.yield
    }) : () -> ()
    %barrier3A_57 = arith.constant 0 : index
    tpu.barrier barrier_id(%barrier3A_57)
    %lt3A_58 = arith.constant 15 : i32
    %lt3A_59 = arith.cmpi slt, %arg1, %lt3A_58 : i32
    %convert_element_type3A_60 = arith.extui %lt3A_59 : i1 to i32
    %cond3A_61 = arith.constant 0 : i32
    %cond3A_62 = arith.cmpi ne, %convert_element_type3A_60, %cond3A_61 : i32
    scf.if %cond3A_62 {
      %mul3A = arith.constant 632 : i32
      %mul3A_68 = arith.muli %arg1, %mul3A : i32
      %multiple_of3A_69 = tpu.assume_multiple %mul3A_68, 8 : i32
      "tpu.region"() ({
        %run_scoped3A_70 = tpu.sem_alloc : memref<!tpu.dma_semaphore, #tpu.memory_space<semaphore_mem>>
        %dma_start3A_71 = arith.constant 0 : i32
        %dma_start3A_72 = tpu.memref_slice %arg8[%arg0, %multiple_of3A_69, %dma_start3A_71] : memref<2x10000x128xf32, #tpu.memory_space<hbm>> -> memref<1x632x128xf32, #tpu.memory_space<hbm>>
        %dma_start3A_73 = tpu.memref_squeeze %dma_start3A_72 : memref<1x632x128xf32, #tpu.memory_space<hbm>> -> memref<632x128xf32, #tpu.memory_space<hbm>>
        %dma_start3A_74 = arith.constant 0 : i32
        %dma_start3A_75 = tpu.memref_slice %arg16[%multiple_of3A_69, %dma_start3A_74] : memref<10000x128xf32, #tpu.memory_space<vmem_shared>> -> memref<632x128xf32, #tpu.memory_space<vmem_shared>>
        tpu.enqueue_dma source(%dma_start3A_75 : memref<632x128xf32, #tpu.memory_space<vmem_shared>>) target(%dma_start3A_73 : memref<632x128xf32, #tpu.memory_space<hbm>>) target_semaphore(%run_scoped3A_70 : memref<!tpu.dma_semaphore, #tpu.memory_space<semaphore_mem>>)
        %dma_wait3A_76 = arith.constant 0 : i32
        %dma_wait3A_77 = tpu.memref_slice %arg8[%arg0, %multiple_of3A_69, %dma_wait3A_76] : memref<2x10000x128xf32, #tpu.memory_space<hbm>> -> memref<1x632x128xf32, #tpu.memory_space<hbm>>
        %dma_wait3A_78 = tpu.memref_squeeze %dma_wait3A_77 : memref<1x632x128xf32, #tpu.memory_space<hbm>> -> memref<632x128xf32, #tpu.memory_space<hbm>>
        %dma_wait3A_79 = arith.constant 0 : i32
        %dma_wait3A_80 = tpu.memref_slice %arg16[%multiple_of3A_69, %dma_wait3A_79] : memref<10000x128xf32, #tpu.memory_space<vmem_shared>> -> memref<632x128xf32, #tpu.memory_space<vmem_shared>>
        tpu.wait_dma2 semaphore(%run_scoped3A_70 : memref<!tpu.dma_semaphore, #tpu.memory_space<semaphore_mem>>) src(%dma_wait3A_80 : memref<632x128xf32, #tpu.memory_space<vmem_shared>>) dst(%dma_wait3A_78 : memref<632x128xf32, #tpu.memory_space<hbm>>)
        tpu.yield
      }) : () -> ()
    } else {
    }
    %eq3A_63 = arith.constant 15 : i32
    %eq3A_64 = arith.cmpi eq, %arg1, %eq3A_63 : i32
    %convert_element_type3A_65 = arith.extui %eq3A_64 : i1 to i32
    %cond3A_66 = arith.constant 0 : i32
    %cond3A_67 = arith.cmpi ne, %convert_element_type3A_65, %cond3A_66 : i32
    scf.if %cond3A_67 {
      "tpu.region"() ({
        %run_scoped3A_68 = tpu.sem_alloc : memref<!tpu.dma_semaphore, #tpu.memory_space<semaphore_mem>>
        %dma_start3A_69 = arith.constant 9480 : i32
        %dma_start3A_70 = arith.constant 0 : i32
        %dma_start3A_71 = tpu.memref_slice %arg8[%arg0, %dma_start3A_69, %dma_start3A_70] : memref<2x10000x128xf32, #tpu.memory_space<hbm>> -> memref<1x520x128xf32, #tpu.memory_space<hbm>>
        %dma_start3A_72 = tpu.memref_squeeze %dma_start3A_71 : memref<1x520x128xf32, #tpu.memory_space<hbm>> -> memref<520x128xf32, #tpu.memory_space<hbm>>
        %dma_start3A_73 = arith.constant 9480 : i32
        %dma_start3A_74 = arith.constant 0 : i32
        %dma_start3A_75 = tpu.memref_slice %arg16[%dma_start3A_73, %dma_start3A_74] : memref<10000x128xf32, #tpu.memory_space<vmem_shared>> -> memref<520x128xf32, #tpu.memory_space<vmem_shared>>
        tpu.enqueue_dma source(%dma_start3A_75 : memref<520x128xf32, #tpu.memory_space<vmem_shared>>) target(%dma_start3A_72 : memref<520x128xf32, #tpu.memory_space<hbm>>) target_semaphore(%run_scoped3A_68 : memref<!tpu.dma_semaphore, #tpu.memory_space<semaphore_mem>>)
        %dma_wait3A_76 = arith.constant 9480 : i32
        %dma_wait3A_77 = arith.constant 0 : i32
        %dma_wait3A_78 = tpu.memref_slice %arg8[%arg0, %dma_wait3A_76, %dma_wait3A_77] : memref<2x10000x128xf32, #tpu.memory_space<hbm>> -> memref<1x520x128xf32, #tpu.memory_space<hbm>>
        %dma_wait3A_79 = tpu.memref_squeeze %dma_wait3A_78 : memref<1x520x128xf32, #tpu.memory_space<hbm>> -> memref<520x128xf32, #tpu.memory_space<hbm>>
        %dma_wait3A_80 = arith.constant 9480 : i32
        %dma_wait3A_81 = arith.constant 0 : i32
        %dma_wait3A_82 = tpu.memref_slice %arg16[%dma_wait3A_80, %dma_wait3A_81] : memref<10000x128xf32, #tpu.memory_space<vmem_shared>> -> memref<520x128xf32, #tpu.memory_space<vmem_shared>>
        tpu.wait_dma2 semaphore(%run_scoped3A_68 : memref<!tpu.dma_semaphore, #tpu.memory_space<semaphore_mem>>) src(%dma_wait3A_82 : memref<520x128xf32, #tpu.memory_space<vmem_shared>>) dst(%dma_wait3A_79 : memref<520x128xf32, #tpu.memory_space<hbm>>)
        tpu.yield
      }) : () -> ()
    } else {
    }
    return
  }
}

module attributes {stable_mosaic.version = 14 : i64} {
  func.func @_mm1_body(%arg0: i32, %arg1: memref<400x2xf32, #tpu.memory_space<vmem>>, %arg2: memref<400x256xf32, #tpu.memory_space<vmem>>, %arg3: memref<256x256xf32, #tpu.memory_space<vmem>>, %arg4: memref<2x400x128xf32, #tpu.memory_space<vmem>>, %arg5: memref<400x1xf32, #tpu.memory_space<vmem>>) attributes {dimension_semantics = [#tpu.dimension_semantics<arbitrary>], iteration_bounds = array<i64: 25>, scalar_prefetch = 0 : i64, scratch_operands = 0 : i64, tpu.core_type = #tpu.core_type<tc>, window_params = [{transform_indices = @transform_0, window_bounds = array<i64: 400, 2>}, {transform_indices = @transform_1, window_bounds = array<i64: 400, 256>}, {pipeline_mode = #tpu.pipeline_mode<synchronous>, transform_indices = @transform_2, window_bounds = array<i64: 256, 256>}, {transform_indices = @transform_3, window_bounds = array<i64: 2, 400, 128>}, {transform_indices = @transform_4, window_bounds = array<i64: 400, 1>}]} {
    %get3A = arith.constant 0 : index
    %get3A_0 = arith.constant 0 : index
    %get3A_1 = vector.load %arg1[%get3A, %get3A_0] : memref<400x2xf32, #tpu.memory_space<vmem>>, vector<400x1xf32>
    %get3A_2 = arith.constant 0 : index
    %get3A_3 = arith.constant 1 : index
    %get3A_4 = vector.load %arg1[%get3A_2, %get3A_3] : memref<400x2xf32, #tpu.memory_space<vmem>>, vector<400x1xf32>
    %add3A = arith.addf %get3A_1, %get3A_4 : vector<400x1xf32>
    %add3A_5 = arith.constant 1.000000e+00 : f32
    %add3A_6 = vector.broadcast %add3A_5 : f32 to vector<400x1xf32>
    %add3A_7 = arith.addf %add3A, %add3A_6 : vector<400x1xf32>
    %rsqrt3A = math.rsqrt %add3A_7 : vector<400x1xf32>
    %get3A_8 = arith.constant 0 : index
    %get3A_9 = arith.constant 0 : index
    %get3A_10 = vector.load %arg2[%get3A_8, %get3A_9] : memref<400x256xf32, #tpu.memory_space<vmem>>, vector<400x256xf32>
    %get3A_11 = arith.constant 0 : index
    %get3A_12 = arith.constant 0 : index
    %get3A_13 = vector.load %arg3[%get3A_11, %get3A_12] : memref<256x256xf32, #tpu.memory_space<vmem>>, vector<256x256xf32>
    %dot_general3A = arith.constant dense<0.000000e+00> : vector<400x256xf32>
    %dot_general3A_14 = tpu.matmul %get3A_10, %get3A_13, %dot_general3A {dimension_numbers = #tpu.dot_dimension_numbers<[1], [0], [0], [1], [0, 0, 1, 1], [], []>, transpose_lhs_hint = false} : vector<400x256xf32>, vector<256x256xf32>, vector<400x256xf32> -> vector<400x256xf32>
    %mul3A = vector.broadcast %rsqrt3A : vector<400x1xf32> to vector<400x256xf32>
    %mul3A_15 = arith.mulf %dot_general3A_14, %mul3A : vector<400x256xf32>
    %slice3A = vector.extract_strided_slice %mul3A_15 {offsets = [0, 0], sizes = [400, 128], strides = [1, 1]} : vector<400x256xf32> to vector<400x128xf32>
    %swap3A = arith.constant 0 : index
    %swap3A_16 = arith.constant 0 : index
    %swap3A_17 = arith.constant 0 : index
    %swap3A_18 = vector.load %arg4[%swap3A, %swap3A_16, %swap3A_17] : memref<2x400x128xf32, #tpu.memory_space<vmem>>, vector<1x400x128xf32>
    %swap3A_19 = vector.shape_cast %swap3A_18 : vector<1x400x128xf32> to vector<400x128xf32>
    %swap3A_20 = vector.shape_cast %slice3A : vector<400x128xf32> to vector<1x400x128xf32>
    tpu.vector_store %arg4[%swap3A, %swap3A_16, %swap3A_17], %swap3A_20 {strides = array<i32>} : memref<2x400x128xf32, #tpu.memory_space<vmem>>, vector<1x400x128xf32>,
    %slice3A_21 = vector.extract_strided_slice %mul3A_15 {offsets = [0, 128], sizes = [400, 128], strides = [1, 1]} : vector<400x256xf32> to vector<400x128xf32>
    %swap3A_22 = arith.constant 1 : index
    %swap3A_23 = arith.constant 0 : index
    %swap3A_24 = arith.constant 0 : index
    %swap3A_25 = vector.load %arg4[%swap3A_22, %swap3A_23, %swap3A_24] : memref<2x400x128xf32, #tpu.memory_space<vmem>>, vector<1x400x128xf32>
    %swap3A_26 = vector.shape_cast %swap3A_25 : vector<1x400x128xf32> to vector<400x128xf32>
    %swap3A_27 = vector.shape_cast %slice3A_21 : vector<400x128xf32> to vector<1x400x128xf32>
    tpu.vector_store %arg4[%swap3A_22, %swap3A_23, %swap3A_24], %swap3A_27 {strides = array<i32>} : memref<2x400x128xf32, #tpu.memory_space<vmem>>, vector<1x400x128xf32>,
    %swap3A_28 = arith.constant 0 : index
    %swap3A_29 = arith.constant 0 : index
    %swap3A_30 = vector.load %arg5[%swap3A_28, %swap3A_29] : memref<400x1xf32, #tpu.memory_space<vmem>>, vector<400x1xf32>
    tpu.vector_store %arg5[%swap3A_28, %swap3A_29], %rsqrt3A {strides = array<i32>} : memref<400x1xf32, #tpu.memory_space<vmem>>, vector<400x1xf32>,
    return
  }
  func.func @transform_0(%arg0: i32) -> (i32, i32) {
    %c0_i32 = arith.constant 0 : i32
    %c0_i32_0 = arith.constant 0 : i32
    return %arg0, %c0_i32 : i32, i32
  }
  func.func @transform_1(%arg0: i32) -> (i32, i32) {
    %c0_i32 = arith.constant 0 : i32
    %c0_i32_0 = arith.constant 0 : i32
    return %arg0, %c0_i32 : i32, i32
  }
  func.func @transform_2(%arg0: i32) -> (i32, i32) {
    %c0_i32 = arith.constant 0 : i32
    %c0_i32_0 = arith.constant 0 : i32
    %c0_i32_1 = arith.constant 0 : i32
    return %c0_i32, %c0_i32_0 : i32, i32
  }
  func.func @transform_3(%arg0: i32) -> (i32, i32, i32) {
    %c0_i32 = arith.constant 0 : i32
    %c0_i32_0 = arith.constant 0 : i32
    %c0_i32_1 = arith.constant 0 : i32
    return %c0_i32, %arg0, %c0_i32_0 : i32, i32, i32
  }
  func.func @transform_4(%arg0: i32) -> (i32, i32) {
    %c0_i32 = arith.constant 0 : i32
    %c0_i32_0 = arith.constant 0 : i32
    return %arg0, %c0_i32 : i32, i32
  }
}

module attributes {stable_mosaic.version = 14 : i64} {
  func.func @_mm2_body(%arg0: i32, %arg1: memref<2x400x128xf32, #tpu.memory_space<vmem>>, %arg2: memref<2x400x128xf32, #tpu.memory_space<vmem>>, %arg3: memref<2x400x128xf32, #tpu.memory_space<vmem>>, %arg4: memref<400x1xf32, #tpu.memory_space<vmem>>, %arg5: memref<256x128xf32, #tpu.memory_space<vmem>>, %arg6: memref<2x400x128xf32, #tpu.memory_space<vmem>>) attributes {dimension_semantics = [#tpu.dimension_semantics<arbitrary>], iteration_bounds = array<i64: 25>, scalar_prefetch = 0 : i64, scratch_operands = 0 : i64, tpu.core_type = #tpu.core_type<tc>, window_params = [{transform_indices = @transform_0, window_bounds = array<i64: 2, 400, 128>}, {transform_indices = @transform_1, window_bounds = array<i64: 2, 400, 128>}, {transform_indices = @transform_2, window_bounds = array<i64: 2, 400, 128>}, {transform_indices = @transform_3, window_bounds = array<i64: 400, 1>}, {pipeline_mode = #tpu.pipeline_mode<synchronous>, transform_indices = @transform_4, window_bounds = array<i64: 256, 128>}, {transform_indices = @transform_5, window_bounds = array<i64: 2, 400, 128>}]} {
    %get3A = arith.constant 0 : index
    %get3A_0 = arith.constant 0 : index
    %get3A_1 = vector.load %arg4[%get3A, %get3A_0] : memref<400x1xf32, #tpu.memory_space<vmem>>, vector<400x1xf32>
    %get3A_2 = arith.constant 0 : index
    %get3A_3 = arith.constant 0 : index
    %get3A_4 = arith.constant 0 : index
    %get3A_5 = vector.load %arg1[%get3A_2, %get3A_3, %get3A_4] : memref<2x400x128xf32, #tpu.memory_space<vmem>>, vector<1x400x128xf32>
    %get3A_6 = vector.shape_cast %get3A_5 : vector<1x400x128xf32> to vector<400x128xf32>
    %get3A_7 = arith.constant 1 : index
    %get3A_8 = arith.constant 0 : index
    %get3A_9 = arith.constant 0 : index
    %get3A_10 = vector.load %arg1[%get3A_7, %get3A_8, %get3A_9] : memref<2x400x128xf32, #tpu.memory_space<vmem>>, vector<1x400x128xf32>
    %get3A_11 = vector.shape_cast %get3A_10 : vector<1x400x128xf32> to vector<400x128xf32>
    %add3A = arith.addf %get3A_6, %get3A_11 : vector<400x128xf32>
    %get3A_12 = arith.constant 0 : index
    %get3A_13 = arith.constant 0 : index
    %get3A_14 = arith.constant 0 : index
    %get3A_15 = vector.load %arg3[%get3A_12, %get3A_13, %get3A_14] : memref<2x400x128xf32, #tpu.memory_space<vmem>>, vector<1x400x128xf32>
    %get3A_16 = vector.shape_cast %get3A_15 : vector<1x400x128xf32> to vector<400x128xf32>
    %add3A_17 = arith.addf %add3A, %get3A_16 : vector<400x128xf32>
    %mul3A = vector.broadcast %get3A_1 : vector<400x1xf32> to vector<400x128xf32>
    %mul3A_18 = arith.mulf %add3A_17, %mul3A : vector<400x128xf32>
    %get3A_19 = arith.constant 0 : index
    %get3A_20 = arith.constant 0 : index
    %get3A_21 = arith.constant 0 : index
    %get3A_22 = vector.load %arg2[%get3A_19, %get3A_20, %get3A_21] : memref<2x400x128xf32, #tpu.memory_space<vmem>>, vector<1x400x128xf32>
    %get3A_23 = vector.shape_cast %get3A_22 : vector<1x400x128xf32> to vector<400x128xf32>
    %get3A_24 = arith.constant 1 : index
    %get3A_25 = arith.constant 0 : index
    %get3A_26 = arith.constant 0 : index
    %get3A_27 = vector.load %arg2[%get3A_24, %get3A_25, %get3A_26] : memref<2x400x128xf32, #tpu.memory_space<vmem>>, vector<1x400x128xf32>
    %get3A_28 = vector.shape_cast %get3A_27 : vector<1x400x128xf32> to vector<400x128xf32>
    %add3A_29 = arith.addf %get3A_23, %get3A_28 : vector<400x128xf32>
    %get3A_30 = arith.constant 1 : index
    %get3A_31 = arith.constant 0 : index
    %get3A_32 = arith.constant 0 : index
    %get3A_33 = vector.load %arg3[%get3A_30, %get3A_31, %get3A_32] : memref<2x400x128xf32, #tpu.memory_space<vmem>>, vector<1x400x128xf32>
    %get3A_34 = vector.shape_cast %get3A_33 : vector<1x400x128xf32> to vector<400x128xf32>
    %add3A_35 = arith.addf %add3A_29, %get3A_34 : vector<400x128xf32>
    %mul3A_36 = vector.broadcast %get3A_1 : vector<400x1xf32> to vector<400x128xf32>
    %mul3A_37 = arith.mulf %add3A_35, %mul3A_36 : vector<400x128xf32>
    %concatenate3A = tpu.concatenate %mul3A_18, %mul3A_37 in 1 : vector<400x128xf32>, vector<400x128xf32> -> vector<400x256xf32>
    %max3A = arith.constant 0.000000e+00 : f32
    %max3A_38 = vector.broadcast %max3A : f32 to vector<400x256xf32>
    %max3A_39 = arith.maximumf %concatenate3A, %max3A_38 : vector<400x256xf32>
    %get3A_40 = arith.constant 0 : index
    %get3A_41 = arith.constant 0 : index
    %get3A_42 = vector.load %arg5[%get3A_40, %get3A_41] : memref<256x128xf32, #tpu.memory_space<vmem>>, vector<256x128xf32>
    %dot_general3A = arith.constant dense<0.000000e+00> : vector<400x128xf32>
    %dot_general3A_43 = tpu.matmul %max3A_39, %get3A_42, %dot_general3A {dimension_numbers = #tpu.dot_dimension_numbers<[1], [0], [0], [1], [0, 0, 1, 1], [], []>, transpose_lhs_hint = false} : vector<400x256xf32>, vector<256x128xf32>, vector<400x128xf32> -> vector<400x128xf32>
    %mul3A_44 = vector.broadcast %get3A_1 : vector<400x1xf32> to vector<400x128xf32>
    %mul3A_45 = arith.mulf %dot_general3A_43, %mul3A_44 : vector<400x128xf32>
    %swap3A = arith.constant 0 : index
    %swap3A_46 = arith.constant 0 : index
    %swap3A_47 = arith.constant 0 : index
    %swap3A_48 = vector.load %arg6[%swap3A, %swap3A_46, %swap3A_47] : memref<2x400x128xf32, #tpu.memory_space<vmem>>, vector<1x400x128xf32>
    %swap3A_49 = vector.shape_cast %swap3A_48 : vector<1x400x128xf32> to vector<400x128xf32>
    %swap3A_50 = vector.shape_cast %mul3A_45 : vector<400x128xf32> to vector<1x400x128xf32>
    tpu.vector_store %arg6[%swap3A, %swap3A_46, %swap3A_47], %swap3A_50 {strides = array<i32>} : memref<2x400x128xf32, #tpu.memory_space<vmem>>, vector<1x400x128xf32>,
    %swap3A_51 = arith.constant 1 : index
    %swap3A_52 = arith.constant 0 : index
    %swap3A_53 = arith.constant 0 : index
    %swap3A_54 = vector.load %arg6[%swap3A_51, %swap3A_52, %swap3A_53] : memref<2x400x128xf32, #tpu.memory_space<vmem>>, vector<1x400x128xf32>
    %swap3A_55 = vector.shape_cast %swap3A_54 : vector<1x400x128xf32> to vector<400x128xf32>
    %swap3A_56 = vector.shape_cast %mul3A_45 : vector<400x128xf32> to vector<1x400x128xf32>
    tpu.vector_store %arg6[%swap3A_51, %swap3A_52, %swap3A_53], %swap3A_56 {strides = array<i32>} : memref<2x400x128xf32, #tpu.memory_space<vmem>>, vector<1x400x128xf32>,
    return
  }
  func.func @transform_0(%arg0: i32) -> (i32, i32, i32) {
    %c0_i32 = arith.constant 0 : i32
    %c0_i32_0 = arith.constant 0 : i32
    %c0_i32_1 = arith.constant 0 : i32
    return %c0_i32, %arg0, %c0_i32_0 : i32, i32, i32
  }
  func.func @transform_1(%arg0: i32) -> (i32, i32, i32) {
    %c0_i32 = arith.constant 0 : i32
    %c0_i32_0 = arith.constant 0 : i32
    %c0_i32_1 = arith.constant 0 : i32
    return %c0_i32, %arg0, %c0_i32_0 : i32, i32, i32
  }
  func.func @transform_2(%arg0: i32) -> (i32, i32, i32) {
    %c0_i32 = arith.constant 0 : i32
    %c0_i32_0 = arith.constant 0 : i32
    %c0_i32_1 = arith.constant 0 : i32
    return %c0_i32, %arg0, %c0_i32_0 : i32, i32, i32
  }
  func.func @transform_3(%arg0: i32) -> (i32, i32) {
    %c0_i32 = arith.constant 0 : i32
    %c0_i32_0 = arith.constant 0 : i32
    return %arg0, %c0_i32 : i32, i32
  }
  func.func @transform_4(%arg0: i32) -> (i32, i32) {
    %c0_i32 = arith.constant 0 : i32
    %c0_i32_0 = arith.constant 0 : i32
    %c0_i32_1 = arith.constant 0 : i32
    return %c0_i32, %c0_i32_0 : i32, i32
  }
  func.func @transform_5(%arg0: i32) -> (i32, i32, i32) {
    %c0_i32 = arith.constant 0 : i32
    %c0_i32_0 = arith.constant 0 : i32
    %c0_i32_1 = arith.constant 0 : i32
    return %c0_i32, %arg0, %c0_i32_0 : i32, i32, i32
  }
}

module attributes {stable_mosaic.version = 14 : i64} {
  func.func @_fin_body(%arg0: i32, %arg1: memref<2x400x128xf32, #tpu.memory_space<vmem>>, %arg2: memref<1x400x128xf32, #tpu.memory_space<vmem>>, %arg3: memref<400x1xf32, #tpu.memory_space<vmem>>, %arg4: memref<400x128xf32, #tpu.memory_space<vmem>>) attributes {dimension_semantics = [#tpu.dimension_semantics<arbitrary>], iteration_bounds = array<i64: 25>, scalar_prefetch = 0 : i64, scratch_operands = 0 : i64, tpu.core_type = #tpu.core_type<tc>, window_params = [{transform_indices = @transform_0, window_bounds = array<i64: 2, 400, 128>}, {transform_indices = @transform_1, window_bounds = array<i64: 1, 400, 128>}, {transform_indices = @transform_2, window_bounds = array<i64: 400, 1>}, {transform_indices = @transform_3, window_bounds = array<i64: 400, 128>}]} {
    %get3A = arith.constant 0 : index
    %get3A_0 = arith.constant 0 : index
    %get3A_1 = vector.load %arg3[%get3A, %get3A_0] : memref<400x1xf32, #tpu.memory_space<vmem>>, vector<400x1xf32>
    %get3A_2 = arith.constant 0 : index
    %get3A_3 = arith.constant 0 : index
    %get3A_4 = arith.constant 0 : index
    %get3A_5 = vector.load %arg1[%get3A_2, %get3A_3, %get3A_4] : memref<2x400x128xf32, #tpu.memory_space<vmem>>, vector<1x400x128xf32>
    %get3A_6 = vector.shape_cast %get3A_5 : vector<1x400x128xf32> to vector<400x128xf32>
    %get3A_7 = arith.constant 1 : index
    %get3A_8 = arith.constant 0 : index
    %get3A_9 = arith.constant 0 : index
    %get3A_10 = vector.load %arg1[%get3A_7, %get3A_8, %get3A_9] : memref<2x400x128xf32, #tpu.memory_space<vmem>>, vector<1x400x128xf32>
    %get3A_11 = vector.shape_cast %get3A_10 : vector<1x400x128xf32> to vector<400x128xf32>
    %add3A = arith.addf %get3A_6, %get3A_11 : vector<400x128xf32>
    %get3A_12 = arith.constant 0 : index
    %get3A_13 = arith.constant 0 : index
    %get3A_14 = arith.constant 0 : index
    %get3A_15 = vector.load %arg2[%get3A_12, %get3A_13, %get3A_14] : memref<1x400x128xf32, #tpu.memory_space<vmem>>, vector<1x400x128xf32>
    %get3A_16 = vector.shape_cast %get3A_15 : vector<1x400x128xf32> to vector<400x128xf32>
    %add3A_17 = arith.addf %add3A, %get3A_16 : vector<400x128xf32>
    %mul3A = vector.broadcast %get3A_1 : vector<400x1xf32> to vector<400x128xf32>
    %mul3A_18 = arith.mulf %add3A_17, %mul3A : vector<400x128xf32>
    %swap3A = arith.constant 0 : index
    %swap3A_19 = arith.constant 0 : index
    %swap3A_20 = vector.load %arg4[%swap3A, %swap3A_19] : memref<400x128xf32, #tpu.memory_space<vmem>>, vector<400x128xf32>
    tpu.vector_store %arg4[%swap3A, %swap3A_19], %mul3A_18 {strides = array<i32>} : memref<400x128xf32, #tpu.memory_space<vmem>>, vector<400x128xf32>,
    return
  }
  func.func @transform_0(%arg0: i32) -> (i32, i32, i32) {
    %c0_i32 = arith.constant 0 : i32
    %c0_i32_0 = arith.constant 0 : i32
    %c0_i32_1 = arith.constant 0 : i32
    return %c0_i32, %arg0, %c0_i32_0 : i32, i32, i32
  }
  func.func @transform_1(%arg0: i32) -> (i32, i32, i32) {
    %c0_i32 = arith.constant 0 : i32
    %c0_i32_0 = arith.constant 0 : i32
    %c0_i32_1 = arith.constant 0 : i32
    return %c0_i32, %arg0, %c0_i32_0 : i32, i32, i32
  }
  func.func @transform_2(%arg0: i32) -> (i32, i32) {
    %c0_i32 = arith.constant 0 : i32
    %c0_i32_0 = arith.constant 0 : i32
    return %arg0, %c0_i32 : i32, i32
  }
  func.func @transform_3(%arg0: i32) -> (i32, i32) {
    %c0_i32 = arith.constant 0 : i32
    %c0_i32_0 = arith.constant 0 : i32
    return %arg0, %c0_i32 : i32, i32
  }
}

</mosaic_0001>

<sc_bundles>
// kernel: kernel.12.cloned.1.call-start
scs
__scs_entry_jumppad:
0x0: {  	(pc) =	sbr.rel $0x88, $3  }
0x1: {  	(tag) =	ssettag $0x0;
	lr =	simm.s32 $0x1  }
0x2: {  	[smem:$0x3F9D] =	sst lr;
	_ =	strace $0xD0000000  }
0x3: {  	_ = 	snop  }
0x4: {  	_ = 	snop  }
0x5: {  	_ = 	snop  }
0x6: {  	_ = 	snop  }
0x7: {  	_ = 	snop  }
__scs_overlays_trampoline_lowered:
0x8: {  	[smem:$0x3FAC] =	sst s0  }
0x9: {  	[smem:$0x3FAD] =	sst s1  }
0xa: {  	[smem:$0x3FAE] =	sst s2  }
0xb: {  	[smem:$0x3FAF] =	sst s3  }
0xc: {  	[smem:$0x3FB0] =	sst s4  }
0xd: {  	[smem:$0x3FB1] =	sst s5  }
0xe: {  	[smem:$0x3FB2] =	sst s6  }
0xf: {  	[smem:$0x3FB3] =	sst s7  }
0x10: {  	[smem:$0x3FB4] =	sst s8  }
0x11: {  	[smem:$0x3FB5] =	sst s9;
	s0 =	simm.s32 @!p0 $0x0  }
0x12: {  	s1 =	sld [smem:$0x3F9B];
	s0 =	simm.s32 @p0 $0x1  }
0x13: {  	[smem:$0x3FB6] =	sst s0;
	s0 =	simm.s32 @!p1 $0x0  }
0x14: {  	s2 =	sld [smem:$0x3F9A];
	s0 =	simm.s32 @p1 $0x1  }
0x15: {  	[smem:$0x3FB7] =	sst s0;
	s0 =	simm.s32 @!p2 $0x0  }
0x16: {  	s3 =	sld [smem:$0x3FDB];
	s0 =	simm.s32 @p2 $0x1  }
0x17: {  	s4 =	simm.s32 $0x1BF5;
	[smem:$0x3FB9] =	sst s0  }
0x18: {  	s0 =	sld [smem:$0x3F9C];
	_ =	swait.ge [sflag:s4], $0x0  }
0x19: {  	s7 =	sld [smem:$0x3F9D]  }
0x1a: {  	s8 =	sadd.s32 $0xFFFFE003, lr  }
0x1b: {  	s9 =	sadd.s32 $0xFFFFFEF7, lr;
	s5 =	simm.s32 $0xFFFFFFFF;
	p2 =	slt.u32 s8, $0xFFFFF086  }
0x1c: {  	p1 =	slt.u32 s9, $0xF7A;
	s5 =	simm.s32 @!p2 $0x0  }
0x1d: {  	s5 =	simm.s32 @p1 $0x1;
	p0 =	seq.s32 s7, s2  }
0x1e: {  	s7 =	smul.u32 @!p0 $0xF7A, s2;
	p2 =	seq.s32 @!p0 s5, $0x0  }
0x1f: {  	s9 =	smul.u32 $0xF7A, s1;
	s8 =	simm.s32 @!p0 $0x1BF5;
	p2 =	por !p2, p0  }
0x20: {  	[sflag:s8] =	ssyncset.s32 @!p0 $0xFFFFF086;
	s6 =	sadd.s32 @!p0 s3, s7;
	s7 =	simm.s32 @!p0 $0x108  }
0x21: {  	s3 =	sadd.s32 s3, s9;
	s6 =	sadd.s32 @!p0 $0x88, s6;
	s7 =	simm.s32 @p2 $0x1082  }
0x22: {  	[simem:s7], [sflag:s8] =	dma.local @!p0 [hbm:s6], $0xF7A  }
0x23: {  	s9 =	sor.u32 $0xD0000000, s2;
	s6 =	simm.s32 $0x108;
	_ =	swait.ge @!p0 [sflag:s8], $0x0  }
0x24: {  	s3 =	sadd.s32 $0x88, s3;
	s6 =	simm.s32 @!p1 $0x1082;
	[sflag:s4] =	ssyncset.s32 $0xFFFFF086  }
0x25: {  	[simem:s6], [sflag:s4] =	dma.local [hbm:s3], $0xF7A  }
0x26: {  	[smem:$0x3F9D] =	sst s1;
	(tag) =	ssettag s2;
	_ =	strace s9  }
0x27: {  	s1 =	sld [smem:$0x3FAD]  }
0x28: {  	s2 =	sld [smem:$0x3FAE]  }
0x29: {  	s4 =	sld [smem:$0x3FB0]  }
0x2a: {  	p0 =	seq.s32 s5, $0x0;
	s5 =	sld [smem:$0x3FB1]  }
0x2b: {  	s6 =	sld [smem:$0x3FB2]  }
0x2c: {  	s7 =	sld [smem:$0x3FB3]  }
0x2d: {  	s3 =	simm.s32 $0x108;
	s8 =	sld [smem:$0x3FB4]  }
0x2e: {  	s3 =	simm.s32 @!p0 $0x1082;
	s9 =	sld [smem:$0x3FB5]  }
0x2f: {  	lr =	sadd.s32 s0, s3;
	s0 =	sld [smem:$0x3FAC]  }
0x30: {  	s3 =	sld [smem:$0x3FAF]  }
0x31: {  	[smem:$0x3FB8] =	sst s10  }
0x32: {  	s10 =	sld [smem:$0x3FB6];
	_ =	sdelay $0x3  }
0x33: {  	p0 =	seq.s32 s10, $0x1;
	s10 =	sld [smem:$0x3FB8];
	_ =	sdelay $0x3  }
0x34: {  	[smem:$0x3FB8] =	sst s10  }
0x35: {  	s10 =	sld [smem:$0x3FB7];
	_ =	sdelay $0x3  }
0x36: {  	p1 =	seq.s32 s10, $0x1;
	s10 =	sld [smem:$0x3FB8];
	_ =	sdelay $0x3  }
0x37: {  	[smem:$0x3FB8] =	sst s10  }
0x38: {  	s10 =	sld [smem:$0x3FB9]  }
0x39: {  	_ = 	snop;
	(pc) =	sbr.ind lr, $3  }
0x3a: {  	_ = 	snop  }
0x3b: {  	_ = 	snop  }
0x3c: {  	p2 =	seq.s32 s10, $0x1;
	s10 =	sld [smem:$0x3FB8]  }
0x3d: {  	_ =	shalt  }
0x3e: {  	_ =	shalt  }
0x3f: {  	_ =	shalt  }
0x40: {  	_ =	shalt  }
0x41: {  	_ =	shalt  }
0x42: {  	_ =	shalt  }
0x43: {  	_ =	shalt  }
0x44: {  	_ =	shalt  }
0x45: {  	_ =	shalt  }
0x46: {  	_ =	shalt  }
0x47: {  	_ =	shalt  }
0x48: {  	_ =	shalt  }
0x49: {  	_ =	shalt  }
0x4a: {  	_ =	shalt  }
0x4b: {  	_ =	shalt  }
0x4c: {  	_ =	shalt  }
0x4d: {  	_ =	shalt  }
0x4e: {  	_ =	shalt  }
0x4f: {  	_ =	shalt  }
0x50: {  	_ =	shalt  }
0x51: {  	_ =	shalt  }
0x52: {  	_ =	shalt  }
0x53: {  	_ =	shalt  }
0x54: {  	_ =	shalt  }
0x55: {  	_ =	shalt  }
0x56: {  	_ =	shalt  }
0x57: {  	_ =	shalt  }
0x58: {  	_ =	shalt  }
0x59: {  	_ =	shalt  }
0x5a: {  	_ =	shalt  }
0x5b: {  	_ =	shalt  }
0x5c: {  	_ =	shalt  }
0x5d: {  	_ =	shalt  }
0x5e: {  	_ =	shalt  }
0x5f: {  	_ =	shalt  }
0x60: {  	_ =	shalt  }
0x61: {  	_ =	shalt  }
0x62: {  	_ =	shalt  }
0x63: {  	_ =	shalt  }
0x64: {  	_ =	shalt  }
0x65: {  	_ =	shalt  }
0x66: {  	_ =	shalt  }
0x67: {  	_ =	shalt  }
0x68: {  	_ =	shalt  }
0x69: {  	_ =	shalt  }
0x6a: {  	_ =	shalt  }
0x6b: {  	_ =	shalt  }
0x6c: {  	_ =	shalt  }
0x6d: {  	_ =	shalt  }
0x6e: {  	_ =	shalt  }
0x6f: {  	_ =	shalt  }
0x70: {  	_ =	shalt  }
0x71: {  	_ =	shalt  }
0x72: {  	_ =	shalt  }
0x73: {  	_ =	shalt  }
0x74: {  	_ =	shalt  }
0x75: {  	_ =	shalt  }
0x76: {  	_ =	shalt  }
0x77: {  	_ =	shalt  }
0x78: {  	_ =	shalt  }
0x79: {  	_ =	shalt  }
0x7a: {  	_ =	shalt  }
0x7b: {  	_ =	shalt  }
0x7c: {  	_ =	shalt  }
0x7d: {  	_ =	shalt  }
0x7e: {  	_ =	shalt  }
0x7f: {  	_ =	shalt  }
0x80: {  	_ =	shalt  }
0x81: {  	_ =	shalt  }
0x82: {  	_ =	shalt  }
0x83: {  	_ =	shalt  }
0x84: {  	_ =	shalt  }
0x85: {  	_ =	shalt  }
0x86: {  	_ =	shalt  }
0x87: {  	_ =	shalt  }
.Lfunc_end0:
.L_simem_size_0:
called_computation.1_lowered:
.L_overlay_start_0:
0x88: {  	s2 =	sld [smem:$0x3FD9]  }
0x89: {  	s3 =	sld [smem:$0x3FFE];
	_ =	sdelay $0x1  }
0x8a: {  	s1 =	srdreg.scid  }
0x8b: {  	s0 =	sand.u32 $0x1, s1  }
0x8c: {  	s17 =	sshll.u32 s0, $0xA;
	s2 =	sadd.s32 s3, s2  }
0x8d: {  	s2 =	sadd.s32 s2, s17  }
0x8e: {  	[smem:$0x3FC4] =	sst s2  }
0x8f: {  	_ = 	snop  }
0x90: {  	s18 =	sld [smem:$0x3FD0];
	(tm) =	ssettm $0x1  }
0x91: {  	s19 =	sld [smem:$0x3FFB];
	_ =	sdelay $0x3  }
0x92: {  	_ =	strace s19  }
0x93: {  	s2 =	sld [smem:$0x3FFC];
	_ =	sdelay $0x3  }
0x94: {  	_ =	strace s2  }
0x95: {  	s2 =	sld [smem:$0x3FFD];
	_ =	sdelay $0x3  }
0x96: {  	_ =	strace s2  }
0x97: {  	_ =	strace $0x8FFFFFFF  }
0x98: {  	s20 =	sld [smem:$0x3FDB];
	_ =	sdelay $0x1  }
0x99: {  	s4 =	simm.s32 $_scs_section_size  }
0x9a: {  	s5 =	simm.s32 $_size__tile_overlayer_lowered;
	s6 =	simm.s32 $_tile_overlayer_lowered  }
0x9b: {  	s7 =	simm.s32 $0x1BFF;
	s21 =	sshll.u32 s6, $0x1;
	s4 =	sadd.s32 s4, s20  }
0x9c: {  	s22 =	simm.s32 $0x0;
	s5 =	sshll.u32 s5, $0x1;
	s6 =	sadd.s32 s21, s4  }
0x9d: {  	[timem:s22], [sflag:s7] =	dma.local [hbm:s6], s5  }
0x9e: {  	_ =	swait.ge [sflag:s7], s5  }
0x9f: {  	s5 =	ssub.s32 $0x0, s5;
	[sflag:s7] =	ssyncset.done $0x0  }
0xa0: {  	[sflag:s7] =	ssyncadd.s32 s5;
	_ =	sdelay $0x1  }
0xa1: {  	s23 =	simm.s32 $0x1B8B  }
0xa2: {  	_ =	swait.ge [sflag:s23], $0x1  }
0xa3: {  	[sflag:s23] =	ssyncset.done $0x0  }
0xa4: {  	[sflag:s23] =	ssyncadd.s32 $0xFFFFFFFF  }
0xa5: {  	s5 =	sld [smem:$0x0]  }
0xa6: {  	s6 =	sand.u32 $0xFFFFFFFE, s1  }
0xa7: {  	p0 =	sne.s32 s1, s6  }
0xa8: {  	s6 =	sshll.u32 @p0 s6, $0xE  }
0xa9: {  	s6 =	sadd.s32 @p0 $0x11B8D, s6;
	s7 =	sshll.u32 @p0 s5, $0x11  }
0xaa: {  	s6 =	sor.u32 @p0 s7, s6  }
0xab: {  	[sflag:s6] =	ssyncadd.remote.s32 @p0 $0x1;
	_ =	sdelay $0x1  }
0xac: {  	s6 =	simm.s32 @p0 $0x1B8D  }
0xad: {  	_ =	swait.eq @p0 [sflag:s6], $0x1  }
0xae: {  	[sflag:s6] =	ssyncadd.s32 @p0 $0xFFFFFFFF  }
0xaf: {  	s7 =	sshll.u32 @!p0 s1, $0xE  }
0xb0: {  	s7 =	sor.u32 @!p0 $0x4000, s7;
	s6 =	simm.s32 @!p0 $0x1B8D  }
0xb1: {  	s5 =	sshll.u32 @!p0 s5, $0x11;
	s7 =	sadd.s32 @!p0 $0x11B8D, s7;
	_ =	swait.eq @!p0 [sflag:s6], $0x1  }
0xb2: {  	s5 =	sor.u32 @!p0 s5, s7;
	[sflag:s6] =	ssyncadd.s32 @!p0 $0xFFFFFFFF  }
0xb3: {  	s25 =	simm.s32 $0x1B8E;
	s24 =	sld [smem:$0x3FFE];
	[sflag:s5] =	ssyncadd.remote.s32 @!p0 $0x1  }
0xb4: {  	s26 =	simm.s32 $execute0_lowered;
	[smem:$0x3FD2] =	sst s25  }
0xb5: {  	s6 =	sshll.u32 s26, $0x1;
	_ =	strace $0x8000004C;
	[dreg:$0x1] =	wrdreg $0xFFFFFFFF  }
0xb6: {  	s28 =	simm.s32 $_size_execute0_lowered;
	s4 =	sadd.s32 s4, s6;
	[dreg:$0x0] =	wrdreg $0x0  }
0xb7: {  	s6 =	sshll.u32 s28, $0x1;
	[dreg:$0x2] =	wrdreg s4  }
0xb8: {  	[dreg:$0x3] =	wrdreg s6  }
0xb9: {  	[dreg:$0x4] =	wrdreg $0xC0  }
0xba: {  	_ =	task [dreg:s22], $0x5FFFF  }
0xbb: {  	[dreg:$0x1] =	wrdreg $0xFFFFFFFF  }
0xbc: {  	[dreg:$0x0] =	wrdreg $0x60  }
0xbd: {  	[dreg:$0x2] =	wrdreg s24  }
0xbe: {  	[dreg:$0x3] =	wrdreg s18  }
0xbf: {  	[dreg:$0x4] =	wrdreg $0xC1000  }
0xc0: {  	[dreg:$0x5] =	wrdreg $0x9  }
0xc1: {  	_ =	task.clear_ibuf [dreg:s22], $0x6FFFF;
	_ =	strace $0x9000004C  }
0xc2: {  	s29 =	simm.s32 $0x9;
	_ =	strace $0x8000004E  }
0xc3: {  	_ =	swait.ge [sflag:s29], $0x1  }
0xc4: {  	[sflag:s29] =	ssyncadd.s32 $0xFFFFFFFF  }
0xc5: {  	_ =	strace $0x9000004E  }
0xc6: {  	_ =	sfence  }
0xc7: {  	s30 =	sld [smem:$0x0];
	_ =	sdelay $0x2  }
0xc8: {  	s31 =	sshll.u32 s1, $0xD;
	s1 =	sshrl.u32 s1, $0x2  }
0xc9: {  	s4 =	sand.u32 $0x4000, s31;
	s1 =	sadd.s32 s1, s30  }
0xca: {  	s0 =	sor.u32 s4, s0;
	s1 =	sshll.u32 s1, $0x11  }
0xcb: {  	s0 =	sor.u32 s1, s0  }
0xcc: {  	s0 =	sadd.s32 $0x8F2B, s0  }
0xcd: {  	[sflag:s0] =	ssyncadd.remote.s32 $0x1  }
0xce: {  	_ =	sfence.sel $0xFFFF  }
0xcf: {  	[dreg:$0x0] =	wrdreg $0xFFFFFFFF;
	(pc) =	sbr.abs _section_cstart, $3  }
0xd0: {  	[dreg:$0x1] =	wrdreg $0xFFFFFFFF  }
0xd1: {  	_ =	task.clear_ibuf [dreg:s22], $0x2FFFF;
	_ =	strace $0x9FFFFFFF  }
0xd2: {  	(tm) =	ssettm $0x7FFFFFFF  }
0xd3: {  	_ =	shalt  }
tec
execute0_lowered:
.L_overlay_start_1:
0x0: {  	(tag) =	ssettag $0x1  }
0x1: {  	s0 =	rddreg [dreg:$0x0]  }
0x2: {  	s1 =	rddreg [dreg:$0x1]  }
0x3: {  	s2 =	rddreg [dreg:$0x2]  }
0x4: {  	s3 =	srdreg.scid;
	s16 =	stileid.u32;
	s15 =	simm.s32 $0x4  }
0x5: {  	s17 =	simm.s32 $0x3000;
	s22 =	simm.s32 $0x60;
	s28 =	simm.s32 $0x1  }
0x6: {  	s29 =	simm.s32 $0x2;
	s30 =	simm.s32 $0x3;
	s12 =	smul.u32 $0x1C00, s16  }
0x7: {  	s18 =	simm.s32 $0x2D80;
	s7 =	sand.u32 $0x1, s3;
	s14 =	smul.u32 $0x4F000, s16  }
0x8: {  	s3 =	simm.s32 $0x0;
	s5 =	sshrl.u32 s16, $0x3;
	s26 =	smul.u32 $0x13C00, s16  }
0x9: {  	s6 =	sshll.u32 s16, $0x7;
	p0 =	seq.s32 s16, $0xF;
	s4 =	smul.u32 $0x14000, s7  }
0xa: {  	[smem:$0x7FF] =	sst s3;
	s5 =	smul.u32 $0xA000, s5;
	s8 =	sand.u32 $0x380, s6  }
0xb: {  	s9 =	sshll.u32 s7, $0xB;
	s10 =	smul.u32 $0x1C000, s7;
	s11 =	ssub.s32 $0x2, s7  }
0xc: {  	s24 =	smul.u32 $0x138800, s7;
	_ =	strace $0x8000004D;
	s6 =	sor.u32 s6, s9  }
0xd: {  	s13 =	sshrl.u32 s11, $0x1;
	s31 =	sshrl.u32 s14, $0x2;
	s14 =	sadd.s32 $0x128400, s2  }
0xe: {  	s5 =	sadd.s32 s4, s5;
	s4 =	sadd.s32 $0x7600, s0;
	s6 =	sshrl.u32 s6, $0x3  }
0xf: {  	s13 =	ssub.s32 s11, s13;
	s10 =	sadd.s32 s12, s10;
	s11 =	sshrl.u32 s24, $0x3  }
0x10: {  	s19 =	sshrl.u32 @p0 s14, $0x3;
	s14 =	simm.s32 $0x8;
	s8 =	sor.u32 s8, s5  }
0x11: {  	s5 =	sadd.s32 $0x55800, s0;
	s23 =	sadd.s32 s6, s0;
	s6 =	sadd.s32 $0x1800, s0  }
0x12: {  	s25 =	sshrl.u32 s10, $0x3;
	s10 =	sadd.s32 s26, s24;
	s12 =	smax.u32 s13, $0x1  }
0x13: {  	s24 =	simm.s32 $0x6100;
	s26 =	simm.s32 $0x9100;
	s8 =	sshrl.u32 s8, $0x3  }
0x14: {  	s9 =	sadd.s32 $0x1400, s23;
	s10 =	sshrl.u32 s10, $0x3;
	s8 =	sadd.s32 s8, s0  }
0x15: {  	s23 =	simm.s32 $0x3100;
	s0 =	sadd.s32 $0xA6200, s0;
	s7 =	sadd.s32 $0x2600, s8  }
0x16: {  	s8 =	sadd.s32 s1, s25;
	s1 =	sadd.s32 s31, s2;
	s11 =	sadd.s32 s0, s11  }
0x17: {  	s10 =	sadd.s32 s0, s10;
	s0 =	sshll.u32 @!p0 s16, $0x6;
	s25 =	simm.s32 $0x0  }
0x18: {  	s11 =	sadd.s32 $0x25080, s11;
	s20 =	sor.u32 @!p0 $0x1C04, s0;
	s21 =	sshrl.u32 @!p0 s1, $0x3  }
.LBB2_1:
0x19: {  	s0 =	simm.s32 $0x80;
	s1 =	simm.s32 $0x400  }
0x1a: {  	[tilespmem:s3], [sflag:$0x4] =	stream.strided.gather [hbm4b:s7+s0], $0x1400, s1, s0, $0x38;
	[tilespmem:$0x1F980] =	vst v63  }
0x1b: {  	_ =	swait.ge [sflag:s15], $0x1400  }
0x1c: {  	[sflag:s15] =	ssyncset.done $0x0  }
0x1d: {  	s16 =	simm.s32 $0x1400;
	[sflag:s15] =	ssyncadd.s32 $0xFFFFEC00  }
0x1e: {  	[tilespmem:s16], [sflag:$0x4] =	stream.linear.gather [hbm4b:s8+s3], $0x1A00, $0x38;
	[tilespmem:$0x1F980] =	vst v63  }
0x1f: {  	_ =	swait.ge [sflag:s15], $0x1A00  }
0x20: {  	[sflag:s15] =	ssyncset.done $0x0  }
0x21: {  	[sflag:s15] =	ssyncadd.s32 $0xFFFFE600  }
0x22: {  	[tilespmem:s17], [sflag:$0x4] =	stream.linear.gather [hbm4b:s9+s3], $0x80, $0x38;
	[tilespmem:$0x1F980] =	vst v63  }
0x23: {  	_ =	swait.ge [sflag:s15], $0x80  }
0x24: {  	[sflag:s15] =	ssyncset.done $0x0  }
0x25: {  	s31 =	simm.s32 $0x3080;
	[sflag:s15] =	ssyncadd.s32 $0xFFFFFF80  }
0x26: {  	[tilespmem:s31], [sflag:$0x4] =	stream.linear.gather [hbm4b:s6+s3], $0x80, $0x38;
	[tilespmem:$0x1F980] =	vst v63  }
0x27: {  	_ =	swait.ge [sflag:s15], $0x80  }
0x28: {  	[sflag:s15] =	ssyncset.done $0x0  }
0x29: {  	s0 =	simm.s32 @p0 $0x1FC4;
	[sflag:s15] =	ssyncadd.s32 $0xFFFFFF80  }
0x2a: {  	[spmem:s19], [sflag:s0] =	dma.local @p0 [hbm:s5], $0x2080  }
0x2b: {  	s0 =	simm.s32 @p0 $0x4  }
0x2c: {  	_ =	swait.ge @p0 [sflag:s0], $0x2080  }
0x2d: {  	[sflag:s0] =	ssyncset.done @p0 $0x0  }
0x2e: {  	[sflag:s0] =	ssyncadd.s32 @p0 $0xFFFFDF80;
	s0 =	simm.s32 @!p0 $0x4  }
0x2f: {  	[spmem:s21], [sflag:s20] =	dma.local @!p0 [hbm:s5], $0x2780  }
0x30: {  	_ =	swait.ge @!p0 [sflag:s0], $0x2780  }
0x31: {  	[sflag:s0] =	ssyncset.done @!p0 $0x0  }
0x32: {  	[sflag:s0] =	ssyncadd.s32 @!p0 $0xFFFFD880  }
0x33: {  	s1 =	simm.s32 $0x40;
	s0 =	simm.s32 $0x0;
	v0 =	vld [tilespmem:$0x3080]  }
.LBB2_2:
0x34: {  	p1 =	sne.s32 s1, $0x4E00;
	v1 =	vld [tilespmem:s0+$0x0];
	_ =	sdelay $0x1  }
.Ltmp0:
0x35: {  	(pc) =	sbr.rel @p1 .LBB2_2-.Ltmp0, $3  }
0x36: {  	_ =	sdelay $0x1  }
0x37: {  	v1 =	vadd.s32 v0, v1  }
0x38: {  	[tilespmem:s0+$0x0] =	vst v1;
	s0 =	sshra.s32 s1, $0x2;
	s1 =	sadd.s32 $0x40, s1  }
0x39: {  	v1 =	vld [tilespmem:s0+$0x0];
	_ =	sdelay $0x4  }
0x3a: {  	v0 =	vadd.s32 v0, v1  }
0x3b: {  	[tilespmem:s0+$0x0] =	vst v0  }
0x3c: {  	s16 =	simm.s32 $0x0;
	[bflag:$0x0] =	sbarrier.arrive $0xFFFF  }
0x3d: {  	[tilespmem:s23], [sflag:$0x1] =	stream.indirect.gather [hbm4b:s4+s22], $0x80, s16, s22, $0xb8;
	[tilespmem:$0x1F980] =	vst v63  }
0x3e: {  	_ = 	snop  }
0x3f: {  	[tilespmem:s24], [sflag:$0x2] =	stream.indirect.gather [hbm4b:s4+s22], $0x80, s22, s22, $0xb8;
	[tilespmem:$0x1F980] =	vst v63  }
0x40: {  	s1 =	simm.s32 $0xC0  }
0x41: {  	[tilespmem:s26], [sflag:$0x3] =	stream.indirect.gather [hbm4b:s4+s22], $0x80, s1, s22, $0xb8;
	[tilespmem:$0x1F980] =	vst v63  }
0x42: {  	_ =	swait.ge [sflag:s28], $0x3000  }
0x43: {  	[sflag:s28] =	ssyncset.done $0x0  }
0x44: {  	s13 =	simm.s32 $0x1400;
	[sflag:s28] =	ssyncadd.s32 $0xFFFFD000  }
0x45: {  	[spmem:s2] =	stream.indirect.scatter.add.f32 [tilespmem:s23], [sflag:$0x4], $0x80, s13, s22, $0xb8;
	[tilespmem:$0x1F980] =	vst v63  }
0x46: {  	_ =	swait.ge [sflag:s15], $0x3000  }
0x47: {  	[sflag:s15] =	ssyncset.done $0x0  }
0x48: {  	s16 =	simm.s32 $0x120;
	[sflag:s15] =	ssyncadd.s32 $0xFFFFD000  }
0x49: {  	[tilespmem:s23], [sflag:$0x1] =	stream.indirect.gather [hbm4b:s4+s22], $0x80, s16, s22, $0xb8;
	[tilespmem:$0x1F980] =	vst v63  }
0x4a: {  	_ =	swait.ge [sflag:s29], $0x3000  }
0x4b: {  	[sflag:s29] =	ssyncset.done $0x0  }
0x4c: {  	s1 =	simm.s32 $0x1480;
	[sflag:s29] =	ssyncadd.s32 $0xFFFFD000  }
0x4d: {  	[spmem:s2] =	stream.indirect.scatter.add.f32 [tilespmem:s24], [sflag:$0x4], $0x80, s1, s22, $0xb8;
	[tilespmem:$0x1F980] =	vst v63  }
0x4e: {  	_ =	swait.ge [sflag:s15], $0x3000  }
0x4f: {  	[sflag:s15] =	ssyncset.done $0x0  }
0x50: {  	s13 =	simm.s32 $0x180;
	[sflag:s15] =	ssyncadd.s32 $0xFFFFD000  }
0x51: {  	[tilespmem:s24], [sflag:$0x2] =	stream.indirect.gather [hbm4b:s4+s22], $0x80, s13, s22, $0xb8;
	[tilespmem:$0x1F980] =	vst v63  }
0x52: {  	_ =	swait.ge [sflag:s30], $0x3000  }
0x53: {  	[sflag:s30] =	ssyncset.done $0x0  }
0x54: {  	s16 =	simm.s32 $0x1500;
	[sflag:s30] =	ssyncadd.s32 $0xFFFFD000  }
0x55: {  	[spmem:s2] =	stream.indirect.scatter.add.f32 [tilespmem:s26], [sflag:$0x4], $0x80, s16, s22, $0xb8;
	[tilespmem:$0x1F980] =	vst v63  }
0x56: {  	_ =	swait.ge [sflag:s15], $0x3000  }
0x57: {  	s31 =	simm.s32 $0x1E0;
	[sflag:s15] =	ssyncset.done $0x0  }
0x58: {  	s0 =	simm.s32 $0x600;
	s1 =	simm.s32 $0x300;
	[sflag:s15] =	ssyncadd.s32 $0xFFFFD000  }
.LBB2_4:
0x59: {  	[tilespmem:s26], [sflag:$0x3] =	stream.indirect.gather [hbm4b:s4+s22], $0x80, s31, s22, $0xb8;
	[tilespmem:$0x1F980] =	vst v63  }
0x5a: {  	s13 =	smov.u32 s0;
	s31 =	smov.u32 s1  }
0x5b: {  	p1 =	sne.s32 s0, $0x5A00;
	s0 =	sadd.s32 $0x600, s0;
	_ =	swait.ge [sflag:s28], $0x3000  }
0x5c: {  	s13 =	sshra.s32 s13, $0x2;
	[sflag:s28] =	ssyncset.done $0x0  }
0x5d: {  	s16 =	sadd.s32 $0x1400, s13;
	[sflag:s28] =	ssyncadd.s32 $0xFFFFD000  }
0x5e: {  	[spmem:s2] =	stream.indirect.scatter.add.f32 [tilespmem:s23], [sflag:$0x4], $0x80, s16, s22, $0xb8;
	[tilespmem:$0x1F980] =	vst v63  }
0x5f: {  	_ =	swait.ge [sflag:s15], $0x3000  }
0x60: {  	[sflag:s15] =	ssyncset.done $0x0  }
0x61: {  	s16 =	sadd.s32 $0xFFFFFF40, s1;
	[sflag:s15] =	ssyncadd.s32 $0xFFFFD000  }
0x62: {  	[tilespmem:s23], [sflag:$0x1] =	stream.indirect.gather [hbm4b:s4+s22], $0x80, s16, s22, $0xb8;
	[tilespmem:$0x1F980] =	vst v63  }
0x63: {  	_ =	swait.ge [sflag:s29], $0x3000  }
0x64: {  	[sflag:s29] =	ssyncset.done $0x0  }
0x65: {  	s16 =	sadd.s32 $0x1480, s13;
	[sflag:s29] =	ssyncadd.s32 $0xFFFFD000  }
0x66: {  	[spmem:s2] =	stream.indirect.scatter.add.f32 [tilespmem:s24], [sflag:$0x4], $0x80, s16, s22, $0xb8;
	[tilespmem:$0x1F980] =	vst v63  }
0x67: {  	_ =	swait.ge [sflag:s15], $0x3000  }
0x68: {  	[sflag:s15] =	ssyncset.done $0x0  }
0x69: {  	s16 =	sadd.s32 $0xFFFFFFA0, s1;
	[sflag:s15] =	ssyncadd.s32 $0xFFFFD000  }
0x6a: {  	[tilespmem:s24], [sflag:$0x2] =	stream.indirect.gather [hbm4b:s4+s22], $0x80, s16, s22, $0xb8;
	[tilespmem:$0x1F980] =	vst v63  }
0x6b: {  	_ =	swait.ge [sflag:s30], $0x3000  }
0x6c: {  	[sflag:s30] =	ssyncset.done $0x0  }
.Ltmp1:
0x6d: {  	s13 =	sadd.s32 $0x1500, s13;
	[sflag:s30] =	ssyncadd.s32 $0xFFFFD000;
	(pc) =	sbr.rel @p1 .LBB2_4-.Ltmp1, $4  }
0x6e: {  	[spmem:s2] =	stream.indirect.scatter.add.f32 [tilespmem:s26], [sflag:$0x4], $0x80, s13, s22, $0xb8;
	[tilespmem:$0x1F980] =	vst v63  }
0x6f: {  	_ =	swait.ge [sflag:s15], $0x3000  }
0x70: {  	[sflag:s15] =	ssyncset.done $0x0  }
0x71: {  	s1 =	sadd.s32 $0x120, s1;
	[sflag:s15] =	ssyncadd.s32 $0xFFFFD000  }
0x72: {  	[tilespmem:s26], [sflag:$0x3] =	stream.indirect.gather [hbm4b:s4+s22], $0x80, s31, s22, $0xb8;
	[tilespmem:$0x1F980] =	vst v63  }
0x73: {  	_ =	swait.ge [sflag:s28], $0x3000  }
0x74: {  	[sflag:s28] =	ssyncset.done $0x0  }
0x75: {  	s0 =	simm.s32 $0x2C00;
	[sflag:s28] =	ssyncadd.s32 $0xFFFFD000  }
0x76: {  	[spmem:s2] =	stream.indirect.scatter.add.f32 [tilespmem:s23], [sflag:$0x4], $0x80, s0, s22, $0xb8;
	[tilespmem:$0x1F980] =	vst v63  }
0x77: {  	_ =	swait.ge [sflag:s15], $0x3000  }
0x78: {  	[sflag:s15] =	ssyncset.done $0x0  }
0x79: {  	s1 =	simm.s32 $0x1320;
	[sflag:s15] =	ssyncadd.s32 $0xFFFFD000  }
0x7a: {  	[tilespmem:s23], [sflag:$0x1] =	stream.indirect.gather [hbm4b:s4+s22], $0x80, s1, s22, $0xb8;
	[tilespmem:$0x1F980] =	vst v63  }
0x7b: {  	_ =	swait.ge [sflag:s29], $0x3000  }
0x7c: {  	[sflag:s29] =	ssyncset.done $0x0  }
0x7d: {  	s13 =	simm.s32 $0x2C80;
	[sflag:s29] =	ssyncadd.s32 $0xFFFFD000  }
0x7e: {  	[spmem:s2] =	stream.indirect.scatter.add.f32 [tilespmem:s24], [sflag:$0x4], $0x80, s13, s22, $0xb8;
	[tilespmem:$0x1F980] =	vst v63  }
0x7f: {  	_ =	swait.ge [sflag:s15], $0x3000  }
0x80: {  	[sflag:s15] =	ssyncset.done $0x0  }
0x81: {  	[sflag:s15] =	ssyncadd.s32 $0xFFFFD000  }
0x82: {  	_ =	swait.ge [sflag:s30], $0x3000  }
0x83: {  	[sflag:s30] =	ssyncset.done $0x0  }
0x84: {  	s16 =	simm.s32 $0x2D00;
	[sflag:s30] =	ssyncadd.s32 $0xFFFFD000  }
0x85: {  	[spmem:s2] =	stream.indirect.scatter.add.f32 [tilespmem:s26], [sflag:$0x4], $0x80, s16, s22, $0xb8;
	[tilespmem:$0x1F980] =	vst v63  }
0x86: {  	_ =	swait.ge [sflag:s15], $0x3000  }
0x87: {  	[sflag:s15] =	ssyncset.done $0x0  }
0x88: {  	s31 =	simm.s32 $0x1380;
	[sflag:s15] =	ssyncadd.s32 $0xFFFFD000  }
0x89: {  	[tilespmem:s24], [sflag:$0x2] =	stream.indirect.gather [hbm4b:s4+s14], $0x80, s31, s14, $0xb8;
	[tilespmem:$0x1F980] =	vst v63  }
0x8a: {  	_ =	swait.ge [sflag:s28], $0x3000  }
0x8b: {  	[sflag:s28] =	ssyncset.done $0x0  }
0x8c: {  	[sflag:s28] =	ssyncadd.s32 $0xFFFFD000  }
0x8d: {  	[spmem:s2] =	stream.indirect.scatter.add.f32 [tilespmem:s23], [sflag:$0x4], $0x80, s18, s22, $0xb8;
	[tilespmem:$0x1F980] =	vst v63  }
0x8e: {  	_ =	swait.ge [sflag:s15], $0x3000  }
0x8f: {  	[sflag:s15] =	ssyncset.done $0x0  }
0x90: {  	[sflag:s15] =	ssyncadd.s32 $0xFFFFD000  }
0x91: {  	_ =	swait.ge [sflag:s29], $0x400  }
0x92: {  	[sflag:s29] =	ssyncset.done $0x0  }
0x93: {  	[sflag:s29] =	ssyncadd.s32 $0xFFFFFC00  }
0x94: {  	[spmem:s2] =	stream.indirect.scatter.add.f32 [tilespmem:s24], [sflag:$0x4], $0x80, s17, s14, $0xb8;
	[tilespmem:$0x1F980] =	vst v63  }
0x95: {  	_ =	swait.ge [sflag:s15], $0x400  }
0x96: {  	[sflag:s15] =	ssyncset.done $0x0  }
0x97: {  	[sflag:s15] =	ssyncadd.s32 $0xFFFFFC00  }
0x98: {  	s0 =	simm.s32 @p0 $0x1FC4;
	[bflag:$0x0] =	sbarrier.arrive $0xFFFF  }
0x99: {  	[hbm:s11], [sflag:s0] =	dma.local @p0 [spmem:s19], $0x2080  }
0x9a: {  	s0 =	simm.s32 @p0 $0x4  }
0x9b: {  	s25 =	sadd.s32 $0x1, s25;
	_ =	swait.ge @p0 [sflag:s0], $0x2080  }
0x9c: {  	p1 =	sne.s32 s25, s12;
	[sflag:s0] =	ssyncset.done @p0 $0x0  }
.Ltmp2:
0x9d: {  	[sflag:s0] =	ssyncadd.s32 @p0 $0xFFFFDF80;
	s0 =	simm.s32 @!p0 $0x4;
	(pc) =	sbr.rel @p1 .LBB2_1-.Ltmp2, $4  }
0x9e: {  	[hbm:s10], [sflag:s20] =	dma.local @!p0 [spmem:s21], $0x2780  }
0x9f: {  	_ =	swait.ge @!p0 [sflag:s0], $0x2780  }
0xa0: {  	[sflag:s0] =	ssyncset.done @!p0 $0x0  }
0xa1: {  	[sflag:s0] =	ssyncadd.s32 @!p0 $0xFFFFD880  }
0xa2: {  	_ =	sfence.sel $0x180000  }
0xa3: {  	[bflag:$0x0] =	sbarrier.arrive $0xFFFF  }
0xa4: {  	_ =	strace $0x9000004D  }
0xa5: {  	s0 =	stileid.u32;
	[bflag:$0x2] =	sbarrier.arrive $0xFFFF  }
0xa6: {  	p0 =	sne.s32 s0, $0x0;
	s0 =	rddreg [dreg:$0x3]  }
0xa7: {  	s0 =	sadd.s32 @!p0 $0x100000, s0  }
0xa8: {  	[sflag:s0] =	ssyncadd.tile.s32 @!p0 $0x1;
	_ =	shalt  }
.Lfunc_end2:
_tile_overlayer_lowered:
.L_overlay_start_2:
0xa9: {  	(tag) =	ssettag $0x2  }
0xaa: {  	s0 =	rddreg [dreg:$0x0];
	s2 =	stileid.u32  }
0xab: {  	s1 =	rddreg [dreg:$0x1];
	p0 =	sne.s32 s2, $0x0  }
0xac: {  	s3 =	rddreg [dreg:$0x2];
	[bflag:$0x3] =	sbarrier.arrive $0xFFFF;
	s2 =	simm.s32 @!p0 $0x1C04  }
0xad: {  	[timem:s3], [sflag:s2] =	dma.local @!p0 [hbm:s0], s1  }
0xae: {  	s0 =	simm.s32 @!p0 $0x4  }
0xaf: {  	_ =	swait.ge @!p0 [sflag:s0], s1  }
0xb0: {  	s1 =	ssub.s32 @!p0 $0x0, s1;
	[sflag:s0] =	ssyncset.done @!p0 $0x0  }
0xb1: {  	[sflag:s0] =	ssyncadd.s32 @!p0 s1  }
0xb2: {  	[bflag:$0x3] =	sbarrier.arrive $0xFFFF  }
0xb3: {  	_ =	shalt  }

// kernel: kernel.15.cloned.1.call-start
scs
__scs_entry_jumppad:
0x0: {  	(pc) =	sbr.rel $0x88, $3  }
0x1: {  	(tag) =	ssettag $0x0;
	lr =	simm.s32 $0x1  }
0x2: {  	[smem:$0x3F9D] =	sst lr;
	_ =	strace $0xD0000000  }
0x3: {  	_ = 	snop  }
0x4: {  	_ = 	snop  }
0x5: {  	_ = 	snop  }
0x6: {  	_ = 	snop  }
0x7: {  	_ = 	snop  }
__scs_overlays_trampoline_lowered:
0x8: {  	[smem:$0x3FAC] =	sst s0  }
0x9: {  	[smem:$0x3FAD] =	sst s1  }
0xa: {  	[smem:$0x3FAE] =	sst s2  }
0xb: {  	[smem:$0x3FAF] =	sst s3  }
0xc: {  	[smem:$0x3FB0] =	sst s4  }
0xd: {  	[smem:$0x3FB1] =	sst s5  }
0xe: {  	[smem:$0x3FB2] =	sst s6  }
0xf: {  	[smem:$0x3FB3] =	sst s7  }
0x10: {  	[smem:$0x3FB4] =	sst s8  }
0x11: {  	[smem:$0x3FB5] =	sst s9;
	s0 =	simm.s32 @!p0 $0x0  }
0x12: {  	s1 =	sld [smem:$0x3F9B];
	s0 =	simm.s32 @p0 $0x1  }
0x13: {  	[smem:$0x3FB6] =	sst s0;
	s0 =	simm.s32 @!p1 $0x0  }
0x14: {  	s2 =	sld [smem:$0x3F9A];
	s0 =	simm.s32 @p1 $0x1  }
0x15: {  	[smem:$0x3FB7] =	sst s0;
	s0 =	simm.s32 @!p2 $0x0  }
0x16: {  	s3 =	sld [smem:$0x3FDB];
	s0 =	simm.s32 @p2 $0x1  }
0x17: {  	s4 =	simm.s32 $0x1BF5;
	[smem:$0x3FB9] =	sst s0  }
0x18: {  	s0 =	sld [smem:$0x3F9C];
	_ =	swait.ge [sflag:s4], $0x0  }
0x19: {  	s7 =	sld [smem:$0x3F9D]  }
0x1a: {  	s8 =	sadd.s32 $0xFFFFE003, lr  }
0x1b: {  	s9 =	sadd.s32 $0xFFFFFEF7, lr;
	s5 =	simm.s32 $0xFFFFFFFF;
	p2 =	slt.u32 s8, $0xFFFFF086  }
0x1c: {  	p1 =	slt.u32 s9, $0xF7A;
	s5 =	simm.s32 @!p2 $0x0  }
0x1d: {  	s5 =	simm.s32 @p1 $0x1;
	p0 =	seq.s32 s7, s2  }
0x1e: {  	s7 =	smul.u32 @!p0 $0xF7A, s2;
	p2 =	seq.s32 @!p0 s5, $0x0  }
0x1f: {  	s9 =	smul.u32 $0xF7A, s1;
	s8 =	simm.s32 @!p0 $0x1BF5;
	p2 =	por !p2, p0  }
0x20: {  	[sflag:s8] =	ssyncset.s32 @!p0 $0xFFFFF086;
	s6 =	sadd.s32 @!p0 s3, s7;
	s7 =	simm.s32 @!p0 $0x108  }
0x21: {  	s3 =	sadd.s32 s3, s9;
	s6 =	sadd.s32 @!p0 $0x88, s6;
	s7 =	simm.s32 @p2 $0x1082  }
0x22: {  	[simem:s7], [sflag:s8] =	dma.local @!p0 [hbm:s6], $0xF7A  }
0x23: {  	s9 =	sor.u32 $0xD0000000, s2;
	s6 =	simm.s32 $0x108;
	_ =	swait.ge @!p0 [sflag:s8], $0x0  }
0x24: {  	s3 =	sadd.s32 $0x88, s3;
	s6 =	simm.s32 @!p1 $0x1082;
	[sflag:s4] =	ssyncset.s32 $0xFFFFF086  }
0x25: {  	[simem:s6], [sflag:s4] =	dma.local [hbm:s3], $0xF7A  }
0x26: {  	[smem:$0x3F9D] =	sst s1;
	(tag) =	ssettag s2;
	_ =	strace s9  }
0x27: {  	s1 =	sld [smem:$0x3FAD]  }
0x28: {  	s2 =	sld [smem:$0x3FAE]  }
0x29: {  	s4 =	sld [smem:$0x3FB0]  }
0x2a: {  	p0 =	seq.s32 s5, $0x0;
	s5 =	sld [smem:$0x3FB1]  }
0x2b: {  	s6 =	sld [smem:$0x3FB2]  }
0x2c: {  	s7 =	sld [smem:$0x3FB3]  }
0x2d: {  	s3 =	simm.s32 $0x108;
	s8 =	sld [smem:$0x3FB4]  }
0x2e: {  	s3 =	simm.s32 @!p0 $0x1082;
	s9 =	sld [smem:$0x3FB5]  }
0x2f: {  	lr =	sadd.s32 s0, s3;
	s0 =	sld [smem:$0x3FAC]  }
0x30: {  	s3 =	sld [smem:$0x3FAF]  }
0x31: {  	[smem:$0x3FB8] =	sst s10  }
0x32: {  	s10 =	sld [smem:$0x3FB6];
	_ =	sdelay $0x3  }
0x33: {  	p0 =	seq.s32 s10, $0x1;
	s10 =	sld [smem:$0x3FB8];
	_ =	sdelay $0x3  }
0x34: {  	[smem:$0x3FB8] =	sst s10  }
0x35: {  	s10 =	sld [smem:$0x3FB7];
	_ =	sdelay $0x3  }
0x36: {  	p1 =	seq.s32 s10, $0x1;
	s10 =	sld [smem:$0x3FB8];
	_ =	sdelay $0x3  }
0x37: {  	[smem:$0x3FB8] =	sst s10  }
0x38: {  	s10 =	sld [smem:$0x3FB9]  }
0x39: {  	_ = 	snop;
	(pc) =	sbr.ind lr, $3  }
0x3a: {  	_ = 	snop  }
0x3b: {  	_ = 	snop  }
0x3c: {  	p2 =	seq.s32 s10, $0x1;
	s10 =	sld [smem:$0x3FB8]  }
0x3d: {  	_ =	shalt  }
0x3e: {  	_ =	shalt  }
0x3f: {  	_ =	shalt  }
0x40: {  	_ =	shalt  }
0x41: {  	_ =	shalt  }
0x42: {  	_ =	shalt  }
0x43: {  	_ =	shalt  }
0x44: {  	_ =	shalt  }
0x45: {  	_ =	shalt  }
0x46: {  	_ =	shalt  }
0x47: {  	_ =	shalt  }
0x48: {  	_ =	shalt  }
0x49: {  	_ =	shalt  }
0x4a: {  	_ =	shalt  }
0x4b: {  	_ =	shalt  }
0x4c: {  	_ =	shalt  }
0x4d: {  	_ =	shalt  }
0x4e: {  	_ =	shalt  }
0x4f: {  	_ =	shalt  }
0x50: {  	_ =	shalt  }
0x51: {  	_ =	shalt  }
0x52: {  	_ =	shalt  }
0x53: {  	_ =	shalt  }
0x54: {  	_ =	shalt  }
0x55: {  	_ =	shalt  }
0x56: {  	_ =	shalt  }
0x57: {  	_ =	shalt  }
0x58: {  	_ =	shalt  }
0x59: {  	_ =	shalt  }
0x5a: {  	_ =	shalt  }
0x5b: {  	_ =	shalt  }
0x5c: {  	_ =	shalt  }
0x5d: {  	_ =	shalt  }
0x5e: {  	_ =	shalt  }
0x5f: {  	_ =	shalt  }
0x60: {  	_ =	shalt  }
0x61: {  	_ =	shalt  }
0x62: {  	_ =	shalt  }
0x63: {  	_ =	shalt  }
0x64: {  	_ =	shalt  }
0x65: {  	_ =	shalt  }
0x66: {  	_ =	shalt  }
0x67: {  	_ =	shalt  }
0x68: {  	_ =	shalt  }
0x69: {  	_ =	shalt  }
0x6a: {  	_ =	shalt  }
0x6b: {  	_ =	shalt  }
0x6c: {  	_ =	shalt  }
0x6d: {  	_ =	shalt  }
0x6e: {  	_ =	shalt  }
0x6f: {  	_ =	shalt  }
0x70: {  	_ =	shalt  }
0x71: {  	_ =	shalt  }
0x72: {  	_ =	shalt  }
0x73: {  	_ =	shalt  }
0x74: {  	_ =	shalt  }
0x75: {  	_ =	shalt  }
0x76: {  	_ =	shalt  }
0x77: {  	_ =	shalt  }
0x78: {  	_ =	shalt  }
0x79: {  	_ =	shalt  }
0x7a: {  	_ =	shalt  }
0x7b: {  	_ =	shalt  }
0x7c: {  	_ =	shalt  }
0x7d: {  	_ =	shalt  }
0x7e: {  	_ =	shalt  }
0x7f: {  	_ =	shalt  }
0x80: {  	_ =	shalt  }
0x81: {  	_ =	shalt  }
0x82: {  	_ =	shalt  }
0x83: {  	_ =	shalt  }
0x84: {  	_ =	shalt  }
0x85: {  	_ =	shalt  }
0x86: {  	_ =	shalt  }
0x87: {  	_ =	shalt  }
.Lfunc_end0:
.L_simem_size_0:
called_computation.2_lowered:
.L_overlay_start_0:
0x88: {  	s2 =	sld [smem:$0x3FD9]  }
0x89: {  	s3 =	sld [smem:$0x3FFE];
	_ =	sdelay $0x1  }
0x8a: {  	s1 =	srdreg.scid  }
0x8b: {  	s0 =	sand.u32 $0x1, s1  }
0x8c: {  	s17 =	sshll.u32 s0, $0xA;
	s2 =	sadd.s32 s3, s2  }
0x8d: {  	s2 =	sadd.s32 s2, s17  }
0x8e: {  	[smem:$0x3FC4] =	sst s2  }
0x8f: {  	_ = 	snop  }
0x90: {  	s2 =	sld [smem:$0x3FD0];
	(tm) =	ssettm $0x1  }
0x91: {  	s18 =	sld [smem:$0x3FFB];
	_ =	sdelay $0x3  }
0x92: {  	_ =	strace s18  }
0x93: {  	s3 =	sld [smem:$0x3FFC];
	_ =	sdelay $0x3  }
0x94: {  	_ =	strace s3  }
0x95: {  	s3 =	sld [smem:$0x3FFD];
	_ =	sdelay $0x3  }
0x96: {  	_ =	strace s3  }
0x97: {  	_ =	strace $0x8FFFFFFF  }
0x98: {  	s19 =	sld [smem:$0x3FDB];
	_ =	sdelay $0x1  }
0x99: {  	s4 =	simm.s32 $_scs_section_size  }
0x9a: {  	s5 =	simm.s32 $_size__tile_overlayer_lowered;
	s6 =	simm.s32 $_tile_overlayer_lowered  }
0x9b: {  	s22 =	simm.s32 $0x1BFF;
	s21 =	sshll.u32 s6, $0x1;
	s3 =	sadd.s32 s4, s19  }
0x9c: {  	s7 =	simm.s32 $0x0;
	s20 =	sshll.u32 s5, $0x1;
	s5 =	sadd.s32 s21, s3  }
0x9d: {  	[timem:s7], [sflag:s22] =	dma.local [hbm:s5], s20  }
0x9e: {  	_ =	swait.ge [sflag:s22], s20  }
0x9f: {  	s4 =	ssub.s32 $0x0, s20;
	[sflag:s22] =	ssyncset.done $0x0  }
0xa0: {  	[sflag:s22] =	ssyncadd.s32 s4;
	_ =	sdelay $0x1  }
0xa1: {  	s23 =	simm.s32 $0x1B8B  }
0xa2: {  	_ =	swait.ge [sflag:s23], $0x1  }
0xa3: {  	[sflag:s23] =	ssyncset.done $0x0  }
0xa4: {  	s25 =	simm.s32 $0x1B8E;
	s24 =	sld [smem:$0x3FFE];
	[sflag:s23] =	ssyncadd.s32 $0xFFFFFFFF  }
0xa5: {  	s26 =	simm.s32 $execute0_lowered;
	[smem:$0x3FD2] =	sst s25  }
0xa6: {  	s5 =	sshll.u32 s26, $0x1;
	_ =	strace $0x80000049;
	[dreg:$0x1] =	wrdreg $0xFFFFFFFF  }
0xa7: {  	s28 =	simm.s32 $_size_execute0_lowered;
	s3 =	sadd.s32 s3, s5;
	[dreg:$0x0] =	wrdreg $0x0  }
0xa8: {  	s5 =	sshll.u32 s28, $0x1;
	[dreg:$0x2] =	wrdreg s3  }
0xa9: {  	[dreg:$0x3] =	wrdreg s5  }
0xaa: {  	[dreg:$0x4] =	wrdreg $0xC0  }
0xab: {  	_ =	task [dreg:s7], $0x5FFFF  }
0xac: {  	[dreg:$0x1] =	wrdreg $0xFFFFFFFF  }
0xad: {  	[dreg:$0x0] =	wrdreg $0x60  }
0xae: {  	[dreg:$0x2] =	wrdreg s24  }
0xaf: {  	[dreg:$0x3] =	wrdreg s2  }
0xb0: {  	[dreg:$0x4] =	wrdreg $0xC1000  }
0xb1: {  	[dreg:$0x5] =	wrdreg $0xA  }
0xb2: {  	_ =	task.clear_ibuf [dreg:s7], $0x6FFFF;
	_ =	strace $0x90000049  }
0xb3: {  	s29 =	simm.s32 $0xA;
	_ =	strace $0x8000004B  }
0xb4: {  	_ =	swait.ge [sflag:s29], $0x1  }
0xb5: {  	[sflag:s29] =	ssyncadd.s32 $0xFFFFFFFF  }
0xb6: {  	_ =	strace $0x9000004B  }
0xb7: {  	_ =	sfence  }
0xb8: {  	s30 =	sld [smem:$0x0];
	_ =	sdelay $0x2  }
0xb9: {  	s31 =	sshll.u32 s1, $0xD;
	s1 =	sshrl.u32 s1, $0x2  }
0xba: {  	s3 =	sand.u32 $0x4000, s31;
	s1 =	sadd.s32 s1, s30  }
0xbb: {  	s0 =	sor.u32 s3, s0;
	s1 =	sshll.u32 s1, $0x11  }
0xbc: {  	s0 =	sor.u32 s1, s0  }
0xbd: {  	s0 =	sadd.s32 $0x8F2B, s0  }
0xbe: {  	[sflag:s0] =	ssyncadd.remote.s32 $0x1  }
0xbf: {  	_ =	sfence.sel $0xFFFF  }
0xc0: {  	[dreg:$0x0] =	wrdreg $0xFFFFFFFF;
	(pc) =	sbr.abs _section_cstart, $3  }
0xc1: {  	[dreg:$0x1] =	wrdreg $0xFFFFFFFF  }
0xc2: {  	_ =	task.clear_ibuf [dreg:s7], $0x2FFFF;
	_ =	strace $0x9FFFFFFF  }
0xc3: {  	(tm) =	ssettm $0x7FFFFFFF  }
tec
execute0_lowered:
.L_overlay_start_1:
0x0: {  	(tag) =	ssettag $0x1  }
0x1: {  	s0 =	rddreg [dreg:$0x0]  }
0x2: {  	s1 =	rddreg [dreg:$0x1]  }
0x3: {  	s2 =	rddreg [dreg:$0x2]  }
0x4: {  	s3 =	srdreg.scid;
	s16 =	stileid.u32;
	s15 =	simm.s32 $0x4  }
0x5: {  	s17 =	simm.s32 $0x3000;
	s22 =	simm.s32 $0x60;
	s28 =	simm.s32 $0x1  }
0x6: {  	s29 =	simm.s32 $0x2;
	s30 =	simm.s32 $0x3;
	s12 =	smul.u32 $0x1C00, s16  }
0x7: {  	s18 =	simm.s32 $0x2D80;
	s7 =	sand.u32 $0x1, s3;
	s14 =	smul.u32 $0x4F000, s16  }
0x8: {  	s3 =	simm.s32 $0x0;
	s5 =	sshrl.u32 s16, $0x3;
	s26 =	smul.u32 $0x13C00, s16  }
0x9: {  	s6 =	sshll.u32 s16, $0x7;
	p0 =	seq.s32 s16, $0xF;
	s4 =	smul.u32 $0x14000, s7  }
0xa: {  	[smem:$0x7FF] =	sst s3;
	s5 =	smul.u32 $0xA000, s5;
	s8 =	sand.u32 $0x380, s6  }
0xb: {  	s9 =	sshll.u32 s7, $0xB;
	s10 =	smul.u32 $0x1C000, s7;
	s11 =	ssub.s32 $0x2, s7  }
0xc: {  	s24 =	smul.u32 $0x138800, s7;
	_ =	strace $0x8000004A;
	s6 =	sor.u32 s6, s9  }
0xd: {  	s13 =	sshrl.u32 s11, $0x1;
	s31 =	sshrl.u32 s14, $0x2;
	s14 =	sadd.s32 $0x128400, s2  }
0xe: {  	s5 =	sadd.s32 s4, s5;
	s4 =	sadd.s32 $0x7600, s0;
	s6 =	sshrl.u32 s6, $0x3  }
0xf: {  	s13 =	ssub.s32 s11, s13;
	s10 =	sadd.s32 s12, s10;
	s11 =	sshrl.u32 s24, $0x3  }
0x10: {  	s19 =	sshrl.u32 @p0 s14, $0x3;
	s14 =	simm.s32 $0x8;
	s8 =	sor.u32 s8, s5  }
0x11: {  	s5 =	sadd.s32 $0x55800, s0;
	s23 =	sadd.s32 s6, s0;
	s6 =	sadd.s32 $0x1600, s0  }
0x12: {  	s25 =	sshrl.u32 s10, $0x3;
	s10 =	sadd.s32 s26, s24;
	s12 =	smax.u32 s13, $0x1  }
0x13: {  	s24 =	simm.s32 $0x6100;
	s26 =	simm.s32 $0x9100;
	s8 =	sshrl.u32 s8, $0x3  }
0x14: {  	s9 =	sadd.s32 $0x1400, s23;
	s10 =	sshrl.u32 s10, $0x3;
	s8 =	sadd.s32 s8, s0  }
0x15: {  	s23 =	simm.s32 $0x3100;
	s0 =	sadd.s32 $0x58000, s0;
	s7 =	sadd.s32 $0x2600, s8  }
0x16: {  	s8 =	sadd.s32 s1, s25;
	s1 =	sadd.s32 s31, s2;
	s11 =	sadd.s32 s0, s11  }
0x17: {  	s10 =	sadd.s32 s0, s10;
	s0 =	sshll.u32 @!p0 s16, $0x6;
	s25 =	simm.s32 $0x0  }
0x18: {  	s11 =	sadd.s32 $0x25080, s11;
	s20 =	sor.u32 @!p0 $0x1C04, s0;
	s21 =	sshrl.u32 @!p0 s1, $0x3  }
.LBB2_1:
0x19: {  	s0 =	simm.s32 $0x80;
	s1 =	simm.s32 $0x400  }
0x1a: {  	[tilespmem:s3], [sflag:$0x4] =	stream.strided.gather [hbm4b:s7+s0], $0x1400, s1, s0, $0x38;
	[tilespmem:$0x1F980] =	vst v63  }
0x1b: {  	_ =	swait.ge [sflag:s15], $0x1400  }
0x1c: {  	[sflag:s15] =	ssyncset.done $0x0  }
0x1d: {  	s16 =	simm.s32 $0x1400;
	[sflag:s15] =	ssyncadd.s32 $0xFFFFEC00  }
0x1e: {  	[tilespmem:s16], [sflag:$0x4] =	stream.linear.gather [hbm4b:s8+s3], $0x1A00, $0x38;
	[tilespmem:$0x1F980] =	vst v63  }
0x1f: {  	_ =	swait.ge [sflag:s15], $0x1A00  }
0x20: {  	[sflag:s15] =	ssyncset.done $0x0  }
0x21: {  	[sflag:s15] =	ssyncadd.s32 $0xFFFFE600  }
0x22: {  	[tilespmem:s17], [sflag:$0x4] =	stream.linear.gather [hbm4b:s9+s3], $0x80, $0x38;
	[tilespmem:$0x1F980] =	vst v63  }
0x23: {  	_ =	swait.ge [sflag:s15], $0x80  }
0x24: {  	[sflag:s15] =	ssyncset.done $0x0  }
0x25: {  	s31 =	simm.s32 $0x3080;
	[sflag:s15] =	ssyncadd.s32 $0xFFFFFF80  }
0x26: {  	[tilespmem:s31], [sflag:$0x4] =	stream.linear.gather [hbm4b:s6+s3], $0x80, $0x38;
	[tilespmem:$0x1F980] =	vst v63  }
0x27: {  	_ =	swait.ge [sflag:s15], $0x80  }
0x28: {  	[sflag:s15] =	ssyncset.done $0x0  }
0x29: {  	s0 =	simm.s32 @p0 $0x1FC4;
	[sflag:s15] =	ssyncadd.s32 $0xFFFFFF80  }
0x2a: {  	[spmem:s19], [sflag:s0] =	dma.local @p0 [hbm:s5], $0x2080  }
0x2b: {  	s0 =	simm.s32 @p0 $0x4  }
0x2c: {  	_ =	swait.ge @p0 [sflag:s0], $0x2080  }
0x2d: {  	[sflag:s0] =	ssyncset.done @p0 $0x0  }
0x2e: {  	[sflag:s0] =	ssyncadd.s32 @p0 $0xFFFFDF80;
	s0 =	simm.s32 @!p0 $0x4  }
0x2f: {  	[spmem:s21], [sflag:s20] =	dma.local @!p0 [hbm:s5], $0x2780  }
0x30: {  	_ =	swait.ge @!p0 [sflag:s0], $0x2780  }
0x31: {  	[sflag:s0] =	ssyncset.done @!p0 $0x0  }
0x32: {  	[sflag:s0] =	ssyncadd.s32 @!p0 $0xFFFFD880  }
0x33: {  	s1 =	simm.s32 $0x40;
	s0 =	simm.s32 $0x0;
	v0 =	vld [tilespmem:$0x3080]  }
.LBB2_2:
0x34: {  	p1 =	sne.s32 s1, $0x4E00;
	v1 =	vld [tilespmem:s0+$0x0];
	_ =	sdelay $0x1  }
.Ltmp0:
0x35: {  	(pc) =	sbr.rel @p1 .LBB2_2-.Ltmp0, $3  }
0x36: {  	_ =	sdelay $0x1  }
0x37: {  	v1 =	vadd.s32 v0, v1  }
0x38: {  	[tilespmem:s0+$0x0] =	vst v1;
	s0 =	sshra.s32 s1, $0x2;
	s1 =	sadd.s32 $0x40, s1  }
0x39: {  	v1 =	vld [tilespmem:s0+$0x0];
	_ =	sdelay $0x4  }
0x3a: {  	v0 =	vadd.s32 v0, v1  }
0x3b: {  	[tilespmem:s0+$0x0] =	vst v0  }
0x3c: {  	s16 =	simm.s32 $0x0;
	[bflag:$0x0] =	sbarrier.arrive $0xFFFF  }
0x3d: {  	[tilespmem:s23], [sflag:$0x1] =	stream.indirect.gather [hbm4b:s4+s22], $0x80, s16, s22, $0xb8;
	[tilespmem:$0x1F980] =	vst v63  }
0x3e: {  	_ = 	snop  }
0x3f: {  	[tilespmem:s24], [sflag:$0x2] =	stream.indirect.gather [hbm4b:s4+s22], $0x80, s22, s22, $0xb8;
	[tilespmem:$0x1F980] =	vst v63  }
0x40: {  	s1 =	simm.s32 $0xC0  }
0x41: {  	[tilespmem:s26], [sflag:$0x3] =	stream.indirect.gather [hbm4b:s4+s22], $0x80, s1, s22, $0xb8;
	[tilespmem:$0x1F980] =	vst v63  }
0x42: {  	_ =	swait.ge [sflag:s28], $0x3000  }
0x43: {  	[sflag:s28] =	ssyncset.done $0x0  }
0x44: {  	s13 =	simm.s32 $0x1400;
	[sflag:s28] =	ssyncadd.s32 $0xFFFFD000  }
0x45: {  	[spmem:s2] =	stream.indirect.scatter.add.f32 [tilespmem:s23], [sflag:$0x4], $0x80, s13, s22, $0xb8;
	[tilespmem:$0x1F980] =	vst v63  }
0x46: {  	_ =	swait.ge [sflag:s15], $0x3000  }
0x47: {  	[sflag:s15] =	ssyncset.done $0x0  }
0x48: {  	s16 =	simm.s32 $0x120;
	[sflag:s15] =	ssyncadd.s32 $0xFFFFD000  }
0x49: {  	[tilespmem:s23], [sflag:$0x1] =	stream.indirect.gather [hbm4b:s4+s22], $0x80, s16, s22, $0xb8;
	[tilespmem:$0x1F980] =	vst v63  }
0x4a: {  	_ =	swait.ge [sflag:s29], $0x3000  }
0x4b: {  	[sflag:s29] =	ssyncset.done $0x0  }
0x4c: {  	s1 =	simm.s32 $0x1480;
	[sflag:s29] =	ssyncadd.s32 $0xFFFFD000  }
0x4d: {  	[spmem:s2] =	stream.indirect.scatter.add.f32 [tilespmem:s24], [sflag:$0x4], $0x80, s1, s22, $0xb8;
	[tilespmem:$0x1F980] =	vst v63  }
0x4e: {  	_ =	swait.ge [sflag:s15], $0x3000  }
0x4f: {  	[sflag:s15] =	ssyncset.done $0x0  }
0x50: {  	s13 =	simm.s32 $0x180;
	[sflag:s15] =	ssyncadd.s32 $0xFFFFD000  }
0x51: {  	[tilespmem:s24], [sflag:$0x2] =	stream.indirect.gather [hbm4b:s4+s22], $0x80, s13, s22, $0xb8;
	[tilespmem:$0x1F980] =	vst v63  }
0x52: {  	_ =	swait.ge [sflag:s30], $0x3000  }
0x53: {  	[sflag:s30] =	ssyncset.done $0x0  }
0x54: {  	s16 =	simm.s32 $0x1500;
	[sflag:s30] =	ssyncadd.s32 $0xFFFFD000  }
0x55: {  	[spmem:s2] =	stream.indirect.scatter.add.f32 [tilespmem:s26], [sflag:$0x4], $0x80, s16, s22, $0xb8;
	[tilespmem:$0x1F980] =	vst v63  }
0x56: {  	_ =	swait.ge [sflag:s15], $0x3000  }
0x57: {  	s31 =	simm.s32 $0x1E0;
	[sflag:s15] =	ssyncset.done $0x0  }
0x58: {  	s0 =	simm.s32 $0x600;
	s1 =	simm.s32 $0x300;
	[sflag:s15] =	ssyncadd.s32 $0xFFFFD000  }
.LBB2_4:
0x59: {  	[tilespmem:s26], [sflag:$0x3] =	stream.indirect.gather [hbm4b:s4+s22], $0x80, s31, s22, $0xb8;
	[tilespmem:$0x1F980] =	vst v63  }
0x5a: {  	s13 =	smov.u32 s0;
	s31 =	smov.u32 s1  }
0x5b: {  	p1 =	sne.s32 s0, $0x5A00;
	s0 =	sadd.s32 $0x600, s0;
	_ =	swait.ge [sflag:s28], $0x3000  }
0x5c: {  	s13 =	sshra.s32 s13, $0x2;
	[sflag:s28] =	ssyncset.done $0x0  }
0x5d: {  	s16 =	sadd.s32 $0x1400, s13;
	[sflag:s28] =	ssyncadd.s32 $0xFFFFD000  }
0x5e: {  	[spmem:s2] =	stream.indirect.scatter.add.f32 [tilespmem:s23], [sflag:$0x4], $0x80, s16, s22, $0xb8;
	[tilespmem:$0x1F980] =	vst v63  }
0x5f: {  	_ =	swait.ge [sflag:s15], $0x3000  }
0x60: {  	[sflag:s15] =	ssyncset.done $0x0  }
0x61: {  	s16 =	sadd.s32 $0xFFFFFF40, s1;
	[sflag:s15] =	ssyncadd.s32 $0xFFFFD000  }
0x62: {  	[tilespmem:s23], [sflag:$0x1] =	stream.indirect.gather [hbm4b:s4+s22], $0x80, s16, s22, $0xb8;
	[tilespmem:$0x1F980] =	vst v63  }
0x63: {  	_ =	swait.ge [sflag:s29], $0x3000  }
0x64: {  	[sflag:s29] =	ssyncset.done $0x0  }
0x65: {  	s16 =	sadd.s32 $0x1480, s13;
	[sflag:s29] =	ssyncadd.s32 $0xFFFFD000  }
0x66: {  	[spmem:s2] =	stream.indirect.scatter.add.f32 [tilespmem:s24], [sflag:$0x4], $0x80, s16, s22, $0xb8;
	[tilespmem:$0x1F980] =	vst v63  }
0x67: {  	_ =	swait.ge [sflag:s15], $0x3000  }
0x68: {  	[sflag:s15] =	ssyncset.done $0x0  }
0x69: {  	s16 =	sadd.s32 $0xFFFFFFA0, s1;
	[sflag:s15] =	ssyncadd.s32 $0xFFFFD000  }
0x6a: {  	[tilespmem:s24], [sflag:$0x2] =	stream.indirect.gather [hbm4b:s4+s22], $0x80, s16, s22, $0xb8;
	[tilespmem:$0x1F980] =	vst v63  }
0x6b: {  	_ =	swait.ge [sflag:s30], $0x3000  }
0x6c: {  	[sflag:s30] =	ssyncset.done $0x0  }
.Ltmp1:
0x6d: {  	s13 =	sadd.s32 $0x1500, s13;
	[sflag:s30] =	ssyncadd.s32 $0xFFFFD000;
	(pc) =	sbr.rel @p1 .LBB2_4-.Ltmp1, $4  }
0x6e: {  	[spmem:s2] =	stream.indirect.scatter.add.f32 [tilespmem:s26], [sflag:$0x4], $0x80, s13, s22, $0xb8;
	[tilespmem:$0x1F980] =	vst v63  }
0x6f: {  	_ =	swait.ge [sflag:s15], $0x3000  }
0x70: {  	[sflag:s15] =	ssyncset.done $0x0  }
0x71: {  	s1 =	sadd.s32 $0x120, s1;
	[sflag:s15] =	ssyncadd.s32 $0xFFFFD000  }
0x72: {  	[tilespmem:s26], [sflag:$0x3] =	stream.indirect.gather [hbm4b:s4+s22], $0x80, s31, s22, $0xb8;
	[tilespmem:$0x1F980] =	vst v63  }
0x73: {  	_ =	swait.ge [sflag:s28], $0x3000  }
0x74: {  	[sflag:s28] =	ssyncset.done $0x0  }
0x75: {  	s0 =	simm.s32 $0x2C00;
	[sflag:s28] =	ssyncadd.s32 $0xFFFFD000  }
0x76: {  	[spmem:s2] =	stream.indirect.scatter.add.f32 [tilespmem:s23], [sflag:$0x4], $0x80, s0, s22, $0xb8;
	[tilespmem:$0x1F980] =	vst v63  }
0x77: {  	_ =	swait.ge [sflag:s15], $0x3000  }
0x78: {  	[sflag:s15] =	ssyncset.done $0x0  }
0x79: {  	s1 =	simm.s32 $0x1320;
	[sflag:s15] =	ssyncadd.s32 $0xFFFFD000  }
0x7a: {  	[tilespmem:s23], [sflag:$0x1] =	stream.indirect.gather [hbm4b:s4+s22], $0x80, s1, s22, $0xb8;
	[tilespmem:$0x1F980] =	vst v63  }
0x7b: {  	_ =	swait.ge [sflag:s29], $0x3000  }
0x7c: {  	[sflag:s29] =	ssyncset.done $0x0  }
0x7d: {  	s13 =	simm.s32 $0x2C80;
	[sflag:s29] =	ssyncadd.s32 $0xFFFFD000  }
0x7e: {  	[spmem:s2] =	stream.indirect.scatter.add.f32 [tilespmem:s24], [sflag:$0x4], $0x80, s13, s22, $0xb8;
	[tilespmem:$0x1F980] =	vst v63  }
0x7f: {  	_ =	swait.ge [sflag:s15], $0x3000  }
0x80: {  	[sflag:s15] =	ssyncset.done $0x0  }
0x81: {  	[sflag:s15] =	ssyncadd.s32 $0xFFFFD000  }
0x82: {  	_ =	swait.ge [sflag:s30], $0x3000  }
0x83: {  	[sflag:s30] =	ssyncset.done $0x0  }
0x84: {  	s16 =	simm.s32 $0x2D00;
	[sflag:s30] =	ssyncadd.s32 $0xFFFFD000  }
0x85: {  	[spmem:s2] =	stream.indirect.scatter.add.f32 [tilespmem:s26], [sflag:$0x4], $0x80, s16, s22, $0xb8;
	[tilespmem:$0x1F980] =	vst v63  }
0x86: {  	_ =	swait.ge [sflag:s15], $0x3000  }
0x87: {  	[sflag:s15] =	ssyncset.done $0x0  }
0x88: {  	s31 =	simm.s32 $0x1380;
	[sflag:s15] =	ssyncadd.s32 $0xFFFFD000  }
0x89: {  	[tilespmem:s24], [sflag:$0x2] =	stream.indirect.gather [hbm4b:s4+s14], $0x80, s31, s14, $0xb8;
	[tilespmem:$0x1F980] =	vst v63  }
0x8a: {  	_ =	swait.ge [sflag:s28], $0x3000  }
0x8b: {  	[sflag:s28] =	ssyncset.done $0x0  }
0x8c: {  	[sflag:s28] =	ssyncadd.s32 $0xFFFFD000  }
0x8d: {  	[spmem:s2] =	stream.indirect.scatter.add.f32 [tilespmem:s23], [sflag:$0x4], $0x80, s18, s22, $0xb8;
	[tilespmem:$0x1F980] =	vst v63  }
0x8e: {  	_ =	swait.ge [sflag:s15], $0x3000  }
0x8f: {  	[sflag:s15] =	ssyncset.done $0x0  }
0x90: {  	[sflag:s15] =	ssyncadd.s32 $0xFFFFD000  }
0x91: {  	_ =	swait.ge [sflag:s29], $0x400  }
0x92: {  	[sflag:s29] =	ssyncset.done $0x0  }
0x93: {  	[sflag:s29] =	ssyncadd.s32 $0xFFFFFC00  }
0x94: {  	[spmem:s2] =	stream.indirect.scatter.add.f32 [tilespmem:s24], [sflag:$0x4], $0x80, s17, s14, $0xb8;
	[tilespmem:$0x1F980] =	vst v63  }
0x95: {  	_ =	swait.ge [sflag:s15], $0x400  }
0x96: {  	[sflag:s15] =	ssyncset.done $0x0  }
0x97: {  	[sflag:s15] =	ssyncadd.s32 $0xFFFFFC00  }
0x98: {  	s0 =	simm.s32 @p0 $0x1FC4;
	[bflag:$0x0] =	sbarrier.arrive $0xFFFF  }
0x99: {  	[hbm:s11], [sflag:s0] =	dma.local @p0 [spmem:s19], $0x2080  }
0x9a: {  	s0 =	simm.s32 @p0 $0x4  }
0x9b: {  	s25 =	sadd.s32 $0x1, s25;
	_ =	swait.ge @p0 [sflag:s0], $0x2080  }
0x9c: {  	p1 =	sne.s32 s25, s12;
	[sflag:s0] =	ssyncset.done @p0 $0x0  }
.Ltmp2:
0x9d: {  	[sflag:s0] =	ssyncadd.s32 @p0 $0xFFFFDF80;
	s0 =	simm.s32 @!p0 $0x4;
	(pc) =	sbr.rel @p1 .LBB2_1-.Ltmp2, $4  }
0x9e: {  	[hbm:s10], [sflag:s20] =	dma.local @!p0 [spmem:s21], $0x2780  }
0x9f: {  	_ =	swait.ge @!p0 [sflag:s0], $0x2780  }
0xa0: {  	[sflag:s0] =	ssyncset.done @!p0 $0x0  }
0xa1: {  	[sflag:s0] =	ssyncadd.s32 @!p0 $0xFFFFD880  }
0xa2: {  	_ =	sfence.sel $0x180000  }
0xa3: {  	[bflag:$0x0] =	sbarrier.arrive $0xFFFF  }
0xa4: {  	_ =	strace $0x9000004A  }
0xa5: {  	s0 =	stileid.u32;
	[bflag:$0x2] =	sbarrier.arrive $0xFFFF  }
0xa6: {  	p0 =	sne.s32 s0, $0x0;
	s0 =	rddreg [dreg:$0x3]  }
0xa7: {  	s0 =	sadd.s32 @!p0 $0x100000, s0  }
0xa8: {  	[sflag:s0] =	ssyncadd.tile.s32 @!p0 $0x1;
	_ =	shalt  }
.Lfunc_end2:
_tile_overlayer_lowered:
.L_overlay_start_2:
0xa9: {  	(tag) =	ssettag $0x2  }
0xaa: {  	s0 =	rddreg [dreg:$0x0];
	s2 =	stileid.u32  }
0xab: {  	s1 =	rddreg [dreg:$0x1];
	p0 =	sne.s32 s2, $0x0  }
0xac: {  	s3 =	rddreg [dreg:$0x2];
	[bflag:$0x3] =	sbarrier.arrive $0xFFFF;
	s2 =	simm.s32 @!p0 $0x1C04  }
0xad: {  	[timem:s3], [sflag:s2] =	dma.local @!p0 [hbm:s0], s1  }
0xae: {  	s0 =	simm.s32 @!p0 $0x4  }
0xaf: {  	_ =	swait.ge @!p0 [sflag:s0], s1  }
0xb0: {  	s1 =	ssub.s32 @!p0 $0x0, s1;
	[sflag:s0] =	ssyncset.done @!p0 $0x0  }
0xb1: {  	[sflag:s0] =	ssyncadd.s32 @!p0 s1  }
0xb2: {  	[bflag:$0x3] =	sbarrier.arrive $0xFFFF  }
0xb3: {  	_ =	shalt  }

// kernel: kernel.18.cloned.1.call-start
scs
__scs_entry_jumppad:
0x0: {  	(pc) =	sbr.rel $0x88, $3  }
0x1: {  	(tag) =	ssettag $0x0;
	lr =	simm.s32 $0x1  }
0x2: {  	[smem:$0x3F9D] =	sst lr;
	_ =	strace $0xD0000000  }
0x3: {  	_ = 	snop  }
0x4: {  	_ = 	snop  }
0x5: {  	_ = 	snop  }
0x6: {  	_ = 	snop  }
0x7: {  	_ = 	snop  }
__scs_overlays_trampoline_lowered:
0x8: {  	[smem:$0x3FAC] =	sst s0  }
0x9: {  	[smem:$0x3FAD] =	sst s1  }
0xa: {  	[smem:$0x3FAE] =	sst s2  }
0xb: {  	[smem:$0x3FAF] =	sst s3  }
0xc: {  	[smem:$0x3FB0] =	sst s4  }
0xd: {  	[smem:$0x3FB1] =	sst s5  }
0xe: {  	[smem:$0x3FB2] =	sst s6  }
0xf: {  	[smem:$0x3FB3] =	sst s7  }
0x10: {  	[smem:$0x3FB4] =	sst s8  }
0x11: {  	[smem:$0x3FB5] =	sst s9;
	s0 =	simm.s32 @!p0 $0x0  }
0x12: {  	s1 =	sld [smem:$0x3F9B];
	s0 =	simm.s32 @p0 $0x1  }
0x13: {  	[smem:$0x3FB6] =	sst s0;
	s0 =	simm.s32 @!p1 $0x0  }
0x14: {  	s2 =	sld [smem:$0x3F9A];
	s0 =	simm.s32 @p1 $0x1  }
0x15: {  	[smem:$0x3FB7] =	sst s0;
	s0 =	simm.s32 @!p2 $0x0  }
0x16: {  	s3 =	sld [smem:$0x3FDB];
	s0 =	simm.s32 @p2 $0x1  }
0x17: {  	s4 =	simm.s32 $0x1BF5;
	[smem:$0x3FB9] =	sst s0  }
0x18: {  	s0 =	sld [smem:$0x3F9C];
	_ =	swait.ge [sflag:s4], $0x0  }
0x19: {  	s7 =	sld [smem:$0x3F9D]  }
0x1a: {  	s8 =	sadd.s32 $0xFFFFE003, lr  }
0x1b: {  	s9 =	sadd.s32 $0xFFFFFEF7, lr;
	s5 =	simm.s32 $0xFFFFFFFF;
	p2 =	slt.u32 s8, $0xFFFFF086  }
0x1c: {  	p1 =	slt.u32 s9, $0xF7A;
	s5 =	simm.s32 @!p2 $0x0  }
0x1d: {  	s5 =	simm.s32 @p1 $0x1;
	p0 =	seq.s32 s7, s2  }
0x1e: {  	s7 =	smul.u32 @!p0 $0xF7A, s2;
	p2 =	seq.s32 @!p0 s5, $0x0  }
0x1f: {  	s9 =	smul.u32 $0xF7A, s1;
	s8 =	simm.s32 @!p0 $0x1BF5;
	p2 =	por !p2, p0  }
0x20: {  	[sflag:s8] =	ssyncset.s32 @!p0 $0xFFFFF086;
	s6 =	sadd.s32 @!p0 s3, s7;
	s7 =	simm.s32 @!p0 $0x108  }
0x21: {  	s3 =	sadd.s32 s3, s9;
	s6 =	sadd.s32 @!p0 $0x88, s6;
	s7 =	simm.s32 @p2 $0x1082  }
0x22: {  	[simem:s7], [sflag:s8] =	dma.local @!p0 [hbm:s6], $0xF7A  }
0x23: {  	s9 =	sor.u32 $0xD0000000, s2;
	s6 =	simm.s32 $0x108;
	_ =	swait.ge @!p0 [sflag:s8], $0x0  }
0x24: {  	s3 =	sadd.s32 $0x88, s3;
	s6 =	simm.s32 @!p1 $0x1082;
	[sflag:s4] =	ssyncset.s32 $0xFFFFF086  }
0x25: {  	[simem:s6], [sflag:s4] =	dma.local [hbm:s3], $0xF7A  }
0x26: {  	[smem:$0x3F9D] =	sst s1;
	(tag) =	ssettag s2;
	_ =	strace s9  }
0x27: {  	s1 =	sld [smem:$0x3FAD]  }
0x28: {  	s2 =	sld [smem:$0x3FAE]  }
0x29: {  	s4 =	sld [smem:$0x3FB0]  }
0x2a: {  	p0 =	seq.s32 s5, $0x0;
	s5 =	sld [smem:$0x3FB1]  }
0x2b: {  	s6 =	sld [smem:$0x3FB2]  }
0x2c: {  	s7 =	sld [smem:$0x3FB3]  }
0x2d: {  	s3 =	simm.s32 $0x108;
	s8 =	sld [smem:$0x3FB4]  }
0x2e: {  	s3 =	simm.s32 @!p0 $0x1082;
	s9 =	sld [smem:$0x3FB5]  }
0x2f: {  	lr =	sadd.s32 s0, s3;
	s0 =	sld [smem:$0x3FAC]  }
0x30: {  	s3 =	sld [smem:$0x3FAF]  }
0x31: {  	[smem:$0x3FB8] =	sst s10  }
0x32: {  	s10 =	sld [smem:$0x3FB6];
	_ =	sdelay $0x3  }
0x33: {  	p0 =	seq.s32 s10, $0x1;
	s10 =	sld [smem:$0x3FB8];
	_ =	sdelay $0x3  }
0x34: {  	[smem:$0x3FB8] =	sst s10  }
0x35: {  	s10 =	sld [smem:$0x3FB7];
	_ =	sdelay $0x3  }
0x36: {  	p1 =	seq.s32 s10, $0x1;
	s10 =	sld [smem:$0x3FB8];
	_ =	sdelay $0x3  }
0x37: {  	[smem:$0x3FB8] =	sst s10  }
0x38: {  	s10 =	sld [smem:$0x3FB9]  }
0x39: {  	_ = 	snop;
	(pc) =	sbr.ind lr, $3  }
0x3a: {  	_ = 	snop  }
0x3b: {  	_ = 	snop  }
0x3c: {  	p2 =	seq.s32 s10, $0x1;
	s10 =	sld [smem:$0x3FB8]  }
0x3d: {  	_ =	shalt  }
0x3e: {  	_ =	shalt  }
0x3f: {  	_ =	shalt  }
0x40: {  	_ =	shalt  }
0x41: {  	_ =	shalt  }
0x42: {  	_ =	shalt  }
0x43: {  	_ =	shalt  }
0x44: {  	_ =	shalt  }
0x45: {  	_ =	shalt  }
0x46: {  	_ =	shalt  }
0x47: {  	_ =	shalt  }
0x48: {  	_ =	shalt  }
0x49: {  	_ =	shalt  }
0x4a: {  	_ =	shalt  }
0x4b: {  	_ =	shalt  }
0x4c: {  	_ =	shalt  }
0x4d: {  	_ =	shalt  }
0x4e: {  	_ =	shalt  }
0x4f: {  	_ =	shalt  }
0x50: {  	_ =	shalt  }
0x51: {  	_ =	shalt  }
0x52: {  	_ =	shalt  }
0x53: {  	_ =	shalt  }
0x54: {  	_ =	shalt  }
0x55: {  	_ =	shalt  }
0x56: {  	_ =	shalt  }
0x57: {  	_ =	shalt  }
0x58: {  	_ =	shalt  }
0x59: {  	_ =	shalt  }
0x5a: {  	_ =	shalt  }
0x5b: {  	_ =	shalt  }
0x5c: {  	_ =	shalt  }
0x5d: {  	_ =	shalt  }
0x5e: {  	_ =	shalt  }
0x5f: {  	_ =	shalt  }
0x60: {  	_ =	shalt  }
0x61: {  	_ =	shalt  }
0x62: {  	_ =	shalt  }
0x63: {  	_ =	shalt  }
0x64: {  	_ =	shalt  }
0x65: {  	_ =	shalt  }
0x66: {  	_ =	shalt  }
0x67: {  	_ =	shalt  }
0x68: {  	_ =	shalt  }
0x69: {  	_ =	shalt  }
0x6a: {  	_ =	shalt  }
0x6b: {  	_ =	shalt  }
0x6c: {  	_ =	shalt  }
0x6d: {  	_ =	shalt  }
0x6e: {  	_ =	shalt  }
0x6f: {  	_ =	shalt  }
0x70: {  	_ =	shalt  }
0x71: {  	_ =	shalt  }
0x72: {  	_ =	shalt  }
0x73: {  	_ =	shalt  }
0x74: {  	_ =	shalt  }
0x75: {  	_ =	shalt  }
0x76: {  	_ =	shalt  }
0x77: {  	_ =	shalt  }
0x78: {  	_ =	shalt  }
0x79: {  	_ =	shalt  }
0x7a: {  	_ =	shalt  }
0x7b: {  	_ =	shalt  }
0x7c: {  	_ =	shalt  }
0x7d: {  	_ =	shalt  }
0x7e: {  	_ =	shalt  }
0x7f: {  	_ =	shalt  }
0x80: {  	_ =	shalt  }
0x81: {  	_ =	shalt  }
0x82: {  	_ =	shalt  }
0x83: {  	_ =	shalt  }
0x84: {  	_ =	shalt  }
0x85: {  	_ =	shalt  }
0x86: {  	_ =	shalt  }
0x87: {  	_ =	shalt  }
.Lfunc_end0:
.L_simem_size_0:
called_computation.3_lowered:
.L_overlay_start_0:
0x88: {  	s2 =	sld [smem:$0x3FD9]  }
0x89: {  	s3 =	sld [smem:$0x3FFE];
	_ =	sdelay $0x1  }
0x8a: {  	s1 =	srdreg.scid  }
0x8b: {  	s0 =	sand.u32 $0x1, s1  }
0x8c: {  	s17 =	sshll.u32 s0, $0xA;
	s2 =	sadd.s32 s3, s2  }
0x8d: {  	s2 =	sadd.s32 s2, s17  }
0x8e: {  	[smem:$0x3FC4] =	sst s2  }
0x8f: {  	_ = 	snop  }
0x90: {  	s2 =	sld [smem:$0x3FD0];
	(tm) =	ssettm $0x1  }
0x91: {  	s18 =	sld [smem:$0x3FFB];
	_ =	sdelay $0x3  }
0x92: {  	_ =	strace s18  }
0x93: {  	s3 =	sld [smem:$0x3FFC];
	_ =	sdelay $0x3  }
0x94: {  	_ =	strace s3  }
0x95: {  	s3 =	sld [smem:$0x3FFD];
	_ =	sdelay $0x3  }
0x96: {  	_ =	strace s3  }
0x97: {  	_ =	strace $0x8FFFFFFF  }
0x98: {  	s19 =	sld [smem:$0x3FDB];
	_ =	sdelay $0x1  }
0x99: {  	s4 =	simm.s32 $_scs_section_size  }
0x9a: {  	s5 =	simm.s32 $_size__tile_overlayer_lowered;
	s6 =	simm.s32 $_tile_overlayer_lowered  }
0x9b: {  	s22 =	simm.s32 $0x1BFF;
	s21 =	sshll.u32 s6, $0x1;
	s3 =	sadd.s32 s4, s19  }
0x9c: {  	s7 =	simm.s32 $0x0;
	s20 =	sshll.u32 s5, $0x1;
	s5 =	sadd.s32 s21, s3  }
0x9d: {  	[timem:s7], [sflag:s22] =	dma.local [hbm:s5], s20  }
0x9e: {  	_ =	swait.ge [sflag:s22], s20  }
0x9f: {  	s4 =	ssub.s32 $0x0, s20;
	[sflag:s22] =	ssyncset.done $0x0  }
0xa0: {  	[sflag:s22] =	ssyncadd.s32 s4;
	_ =	sdelay $0x1  }
0xa1: {  	s23 =	simm.s32 $0x1B8B  }
0xa2: {  	_ =	swait.ge [sflag:s23], $0x1  }
0xa3: {  	[sflag:s23] =	ssyncset.done $0x0  }
0xa4: {  	s25 =	simm.s32 $0x1B8E;
	s24 =	sld [smem:$0x3FFE];
	[sflag:s23] =	ssyncadd.s32 $0xFFFFFFFF  }
0xa5: {  	s26 =	simm.s32 $execute0_lowered;
	[smem:$0x3FD2] =	sst s25  }
0xa6: {  	s5 =	sshll.u32 s26, $0x1;
	_ =	strace $0x8000004F;
	[dreg:$0x1] =	wrdreg $0xFFFFFFFF  }
0xa7: {  	s28 =	simm.s32 $_size_execute0_lowered;
	s3 =	sadd.s32 s3, s5;
	[dreg:$0x0] =	wrdreg $0x0  }
0xa8: {  	s5 =	sshll.u32 s28, $0x1;
	[dreg:$0x2] =	wrdreg s3  }
0xa9: {  	[dreg:$0x3] =	wrdreg s5  }
0xaa: {  	[dreg:$0x4] =	wrdreg $0xC0  }
0xab: {  	_ =	task [dreg:s7], $0x5FFFF  }
0xac: {  	[dreg:$0x1] =	wrdreg $0xFFFFFFFF  }
0xad: {  	[dreg:$0x0] =	wrdreg $0x60  }
0xae: {  	[dreg:$0x2] =	wrdreg s24  }
0xaf: {  	[dreg:$0x3] =	wrdreg s2  }
0xb0: {  	[dreg:$0x4] =	wrdreg $0xC1000  }
0xb1: {  	[dreg:$0x5] =	wrdreg $0x9  }
0xb2: {  	_ =	task.clear_ibuf [dreg:s7], $0x6FFFF;
	_ =	strace $0x9000004F  }
0xb3: {  	s29 =	simm.s32 $0x9;
	_ =	strace $0x80000051  }
0xb4: {  	_ =	swait.ge [sflag:s29], $0x1  }
0xb5: {  	[sflag:s29] =	ssyncadd.s32 $0xFFFFFFFF  }
0xb6: {  	_ =	strace $0x90000051  }
0xb7: {  	_ =	sfence  }
0xb8: {  	s30 =	sld [smem:$0x0];
	_ =	sdelay $0x2  }
0xb9: {  	s31 =	sshll.u32 s1, $0xD;
	s1 =	sshrl.u32 s1, $0x2  }
0xba: {  	s3 =	sand.u32 $0x4000, s31;
	s1 =	sadd.s32 s1, s30  }
0xbb: {  	s0 =	sor.u32 s3, s0;
	s1 =	sshll.u32 s1, $0x11  }
0xbc: {  	s0 =	sor.u32 s1, s0  }
0xbd: {  	s0 =	sadd.s32 $0x8F2B, s0  }
0xbe: {  	[sflag:s0] =	ssyncadd.remote.s32 $0x1  }
0xbf: {  	_ =	sfence.sel $0xFFFF  }
0xc0: {  	[dreg:$0x0] =	wrdreg $0xFFFFFFFF;
	(pc) =	sbr.abs _section_cstart, $3  }
0xc1: {  	[dreg:$0x1] =	wrdreg $0xFFFFFFFF  }
0xc2: {  	_ =	task.clear_ibuf [dreg:s7], $0x2FFFF;
	_ =	strace $0x9FFFFFFF  }
0xc3: {  	(tm) =	ssettm $0x7FFFFFFF  }
tec
execute0_lowered:
.L_overlay_start_1:
0x0: {  	(tag) =	ssettag $0x1  }
0x1: {  	s0 =	rddreg [dreg:$0x0]  }
0x2: {  	s1 =	rddreg [dreg:$0x1]  }
0x3: {  	s2 =	rddreg [dreg:$0x2]  }
0x4: {  	s3 =	srdreg.scid;
	s16 =	stileid.u32;
	s15 =	simm.s32 $0x4  }
0x5: {  	s17 =	simm.s32 $0x3000;
	s22 =	simm.s32 $0x60;
	s28 =	simm.s32 $0x1  }
0x6: {  	s29 =	simm.s32 $0x2;
	s30 =	simm.s32 $0x3;
	s12 =	smul.u32 $0x1C00, s16  }
0x7: {  	s18 =	simm.s32 $0x2D80;
	s7 =	sand.u32 $0x1, s3;
	s14 =	smul.u32 $0x4F000, s16  }
0x8: {  	s3 =	simm.s32 $0x0;
	s5 =	sshrl.u32 s16, $0x3;
	s26 =	smul.u32 $0x13C00, s16  }
0x9: {  	s6 =	sshll.u32 s16, $0x7;
	p0 =	seq.s32 s16, $0xF;
	s4 =	smul.u32 $0x14000, s7  }
0xa: {  	[smem:$0x7FF] =	sst s3;
	s5 =	smul.u32 $0xA000, s5;
	s8 =	sand.u32 $0x380, s6  }
0xb: {  	s9 =	sshll.u32 s7, $0xB;
	s10 =	smul.u32 $0x1C000, s7;
	s11 =	ssub.s32 $0x2, s7  }
0xc: {  	s24 =	smul.u32 $0x138800, s7;
	_ =	strace $0x80000050;
	s6 =	sor.u32 s6, s9  }
0xd: {  	s13 =	sshrl.u32 s11, $0x1;
	s31 =	sshrl.u32 s14, $0x2;
	s14 =	sadd.s32 $0x128400, s2  }
0xe: {  	s5 =	sadd.s32 s4, s5;
	s4 =	sadd.s32 $0x7600, s0;
	s6 =	sshrl.u32 s6, $0x3  }
0xf: {  	s13 =	ssub.s32 s11, s13;
	s10 =	sadd.s32 s12, s10;
	s11 =	sshrl.u32 s24, $0x3  }
0x10: {  	s19 =	sshrl.u32 @p0 s14, $0x3;
	s14 =	simm.s32 $0x8;
	s8 =	sor.u32 s8, s5  }
0x11: {  	s5 =	sadd.s32 $0x55800, s0;
	s23 =	sadd.s32 s6, s0;
	s6 =	sadd.s32 $0x1800, s0  }
0x12: {  	s25 =	sshrl.u32 s10, $0x3;
	s10 =	sadd.s32 s26, s24;
	s12 =	smax.u32 s13, $0x1  }
0x13: {  	s24 =	simm.s32 $0x6100;
	s26 =	simm.s32 $0x9100;
	s8 =	sshrl.u32 s8, $0x3  }
0x14: {  	s9 =	sadd.s32 $0x1400, s23;
	s10 =	sshrl.u32 s10, $0x3;
	s8 =	sadd.s32 s8, s0  }
0x15: {  	s23 =	simm.s32 $0x3100;
	s0 =	sadd.s32 $0x58000, s0;
	s7 =	sadd.s32 $0x2600, s8  }
0x16: {  	s8 =	sadd.s32 s1, s25;
	s1 =	sadd.s32 s31, s2;
	s11 =	sadd.s32 s0, s11  }
0x17: {  	s10 =	sadd.s32 s0, s10;
	s0 =	sshll.u32 @!p0 s16, $0x6;
	s25 =	simm.s32 $0x0  }
0x18: {  	s11 =	sadd.s32 $0x25080, s11;
	s20 =	sor.u32 @!p0 $0x1C04, s0;
	s21 =	sshrl.u32 @!p0 s1, $0x3  }
.LBB2_1:
0x19: {  	s0 =	simm.s32 $0x80;
	s1 =	simm.s32 $0x400  }
0x1a: {  	[tilespmem:s3], [sflag:$0x4] =	stream.strided.gather [hbm4b:s7+s0], $0x1400, s1, s0, $0x38;
	[tilespmem:$0x1F980] =	vst v63  }
0x1b: {  	_ =	swait.ge [sflag:s15], $0x1400  }
0x1c: {  	[sflag:s15] =	ssyncset.done $0x0  }
0x1d: {  	s16 =	simm.s32 $0x1400;
	[sflag:s15] =	ssyncadd.s32 $0xFFFFEC00  }
0x1e: {  	[tilespmem:s16], [sflag:$0x4] =	stream.linear.gather [hbm4b:s8+s3], $0x1A00, $0x38;
	[tilespmem:$0x1F980] =	vst v63  }
0x1f: {  	_ =	swait.ge [sflag:s15], $0x1A00  }
0x20: {  	[sflag:s15] =	ssyncset.done $0x0  }
0x21: {  	[sflag:s15] =	ssyncadd.s32 $0xFFFFE600  }
0x22: {  	[tilespmem:s17], [sflag:$0x4] =	stream.linear.gather [hbm4b:s9+s3], $0x80, $0x38;
	[tilespmem:$0x1F980] =	vst v63  }
0x23: {  	_ =	swait.ge [sflag:s15], $0x80  }
0x24: {  	[sflag:s15] =	ssyncset.done $0x0  }
0x25: {  	s31 =	simm.s32 $0x3080;
	[sflag:s15] =	ssyncadd.s32 $0xFFFFFF80  }
0x26: {  	[tilespmem:s31], [sflag:$0x4] =	stream.linear.gather [hbm4b:s6+s3], $0x80, $0x38;
	[tilespmem:$0x1F980] =	vst v63  }
0x27: {  	_ =	swait.ge [sflag:s15], $0x80  }
0x28: {  	[sflag:s15] =	ssyncset.done $0x0  }
0x29: {  	s0 =	simm.s32 @p0 $0x1FC4;
	[sflag:s15] =	ssyncadd.s32 $0xFFFFFF80  }
0x2a: {  	[spmem:s19], [sflag:s0] =	dma.local @p0 [hbm:s5], $0x2080  }
0x2b: {  	s0 =	simm.s32 @p0 $0x4  }
0x2c: {  	_ =	swait.ge @p0 [sflag:s0], $0x2080  }
0x2d: {  	[sflag:s0] =	ssyncset.done @p0 $0x0  }
0x2e: {  	[sflag:s0] =	ssyncadd.s32 @p0 $0xFFFFDF80;
	s0 =	simm.s32 @!p0 $0x4  }
0x2f: {  	[spmem:s21], [sflag:s20] =	dma.local @!p0 [hbm:s5], $0x2780  }
0x30: {  	_ =	swait.ge @!p0 [sflag:s0], $0x2780  }
0x31: {  	[sflag:s0] =	ssyncset.done @!p0 $0x0  }
0x32: {  	[sflag:s0] =	ssyncadd.s32 @!p0 $0xFFFFD880  }
0x33: {  	s1 =	simm.s32 $0x40;
	s0 =	simm.s32 $0x0;
	v0 =	vld [tilespmem:$0x3080]  }
.LBB2_2:
0x34: {  	p1 =	sne.s32 s1, $0x4E00;
	v1 =	vld [tilespmem:s0+$0x0];
	_ =	sdelay $0x1  }
.Ltmp0:
0x35: {  	(pc) =	sbr.rel @p1 .LBB2_2-.Ltmp0, $3  }
0x36: {  	_ =	sdelay $0x1  }
0x37: {  	v1 =	vadd.s32 v0, v1  }
0x38: {  	[tilespmem:s0+$0x0] =	vst v1;
	s0 =	sshra.s32 s1, $0x2;
	s1 =	sadd.s32 $0x40, s1  }
0x39: {  	v1 =	vld [tilespmem:s0+$0x0];
	_ =	sdelay $0x4  }
0x3a: {  	v0 =	vadd.s32 v0, v1  }
0x3b: {  	[tilespmem:s0+$0x0] =	vst v0  }
0x3c: {  	s16 =	simm.s32 $0x0;
	[bflag:$0x0] =	sbarrier.arrive $0xFFFF  }
0x3d: {  	[tilespmem:s23], [sflag:$0x1] =	stream.indirect.gather [hbm4b:s4+s22], $0x80, s16, s22, $0xb8;
	[tilespmem:$0x1F980] =	vst v63  }
0x3e: {  	_ = 	snop  }
0x3f: {  	[tilespmem:s24], [sflag:$0x2] =	stream.indirect.gather [hbm4b:s4+s22], $0x80, s22, s22, $0xb8;
	[tilespmem:$0x1F980] =	vst v63  }
0x40: {  	s1 =	simm.s32 $0xC0  }
0x41: {  	[tilespmem:s26], [sflag:$0x3] =	stream.indirect.gather [hbm4b:s4+s22], $0x80, s1, s22, $0xb8;
	[tilespmem:$0x1F980] =	vst v63  }
0x42: {  	_ =	swait.ge [sflag:s28], $0x3000  }
0x43: {  	[sflag:s28] =	ssyncset.done $0x0  }
0x44: {  	s13 =	simm.s32 $0x1400;
	[sflag:s28] =	ssyncadd.s32 $0xFFFFD000  }
0x45: {  	[spmem:s2] =	stream.indirect.scatter.add.f32 [tilespmem:s23], [sflag:$0x4], $0x80, s13, s22, $0xb8;
	[tilespmem:$0x1F980] =	vst v63  }
0x46: {  	_ =	swait.ge [sflag:s15], $0x3000  }
0x47: {  	[sflag:s15] =	ssyncset.done $0x0  }
0x48: {  	s16 =	simm.s32 $0x120;
	[sflag:s15] =	ssyncadd.s32 $0xFFFFD000  }
0x49: {  	[tilespmem:s23], [sflag:$0x1] =	stream.indirect.gather [hbm4b:s4+s22], $0x80, s16, s22, $0xb8;
	[tilespmem:$0x1F980] =	vst v63  }
0x4a: {  	_ =	swait.ge [sflag:s29], $0x3000  }
0x4b: {  	[sflag:s29] =	ssyncset.done $0x0  }
0x4c: {  	s1 =	simm.s32 $0x1480;
	[sflag:s29] =	ssyncadd.s32 $0xFFFFD000  }
0x4d: {  	[spmem:s2] =	stream.indirect.scatter.add.f32 [tilespmem:s24], [sflag:$0x4], $0x80, s1, s22, $0xb8;
	[tilespmem:$0x1F980] =	vst v63  }
0x4e: {  	_ =	swait.ge [sflag:s15], $0x3000  }
0x4f: {  	[sflag:s15] =	ssyncset.done $0x0  }
0x50: {  	s13 =	simm.s32 $0x180;
	[sflag:s15] =	ssyncadd.s32 $0xFFFFD000  }
0x51: {  	[tilespmem:s24], [sflag:$0x2] =	stream.indirect.gather [hbm4b:s4+s22], $0x80, s13, s22, $0xb8;
	[tilespmem:$0x1F980] =	vst v63  }
0x52: {  	_ =	swait.ge [sflag:s30], $0x3000  }
0x53: {  	[sflag:s30] =	ssyncset.done $0x0  }
0x54: {  	s16 =	simm.s32 $0x1500;
	[sflag:s30] =	ssyncadd.s32 $0xFFFFD000  }
0x55: {  	[spmem:s2] =	stream.indirect.scatter.add.f32 [tilespmem:s26], [sflag:$0x4], $0x80, s16, s22, $0xb8;
	[tilespmem:$0x1F980] =	vst v63  }
0x56: {  	_ =	swait.ge [sflag:s15], $0x3000  }
0x57: {  	s31 =	simm.s32 $0x1E0;
	[sflag:s15] =	ssyncset.done $0x0  }
0x58: {  	s0 =	simm.s32 $0x600;
	s1 =	simm.s32 $0x300;
	[sflag:s15] =	ssyncadd.s32 $0xFFFFD000  }
.LBB2_4:
0x59: {  	[tilespmem:s26], [sflag:$0x3] =	stream.indirect.gather [hbm4b:s4+s22], $0x80, s31, s22, $0xb8;
	[tilespmem:$0x1F980] =	vst v63  }
0x5a: {  	s13 =	smov.u32 s0;
	s31 =	smov.u32 s1  }
0x5b: {  	p1 =	sne.s32 s0, $0x5A00;
	s0 =	sadd.s32 $0x600, s0;
	_ =	swait.ge [sflag:s28], $0x3000  }
0x5c: {  	s13 =	sshra.s32 s13, $0x2;
	[sflag:s28] =	ssyncset.done $0x0  }
0x5d: {  	s16 =	sadd.s32 $0x1400, s13;
	[sflag:s28] =	ssyncadd.s32 $0xFFFFD000  }
0x5e: {  	[spmem:s2] =	stream.indirect.scatter.add.f32 [tilespmem:s23], [sflag:$0x4], $0x80, s16, s22, $0xb8;
	[tilespmem:$0x1F980] =	vst v63  }
0x5f: {  	_ =	swait.ge [sflag:s15], $0x3000  }
0x60: {  	[sflag:s15] =	ssyncset.done $0x0  }
0x61: {  	s16 =	sadd.s32 $0xFFFFFF40, s1;
	[sflag:s15] =	ssyncadd.s32 $0xFFFFD000  }
0x62: {  	[tilespmem:s23], [sflag:$0x1] =	stream.indirect.gather [hbm4b:s4+s22], $0x80, s16, s22, $0xb8;
	[tilespmem:$0x1F980] =	vst v63  }
0x63: {  	_ =	swait.ge [sflag:s29], $0x3000  }
0x64: {  	[sflag:s29] =	ssyncset.done $0x0  }
0x65: {  	s16 =	sadd.s32 $0x1480, s13;
	[sflag:s29] =	ssyncadd.s32 $0xFFFFD000  }
0x66: {  	[spmem:s2] =	stream.indirect.scatter.add.f32 [tilespmem:s24], [sflag:$0x4], $0x80, s16, s22, $0xb8;
	[tilespmem:$0x1F980] =	vst v63  }
0x67: {  	_ =	swait.ge [sflag:s15], $0x3000  }
0x68: {  	[sflag:s15] =	ssyncset.done $0x0  }
0x69: {  	s16 =	sadd.s32 $0xFFFFFFA0, s1;
	[sflag:s15] =	ssyncadd.s32 $0xFFFFD000  }
0x6a: {  	[tilespmem:s24], [sflag:$0x2] =	stream.indirect.gather [hbm4b:s4+s22], $0x80, s16, s22, $0xb8;
	[tilespmem:$0x1F980] =	vst v63  }
0x6b: {  	_ =	swait.ge [sflag:s30], $0x3000  }
0x6c: {  	[sflag:s30] =	ssyncset.done $0x0  }
.Ltmp1:
0x6d: {  	s13 =	sadd.s32 $0x1500, s13;
	[sflag:s30] =	ssyncadd.s32 $0xFFFFD000;
	(pc) =	sbr.rel @p1 .LBB2_4-.Ltmp1, $4  }
0x6e: {  	[spmem:s2] =	stream.indirect.scatter.add.f32 [tilespmem:s26], [sflag:$0x4], $0x80, s13, s22, $0xb8;
	[tilespmem:$0x1F980] =	vst v63  }
0x6f: {  	_ =	swait.ge [sflag:s15], $0x3000  }
0x70: {  	[sflag:s15] =	ssyncset.done $0x0  }
0x71: {  	s1 =	sadd.s32 $0x120, s1;
	[sflag:s15] =	ssyncadd.s32 $0xFFFFD000  }
0x72: {  	[tilespmem:s26], [sflag:$0x3] =	stream.indirect.gather [hbm4b:s4+s22], $0x80, s31, s22, $0xb8;
	[tilespmem:$0x1F980] =	vst v63  }
0x73: {  	_ =	swait.ge [sflag:s28], $0x3000  }
0x74: {  	[sflag:s28] =	ssyncset.done $0x0  }
0x75: {  	s0 =	simm.s32 $0x2C00;
	[sflag:s28] =	ssyncadd.s32 $0xFFFFD000  }
0x76: {  	[spmem:s2] =	stream.indirect.scatter.add.f32 [tilespmem:s23], [sflag:$0x4], $0x80, s0, s22, $0xb8;
	[tilespmem:$0x1F980] =	vst v63  }
0x77: {  	_ =	swait.ge [sflag:s15], $0x3000  }
0x78: {  	[sflag:s15] =	ssyncset.done $0x0  }
0x79: {  	s1 =	simm.s32 $0x1320;
	[sflag:s15] =	ssyncadd.s32 $0xFFFFD000  }
0x7a: {  	[tilespmem:s23], [sflag:$0x1] =	stream.indirect.gather [hbm4b:s4+s22], $0x80, s1, s22, $0xb8;
	[tilespmem:$0x1F980] =	vst v63  }
0x7b: {  	_ =	swait.ge [sflag:s29], $0x3000  }
0x7c: {  	[sflag:s29] =	ssyncset.done $0x0  }
0x7d: {  	s13 =	simm.s32 $0x2C80;
	[sflag:s29] =	ssyncadd.s32 $0xFFFFD000  }
0x7e: {  	[spmem:s2] =	stream.indirect.scatter.add.f32 [tilespmem:s24], [sflag:$0x4], $0x80, s13, s22, $0xb8;
	[tilespmem:$0x1F980] =	vst v63  }
0x7f: {  	_ =	swait.ge [sflag:s15], $0x3000  }
0x80: {  	[sflag:s15] =	ssyncset.done $0x0  }
0x81: {  	[sflag:s15] =	ssyncadd.s32 $0xFFFFD000  }
0x82: {  	_ =	swait.ge [sflag:s30], $0x3000  }
0x83: {  	[sflag:s30] =	ssyncset.done $0x0  }
0x84: {  	s16 =	simm.s32 $0x2D00;
	[sflag:s30] =	ssyncadd.s32 $0xFFFFD000  }
0x85: {  	[spmem:s2] =	stream.indirect.scatter.add.f32 [tilespmem:s26], [sflag:$0x4], $0x80, s16, s22, $0xb8;
	[tilespmem:$0x1F980] =	vst v63  }
0x86: {  	_ =	swait.ge [sflag:s15], $0x3000  }
0x87: {  	[sflag:s15] =	ssyncset.done $0x0  }
0x88: {  	s31 =	simm.s32 $0x1380;
	[sflag:s15] =	ssyncadd.s32 $0xFFFFD000  }
0x89: {  	[tilespmem:s24], [sflag:$0x2] =	stream.indirect.gather [hbm4b:s4+s14], $0x80, s31, s14, $0xb8;
	[tilespmem:$0x1F980] =	vst v63  }
0x8a: {  	_ =	swait.ge [sflag:s28], $0x3000  }
0x8b: {  	[sflag:s28] =	ssyncset.done $0x0  }
0x8c: {  	[sflag:s28] =	ssyncadd.s32 $0xFFFFD000  }
0x8d: {  	[spmem:s2] =	stream.indirect.scatter.add.f32 [tilespmem:s23], [sflag:$0x4], $0x80, s18, s22, $0xb8;
	[tilespmem:$0x1F980] =	vst v63  }
0x8e: {  	_ =	swait.ge [sflag:s15], $0x3000  }
0x8f: {  	[sflag:s15] =	ssyncset.done $0x0  }
0x90: {  	[sflag:s15] =	ssyncadd.s32 $0xFFFFD000  }
0x91: {  	_ =	swait.ge [sflag:s29], $0x400  }
0x92: {  	[sflag:s29] =	ssyncset.done $0x0  }
0x93: {  	[sflag:s29] =	ssyncadd.s32 $0xFFFFFC00  }
0x94: {  	[spmem:s2] =	stream.indirect.scatter.add.f32 [tilespmem:s24], [sflag:$0x4], $0x80, s17, s14, $0xb8;
	[tilespmem:$0x1F980] =	vst v63  }
0x95: {  	_ =	swait.ge [sflag:s15], $0x400  }
0x96: {  	[sflag:s15] =	ssyncset.done $0x0  }
0x97: {  	[sflag:s15] =	ssyncadd.s32 $0xFFFFFC00  }
0x98: {  	s0 =	simm.s32 @p0 $0x1FC4;
	[bflag:$0x0] =	sbarrier.arrive $0xFFFF  }
0x99: {  	[hbm:s11], [sflag:s0] =	dma.local @p0 [spmem:s19], $0x2080  }
0x9a: {  	s0 =	simm.s32 @p0 $0x4  }
0x9b: {  	s25 =	sadd.s32 $0x1, s25;
	_ =	swait.ge @p0 [sflag:s0], $0x2080  }
0x9c: {  	p1 =	sne.s32 s25, s12;
	[sflag:s0] =	ssyncset.done @p0 $0x0  }
.Ltmp2:
0x9d: {  	[sflag:s0] =	ssyncadd.s32 @p0 $0xFFFFDF80;
	s0 =	simm.s32 @!p0 $0x4;
	(pc) =	sbr.rel @p1 .LBB2_1-.Ltmp2, $4  }
0x9e: {  	[hbm:s10], [sflag:s20] =	dma.local @!p0 [spmem:s21], $0x2780  }
0x9f: {  	_ =	swait.ge @!p0 [sflag:s0], $0x2780  }
0xa0: {  	[sflag:s0] =	ssyncset.done @!p0 $0x0  }
0xa1: {  	[sflag:s0] =	ssyncadd.s32 @!p0 $0xFFFFD880  }
0xa2: {  	_ =	sfence.sel $0x180000  }
0xa3: {  	[bflag:$0x0] =	sbarrier.arrive $0xFFFF  }
0xa4: {  	_ =	strace $0x90000050  }
0xa5: {  	s0 =	stileid.u32;
	[bflag:$0x2] =	sbarrier.arrive $0xFFFF  }
0xa6: {  	p0 =	sne.s32 s0, $0x0;
	s0 =	rddreg [dreg:$0x3]  }
0xa7: {  	s0 =	sadd.s32 @!p0 $0x100000, s0  }
0xa8: {  	[sflag:s0] =	ssyncadd.tile.s32 @!p0 $0x1;
	_ =	shalt  }
.Lfunc_end2:
_tile_overlayer_lowered:
.L_overlay_start_2:
0xa9: {  	(tag) =	ssettag $0x2  }
0xaa: {  	s0 =	rddreg [dreg:$0x0];
	s2 =	stileid.u32  }
0xab: {  	s1 =	rddreg [dreg:$0x1];
	p0 =	sne.s32 s2, $0x0  }
0xac: {  	s3 =	rddreg [dreg:$0x2];
	[bflag:$0x3] =	sbarrier.arrive $0xFFFF;
	s2 =	simm.s32 @!p0 $0x1C04  }
0xad: {  	[timem:s3], [sflag:s2] =	dma.local @!p0 [hbm:s0], s1  }
0xae: {  	s0 =	simm.s32 @!p0 $0x4  }
0xaf: {  	_ =	swait.ge @!p0 [sflag:s0], s1  }
0xb0: {  	s1 =	ssub.s32 @!p0 $0x0, s1;
	[sflag:s0] =	ssyncset.done @!p0 $0x0  }
0xb1: {  	[sflag:s0] =	ssyncadd.s32 @!p0 s1  }
0xb2: {  	[bflag:$0x3] =	sbarrier.arrive $0xFFFF  }
0xb3: {  	_ =	shalt  }

// kernel: kernel.9.cloned.1.call-start
scs
__scs_entry_jumppad:
0x0: {  	(pc) =	sbr.rel $0x88, $3  }
0x1: {  	(tag) =	ssettag $0x0;
	lr =	simm.s32 $0x1  }
0x2: {  	[smem:$0x3F9D] =	sst lr;
	_ =	strace $0xD0000000  }
0x3: {  	_ = 	snop  }
0x4: {  	_ = 	snop  }
0x5: {  	_ = 	snop  }
0x6: {  	_ = 	snop  }
0x7: {  	_ = 	snop  }
__scs_overlays_trampoline_lowered:
0x8: {  	[smem:$0x3FAC] =	sst s0  }
0x9: {  	[smem:$0x3FAD] =	sst s1  }
0xa: {  	[smem:$0x3FAE] =	sst s2  }
0xb: {  	[smem:$0x3FAF] =	sst s3  }
0xc: {  	[smem:$0x3FB0] =	sst s4  }
0xd: {  	[smem:$0x3FB1] =	sst s5  }
0xe: {  	[smem:$0x3FB2] =	sst s6  }
0xf: {  	[smem:$0x3FB3] =	sst s7  }
0x10: {  	[smem:$0x3FB4] =	sst s8  }
0x11: {  	[smem:$0x3FB5] =	sst s9;
	s0 =	simm.s32 @!p0 $0x0  }
0x12: {  	s1 =	sld [smem:$0x3F9B];
	s0 =	simm.s32 @p0 $0x1  }
0x13: {  	[smem:$0x3FB6] =	sst s0;
	s0 =	simm.s32 @!p1 $0x0  }
0x14: {  	s2 =	sld [smem:$0x3F9A];
	s0 =	simm.s32 @p1 $0x1  }
0x15: {  	[smem:$0x3FB7] =	sst s0;
	s0 =	simm.s32 @!p2 $0x0  }
0x16: {  	s3 =	sld [smem:$0x3FDB];
	s0 =	simm.s32 @p2 $0x1  }
0x17: {  	s4 =	simm.s32 $0x1BF5;
	[smem:$0x3FB9] =	sst s0  }
0x18: {  	s0 =	sld [smem:$0x3F9C];
	_ =	swait.ge [sflag:s4], $0x0  }
0x19: {  	s7 =	sld [smem:$0x3F9D]  }
0x1a: {  	s8 =	sadd.s32 $0xFFFFE003, lr  }
0x1b: {  	s9 =	sadd.s32 $0xFFFFFEF7, lr;
	s5 =	simm.s32 $0xFFFFFFFF;
	p2 =	slt.u32 s8, $0xFFFFF086  }
0x1c: {  	p1 =	slt.u32 s9, $0xF7A;
	s5 =	simm.s32 @!p2 $0x0  }
0x1d: {  	s5 =	simm.s32 @p1 $0x1;
	p0 =	seq.s32 s7, s2  }
0x1e: {  	s7 =	smul.u32 @!p0 $0xF7A, s2;
	p2 =	seq.s32 @!p0 s5, $0x0  }
0x1f: {  	s9 =	smul.u32 $0xF7A, s1;
	s8 =	simm.s32 @!p0 $0x1BF5;
	p2 =	por !p2, p0  }
0x20: {  	[sflag:s8] =	ssyncset.s32 @!p0 $0xFFFFF086;
	s6 =	sadd.s32 @!p0 s3, s7;
	s7 =	simm.s32 @!p0 $0x108  }
0x21: {  	s3 =	sadd.s32 s3, s9;
	s6 =	sadd.s32 @!p0 $0x88, s6;
	s7 =	simm.s32 @p2 $0x1082  }
0x22: {  	[simem:s7], [sflag:s8] =	dma.local @!p0 [hbm:s6], $0xF7A  }
0x23: {  	s9 =	sor.u32 $0xD0000000, s2;
	s6 =	simm.s32 $0x108;
	_ =	swait.ge @!p0 [sflag:s8], $0x0  }
0x24: {  	s3 =	sadd.s32 $0x88, s3;
	s6 =	simm.s32 @!p1 $0x1082;
	[sflag:s4] =	ssyncset.s32 $0xFFFFF086  }
0x25: {  	[simem:s6], [sflag:s4] =	dma.local [hbm:s3], $0xF7A  }
0x26: {  	[smem:$0x3F9D] =	sst s1;
	(tag) =	ssettag s2;
	_ =	strace s9  }
0x27: {  	s1 =	sld [smem:$0x3FAD]  }
0x28: {  	s2 =	sld [smem:$0x3FAE]  }
0x29: {  	s4 =	sld [smem:$0x3FB0]  }
0x2a: {  	p0 =	seq.s32 s5, $0x0;
	s5 =	sld [smem:$0x3FB1]  }
0x2b: {  	s6 =	sld [smem:$0x3FB2]  }
0x2c: {  	s7 =	sld [smem:$0x3FB3]  }
0x2d: {  	s3 =	simm.s32 $0x108;
	s8 =	sld [smem:$0x3FB4]  }
0x2e: {  	s3 =	simm.s32 @!p0 $0x1082;
	s9 =	sld [smem:$0x3FB5]  }
0x2f: {  	lr =	sadd.s32 s0, s3;
	s0 =	sld [smem:$0x3FAC]  }
0x30: {  	s3 =	sld [smem:$0x3FAF]  }
0x31: {  	[smem:$0x3FB8] =	sst s10  }
0x32: {  	s10 =	sld [smem:$0x3FB6];
	_ =	sdelay $0x3  }
0x33: {  	p0 =	seq.s32 s10, $0x1;
	s10 =	sld [smem:$0x3FB8];
	_ =	sdelay $0x3  }
0x34: {  	[smem:$0x3FB8] =	sst s10  }
0x35: {  	s10 =	sld [smem:$0x3FB7];
	_ =	sdelay $0x3  }
0x36: {  	p1 =	seq.s32 s10, $0x1;
	s10 =	sld [smem:$0x3FB8];
	_ =	sdelay $0x3  }
0x37: {  	[smem:$0x3FB8] =	sst s10  }
0x38: {  	s10 =	sld [smem:$0x3FB9]  }
0x39: {  	_ = 	snop;
	(pc) =	sbr.ind lr, $3  }
0x3a: {  	_ = 	snop  }
0x3b: {  	_ = 	snop  }
0x3c: {  	p2 =	seq.s32 s10, $0x1;
	s10 =	sld [smem:$0x3FB8]  }
0x3d: {  	_ =	shalt  }
0x3e: {  	_ =	shalt  }
0x3f: {  	_ =	shalt  }
0x40: {  	_ =	shalt  }
0x41: {  	_ =	shalt  }
0x42: {  	_ =	shalt  }
0x43: {  	_ =	shalt  }
0x44: {  	_ =	shalt  }
0x45: {  	_ =	shalt  }
0x46: {  	_ =	shalt  }
0x47: {  	_ =	shalt  }
0x48: {  	_ =	shalt  }
0x49: {  	_ =	shalt  }
0x4a: {  	_ =	shalt  }
0x4b: {  	_ =	shalt  }
0x4c: {  	_ =	shalt  }
0x4d: {  	_ =	shalt  }
0x4e: {  	_ =	shalt  }
0x4f: {  	_ =	shalt  }
0x50: {  	_ =	shalt  }
0x51: {  	_ =	shalt  }
0x52: {  	_ =	shalt  }
0x53: {  	_ =	shalt  }
0x54: {  	_ =	shalt  }
0x55: {  	_ =	shalt  }
0x56: {  	_ =	shalt  }
0x57: {  	_ =	shalt  }
0x58: {  	_ =	shalt  }
0x59: {  	_ =	shalt  }
0x5a: {  	_ =	shalt  }
0x5b: {  	_ =	shalt  }
0x5c: {  	_ =	shalt  }
0x5d: {  	_ =	shalt  }
0x5e: {  	_ =	shalt  }
0x5f: {  	_ =	shalt  }
0x60: {  	_ =	shalt  }
0x61: {  	_ =	shalt  }
0x62: {  	_ =	shalt  }
0x63: {  	_ =	shalt  }
0x64: {  	_ =	shalt  }
0x65: {  	_ =	shalt  }
0x66: {  	_ =	shalt  }
0x67: {  	_ =	shalt  }
0x68: {  	_ =	shalt  }
0x69: {  	_ =	shalt  }
0x6a: {  	_ =	shalt  }
0x6b: {  	_ =	shalt  }
0x6c: {  	_ =	shalt  }
0x6d: {  	_ =	shalt  }
0x6e: {  	_ =	shalt  }
0x6f: {  	_ =	shalt  }
0x70: {  	_ =	shalt  }
0x71: {  	_ =	shalt  }
0x72: {  	_ =	shalt  }
0x73: {  	_ =	shalt  }
0x74: {  	_ =	shalt  }
0x75: {  	_ =	shalt  }
0x76: {  	_ =	shalt  }
0x77: {  	_ =	shalt  }
0x78: {  	_ =	shalt  }
0x79: {  	_ =	shalt  }
0x7a: {  	_ =	shalt  }
0x7b: {  	_ =	shalt  }
0x7c: {  	_ =	shalt  }
0x7d: {  	_ =	shalt  }
0x7e: {  	_ =	shalt  }
0x7f: {  	_ =	shalt  }
0x80: {  	_ =	shalt  }
0x81: {  	_ =	shalt  }
0x82: {  	_ =	shalt  }
0x83: {  	_ =	shalt  }
0x84: {  	_ =	shalt  }
0x85: {  	_ =	shalt  }
0x86: {  	_ =	shalt  }
0x87: {  	_ =	shalt  }
.Lfunc_end0:
.L_simem_size_0:
called_computation_lowered:
.L_overlay_start_0:
0x88: {  	s2 =	sld [smem:$0x3FD9]  }
0x89: {  	s3 =	sld [smem:$0x3FFE];
	_ =	sdelay $0x1  }
0x8a: {  	s1 =	srdreg.scid  }
0x8b: {  	s0 =	sand.u32 $0x1, s1  }
0x8c: {  	s17 =	sshll.u32 s0, $0xA;
	s2 =	sadd.s32 s3, s2  }
0x8d: {  	s2 =	sadd.s32 s2, s17  }
0x8e: {  	[smem:$0x3FC4] =	sst s2  }
0x8f: {  	_ = 	snop  }
0x90: {  	s2 =	sld [smem:$0x3FD0];
	(tm) =	ssettm $0x1  }
0x91: {  	s18 =	sld [smem:$0x3FFB];
	_ =	sdelay $0x3  }
0x92: {  	_ =	strace s18  }
0x93: {  	s3 =	sld [smem:$0x3FFC];
	_ =	sdelay $0x3  }
0x94: {  	_ =	strace s3  }
0x95: {  	s3 =	sld [smem:$0x3FFD];
	_ =	sdelay $0x3  }
0x96: {  	_ =	strace s3  }
0x97: {  	_ =	strace $0x8FFFFFFF  }
0x98: {  	s19 =	sld [smem:$0x3FDB];
	_ =	sdelay $0x1  }
0x99: {  	s4 =	simm.s32 $_scs_section_size  }
0x9a: {  	s5 =	simm.s32 $_size__tile_overlayer_lowered;
	s6 =	simm.s32 $_tile_overlayer_lowered  }
0x9b: {  	s22 =	simm.s32 $0x1BFF;
	s21 =	sshll.u32 s6, $0x1;
	s3 =	sadd.s32 s4, s19  }
0x9c: {  	s7 =	simm.s32 $0x0;
	s20 =	sshll.u32 s5, $0x1;
	s5 =	sadd.s32 s21, s3  }
0x9d: {  	[timem:s7], [sflag:s22] =	dma.local [hbm:s5], s20  }
0x9e: {  	_ =	swait.ge [sflag:s22], s20  }
0x9f: {  	s4 =	ssub.s32 $0x0, s20;
	[sflag:s22] =	ssyncset.done $0x0  }
0xa0: {  	[sflag:s22] =	ssyncadd.s32 s4;
	_ =	sdelay $0x1  }
0xa1: {  	s23 =	simm.s32 $0x1B8B  }
0xa2: {  	_ =	swait.ge [sflag:s23], $0x1  }
0xa3: {  	[sflag:s23] =	ssyncset.done $0x0  }
0xa4: {  	s25 =	simm.s32 $0x1B8E;
	s24 =	sld [smem:$0x3FFE];
	[sflag:s23] =	ssyncadd.s32 $0xFFFFFFFF  }
0xa5: {  	s26 =	simm.s32 $execute0_lowered;
	[smem:$0x3FD2] =	sst s25  }
0xa6: {  	s5 =	sshll.u32 s26, $0x1;
	_ =	strace $0x80000046;
	[dreg:$0x1] =	wrdreg $0xFFFFFFFF  }
0xa7: {  	s28 =	simm.s32 $_size_execute0_lowered;
	s3 =	sadd.s32 s3, s5;
	[dreg:$0x0] =	wrdreg $0x0  }
0xa8: {  	s5 =	sshll.u32 s28, $0x1;
	[dreg:$0x2] =	wrdreg s3  }
0xa9: {  	[dreg:$0x3] =	wrdreg s5  }
0xaa: {  	[dreg:$0x4] =	wrdreg $0xC0  }
0xab: {  	_ =	task [dreg:s7], $0x5FFFF  }
0xac: {  	[dreg:$0x1] =	wrdreg $0xFFFFFFFF  }
0xad: {  	[dreg:$0x0] =	wrdreg $0x60  }
0xae: {  	[dreg:$0x2] =	wrdreg s2  }
0xaf: {  	[dreg:$0x3] =	wrdreg s24  }
0xb0: {  	[dreg:$0x4] =	wrdreg $0x1D000  }
0xb1: {  	[dreg:$0x5] =	wrdreg $0x9  }
0xb2: {  	_ =	task.clear_ibuf [dreg:s7], $0x6FFFF;
	_ =	strace $0x90000046  }
0xb3: {  	s29 =	simm.s32 $0x9;
	_ =	strace $0x80000048  }
0xb4: {  	_ =	swait.ge [sflag:s29], $0x1  }
0xb5: {  	[sflag:s29] =	ssyncadd.s32 $0xFFFFFFFF  }
0xb6: {  	_ =	strace $0x90000048  }
0xb7: {  	_ =	sfence  }
0xb8: {  	s30 =	sld [smem:$0x0];
	_ =	sdelay $0x2  }
0xb9: {  	s31 =	sshll.u32 s1, $0xD;
	s1 =	sshrl.u32 s1, $0x2  }
0xba: {  	s3 =	sand.u32 $0x4000, s31;
	s1 =	sadd.s32 s1, s30  }
0xbb: {  	s0 =	sor.u32 s3, s0;
	s1 =	sshll.u32 s1, $0x11  }
0xbc: {  	s0 =	sor.u32 s1, s0  }
0xbd: {  	s0 =	sadd.s32 $0x8F2B, s0  }
0xbe: {  	[sflag:s0] =	ssyncadd.remote.s32 $0x1  }
0xbf: {  	_ =	sfence.sel $0xFFFF  }
0xc0: {  	[dreg:$0x0] =	wrdreg $0xFFFFFFFF;
	(pc) =	sbr.abs _section_cstart, $3  }
0xc1: {  	[dreg:$0x1] =	wrdreg $0xFFFFFFFF  }
0xc2: {  	_ =	task.clear_ibuf [dreg:s7], $0x2FFFF;
	_ =	strace $0x9FFFFFFF  }
0xc3: {  	(tm) =	ssettm $0x7FFFFFFF  }
tec
execute0_lowered:
.L_overlay_start_1:
0x0: {  	(tag) =	ssettag $0x1  }
0x1: {  	s4 =	rddreg [dreg:$0x0]  }
0x2: {  	s5 =	rddreg [dreg:$0x1]  }
0x3: {  	s1 =	rddreg [dreg:$0x2]  }
0x4: {  	s0 =	rddreg [dreg:$0x3];
	s2 =	simm.s32 $0x0;
	s3 =	srdreg.scid  }
0x5: {  	s8 =	stileid.u32;
	s13 =	simm.s32 $0x8;
	s14 =	simm.s32 $0x0  }
0x6: {  	[smem:$0x7FF] =	sst s2;
	s6 =	sand.u32 $0x1, s3;
	s28 =	sshll.u32 s8, $0x4  }
0x7: {  	s11 =	smul.u32 $0x1C00, s8;
	s3 =	sadd.s32 $0x1600, s5;
	p0 =	sne.s32 s8, $0x0  }
0x8: {  	s8 =	simm.s32 $0x1;
	_ =	strace $0x80000047;
	s7 =	smul.u32 $0x1C000, s6  }
0x9: {  	s9 =	sadd.s32 s28, s5;
	s10 =	sshll.u32 s6, $0x4;
	s29 =	ssub.s32 $0x2, s6  }
0xa: {  	s6 =	sshll.u32 s6, $0x8;
	s10 =	sadd.s32 s10, s5;
	s12 =	sshrl.u32 s29, $0x1  }
0xb: {  	s6 =	sadd.s32 s6, s9;
	s9 =	simm.s32 $0x1C00;
	s7 =	sadd.s32 s11, s7  }
0xc: {  	s30 =	ssub.s32 s29, s12;
	s5 =	sadd.s32 $0x1400, s6;
	s6 =	sadd.s32 $0x1C00, s10  }
0xd: {  	s10 =	sshrl.u32 @!p0 s1, $0x3;
	s11 =	simm.s32 $0x60;
	s31 =	sshrl.u32 s7, $0x3  }
0xe: {  	v0 =	vimm.f32 $1.000000000e+00;
	s12 =	simm.s32 $0x1C80;
	s7 =	smax.u32 s30, $0x1;
	s4 =	sadd.s32 s4, s31  }
.LBB2_1:
0xf: {  	[tilespmem:s2], [sflag:$0x1] =	stream.linear.gather [hbm4b:s4+s2], $0x1A00, $0x38;
	[tilespmem:$0x1F78] =	vst v63  }
0x10: {  	_ =	swait.ge [sflag:s8], $0x1A00  }
0x11: {  	[sflag:s8] =	ssyncset.done $0x0  }
0x12: {  	[sflag:s8] =	ssyncadd.s32 $0xFFFFE600  }
0x13: {  	[tilespmem:s9], [sflag:$0x1] =	stream.linear.gather [hbm4b:s5+s2], $0x80, $0x38;
	[tilespmem:$0x1F78] =	vst v63  }
0x14: {  	_ =	swait.ge [sflag:s8], $0x80  }
0x15: {  	[sflag:s8] =	ssyncset.done $0x0  }
0x16: {  	[sflag:s8] =	ssyncadd.s32 $0xFFFFFF80  }
0x17: {  	[tilespmem:$0x1C80] =	vst v0  }
0x18: {  	[tilespmem:$0x1C90] =	vst v0  }
0x19: {  	[tilespmem:$0x1CA0] =	vst v0  }
0x1a: {  	[tilespmem:$0x1CB0] =	vst v0  }
0x1b: {  	[tilespmem:$0x1CC0] =	vst v0  }
0x1c: {  	s15 =	simm.s32 @!p0 $0x1C01;
	[tilespmem:$0x1CD0] =	vst v0  }
0x1d: {  	[spmem:s10], [sflag:s15] =	dma.local @!p0 [hbm:s3], $0x4F0  }
0x1e: {  	s15 =	simm.s32 @!p0 $0x1  }
0x1f: {  	_ =	swait.ge @!p0 [sflag:s15], $0x4F0  }
0x20: {  	[sflag:s15] =	ssyncset.done @!p0 $0x0  }
0x21: {  	[sflag:s15] =	ssyncadd.s32 @!p0 $0xFFFFFB10  }
0x22: {  	s31 =	simm.s32 $0x0;
	[bflag:$0x0] =	sbarrier.arrive $0xFFFF  }
0x23: {  	[spmem:s1] =	stream.indirect.scatter.add.f32 [tilespmem:s12], [sflag:$0x1], $0x1, s31, s11, $0xb8;
	[tilespmem:$0x1F78] =	vst v63  }
0x24: {  	_ =	swait.ge [sflag:s8], $0x60  }
0x25: {  	s15 =	simm.s32 $0x200;
	[sflag:s8] =	ssyncset.done $0x0  }
.LBB2_2:
0x26: {  	s16 =	sshra.s32 s15, $0x2;
	[sflag:s8] =	ssyncadd.s32 $0xFFFFFFA0;
	p1 =	sne.s32 s15, $0x6600  }
0x27: {  	[spmem:s1] =	stream.indirect.scatter.add.f32 [tilespmem:s12], [sflag:$0x1], $0x1, s16, s11, $0xb8;
	[tilespmem:$0x1F78] =	vst v63  }
.Ltmp0:
0x28: {  	_ = 	snop;
	(pc) =	sbr.rel @p1 .LBB2_2-.Ltmp0, $4  }
0x29: {  	_ = 	snop  }
0x2a: {  	s15 =	sadd.s32 $0x200, s15  }
0x2b: {  	_ =	swait.ge [sflag:s8], $0x60  }
0x2c: {  	[sflag:s8] =	ssyncset.done $0x0  }
0x2d: {  	[sflag:s8] =	ssyncadd.s32 $0xFFFFFFA0  }
0x2e: {  	[spmem:s1] =	stream.indirect.scatter.add.f32 [tilespmem:s12], [sflag:$0x1], $0x1, s9, s13, $0xb8;
	[tilespmem:$0x1F78] =	vst v63  }
0x2f: {  	s15 =	simm.s32 @!p0 $0x1;
	_ =	swait.ge [sflag:s8], $0x8  }
0x30: {  	s16 =	simm.s32 @!p0 $0x20;
	s14 =	sadd.s32 $0x1, s14;
	[sflag:s8] =	ssyncset.done $0x0  }
0x31: {  	s17 =	simm.s32 @!p0 $0x10;
	p1 =	sne.s32 s14, s7;
	[sflag:s8] =	ssyncadd.s32 $0xFFFFFFF8  }
.Ltmp1:
0x32: {  	s18 =	simm.s32 @!p0 $0x1C01;
	[bflag:$0x0] =	sbarrier.arrive $0xFFFF;
	(pc) =	sbr.rel @p1 .LBB2_1-.Ltmp1, $4  }
0x33: {  	[hbm:s6@s16], [sflag:s18] =	dma.strided @!p0 [spmem:s10@s17], $0x4F0, s15, $0x10   }
0x34: {  	_ =	swait.ge @!p0 [sflag:s15], $0x4F0  }
0x35: {  	[sflag:s15] =	ssyncset.done @!p0 $0x0  }
0x36: {  	[sflag:s15] =	ssyncadd.s32 @!p0 $0xFFFFFB10  }
0x37: {  	_ =	sfence.sel $0x180000  }
0x38: {  	[bflag:$0x0] =	sbarrier.arrive $0xFFFF  }
0x39: {  	_ =	strace $0x90000047  }
0x3a: {  	s0 =	sadd.s32 @!p0 $0x100000, s0;
	[bflag:$0x2] =	sbarrier.arrive $0xFFFF  }
0x3b: {  	[sflag:s0] =	ssyncadd.tile.s32 @!p0 $0x1;
	_ =	shalt  }
.Lfunc_end2:
_tile_overlayer_lowered:
.L_overlay_start_2:
0x3c: {  	(tag) =	ssettag $0x2  }
0x3d: {  	s0 =	rddreg [dreg:$0x0];
	s2 =	stileid.u32  }
0x3e: {  	s1 =	rddreg [dreg:$0x1];
	p0 =	sne.s32 s2, $0x0  }
0x3f: {  	s3 =	rddreg [dreg:$0x2];
	[bflag:$0x3] =	sbarrier.arrive $0xFFFF;
	s2 =	simm.s32 @!p0 $0x1C01  }
0x40: {  	[timem:s3], [sflag:s2] =	dma.local @!p0 [hbm:s0], s1  }
0x41: {  	s0 =	simm.s32 @!p0 $0x1  }
0x42: {  	_ =	swait.ge @!p0 [sflag:s0], s1  }
0x43: {  	s1 =	ssub.s32 @!p0 $0x0, s1;
	[sflag:s0] =	ssyncset.done @!p0 $0x0  }
0x44: {  	[sflag:s0] =	ssyncadd.s32 @!p0 s1  }
0x45: {  	[bflag:$0x3] =	sbarrier.arrive $0xFFFF  }
0x46: {  	_ =	shalt  }

</sc_bundles>
